<compile_context>
chip_gen: v7x
topology: tpu7x:2x2x1
jax: 0.10.2.dev20260603
libtpu: 0.0.44.dev20260713+nightly
codegen_flags: <defaults>
</compile_context>

<pallas_src>
import functools
import jax
import jax.numpy as jnp
from jax import lax
from jax.experimental import pallas as pl
from jax.experimental.pallas import tpu as pltpu
from jax.experimental.pallas import tpu_sc as plsc

_B, _N, _D = 4, 4096, 3
_NW = 32
_WPB = _NW // _B
_SL = _N // _WPB
_NCH = _N // 16
_SCH = _SL // 16
_HUGE = 3.0e38


def _direction_pass(cva, cvb, n2b, slice_base, ssum):
    ax, ay, az = cva
    bx, by, bz, b2 = cvb
    lanes = jax.lax.iota(jnp.int32, 16)

    _gdims = lax.GatherDimensionNumbers(
        offset_dims=(), collapsed_slice_dims=(0,), start_index_map=(0,))

    def _bcast(v, k):
        idx = jnp.full((16, 1), k, jnp.int32)
        return lax.gather(v, idx, _gdims, (1,),
                          mode=lax.GatherScatterMode.PROMISE_IN_BOUNDS)

    rot_idx = [jnp.reshape((lanes + r) & 15, (16, 1)) for r in (8, 4, 2, 1)]

    def _hmin_all(v):
        for ri in rot_idx:
            v = jnp.minimum(
                v, lax.gather(v, ri, _gdims, (1,),
                              mode=lax.GatherScatterMode.PROMISE_IN_BOUNDS))
        return v

    _ones = jnp.full((16,), 1.0, jnp.float32)
    _zeros = jnp.zeros((16,), jnp.float32)
    onehots = [jnp.where(lanes == k, _ones, _zeros) for k in range(16)]

    def chunk_body(c, ssum):
        base = slice_base + c * 16
        pxc = ax[pl.ds(base, 16)]
        pyc = ay[pl.ds(base, 16)]
        pzc = az[pl.ds(base, 16)]
        res = jnp.zeros((16,), jnp.float32)
        for half in range(2):
            bxs, bys, bzs = [], [], []
            for k in range(8):
                kk = half * 8 + k
                bxs.append(_bcast(pxc, kk) * (-2.0))
                bys.append(_bcast(pyc, kk) * (-2.0))
                bzs.append(_bcast(pzc, kk) * (-2.0))

            def jbody(j, accs):
                o = j * 16
                gx = bx[pl.ds(o, 16)]
                gy = by[pl.ds(o, 16)]
                gz = bz[pl.ds(o, 16)]
                gg = b2[pl.ds(o, 16)]
                out = []
                for k in range(8):
                    t = gg + bxs[k] * gx
                    t = t + bys[k] * gy
                    t = t + bzs[k] * gz
                    out.append(jnp.minimum(accs[k], t))
                return tuple(out)

            accs = lax.fori_loop(
                0, _NCH, jbody, tuple(jnp.full((16,), _HUGE) for _ in range(8)))
            for k in range(8):
                res = res + _hmin_all(accs[k]) * onehots[half * 8 + k]
        own2 = n2b[pl.ds(base, 16)]
        return ssum + jnp.maximum(res + own2, 0.0)

    return lax.fori_loop(0, _SCH, chunk_body, ssum)


def _sc_body(px_h, py_h, pz_h, gx_h, gy_h, gz_h,
             rpx_h, rpy_h, rpz_h, rgx_h, rgy_h, rgz_h, out_h,
             pxv, pyv, pzv, gxv, gyv, gzv, p2v, g2v, ovec):
    wid = lax.axis_index("s") * 2 + lax.axis_index("c")
    b = wid // _WPB
    slot = wid % _WPB
    bbase = b * _N
    sbase = slot * _SL

    for src, dst in ((px_h, pxv), (py_h, pyv), (pz_h, pzv),
                     (gx_h, gxv), (gy_h, gyv), (gz_h, gzv)):
        pltpu.sync_copy(src.at[pl.ds(bbase, _N)], dst)

    def prep_body(j, _):
        o = j * 16
        for cx, cy, cz, n2 in ((pxv, pyv, pzv, p2v), (gxv, gyv, gzv, g2v)):
            x = cx[pl.ds(o, 16)]
            y = cy[pl.ds(o, 16)]
            z = cz[pl.ds(o, 16)]
            n2[pl.ds(o, 16)] = x * x + y * y + z * z
        return 0

    lax.fori_loop(0, _NCH, prep_body, 0)

    for src, dst in ((rpx_h, pxv), (rpy_h, pyv), (rpz_h, pzv),
                     (rgx_h, gxv), (rgy_h, gyv), (rgz_h, gzv)):
        pltpu.sync_copy(src.at[pl.ds(bbase, _N)], dst)

    ssum = jnp.zeros((16,), jnp.float32)
    ssum = _direction_pass((pxv, pyv, pzv), (gxv, gyv, gzv, g2v), p2v,
                           sbase, ssum)
    ssum = _direction_pass((gxv, gyv, gzv), (pxv, pyv, pzv, p2v), g2v,
                           sbase, ssum)

    ovec[...] = ssum
    pltpu.sync_copy(ovec, out_h.at[wid])


_sc_kernel = functools.partial(
    pl.kernel,
    out_type=jax.ShapeDtypeStruct((_NW, 16), jnp.float32),
    mesh=plsc.VectorSubcoreMesh(core_axis_name="c", subcore_axis_name="s"),
    scratch_types=[pltpu.VMEM((_N,), jnp.float32)] * 8
                  + [pltpu.VMEM((16,), jnp.float32)],
)(_sc_body)


def kernel(pred_pc, gt_pc):
    px = pred_pc[..., 0].reshape(-1)
    py = pred_pc[..., 1].reshape(-1)
    pz = pred_pc[..., 2].reshape(-1)
    gx = gt_pc[..., 0].reshape(-1)
    gy = gt_pc[..., 1].reshape(-1)
    gz = gt_pc[..., 2].reshape(-1)
    def _r(v):
        bits = lax.bitcast_convert_type(v, jnp.int32)
        lsb = lax.shift_right_logical(bits, 16) & 1
        rounded = (bits + 32767 + lsb) & -65536
        return lax.bitcast_convert_type(rounded, jnp.float32)

    part = _sc_kernel(px, py, pz, gx, gy, gz,
                      _r(px), _r(py), _r(pz), _r(gx), _r(gy), _r(gz))
    return jnp.sum(part) * (1.0 / (_B * _N))

# --- scband reference (transcript-rebuilt; emitter-appended) ---
"""Pipeline reference for scband-mpmloss-28114855920185 (READ-ONLY COPY).

The authoritative reference and input builder live on the scoring server;
editing this copy changes nothing except your own understanding.
"""

import jax, jax.numpy as jnp
import numpy as np


def setup_inputs(seed: int = 0) -> dict:
    key = jax.random.key(seed)
    k1, k2 = jax.random.split(key)
    pred_pc = jax.random.normal(k1, (4, 4096, 3), dtype=jnp.float32)
    gt_pc = jax.random.normal(k2, (4, 4096, 3), dtype=jnp.float32)
    return {"pred_pc": pred_pc, "gt_pc": gt_pc}


def _chamfer_l2(pc_in, pc_gt):
    # pc_in: [B, N1, 3], pc_gt: [B, N2, 3]
    # squared euclidean pairwise distances via ||x||^2 + ||y||^2 - 2 x.y
    x2 = jnp.sum(pc_in * pc_in, axis=-1)  # [B, N1]
    y2 = jnp.sum(pc_gt * pc_gt, axis=-1)  # [B, N2]
    xy = jnp.einsum('bnd,bmd->bnm', pc_in, pc_gt)  # [B, N1, N2]
    d = x2[:, :, None] + y2[:, None, :] - 2.0 * xy  # [B, N1, N2]
    d = jnp.maximum(d, 0.0)
    cham_x = jnp.min(d, axis=2)  # [B, N1] nearest gt point for each pred point
    cham_y = jnp.min(d, axis=1)  # [B, N2] nearest pred point for each gt point
    return jnp.mean(cham_x) + jnp.mean(cham_y)


def reference(pred_pc, gt_pc):
    # MPMLoss.forward: dict_loss['recon_loss'] = ChamferDistanceL2Loss()(pred_pc, gt_pc)
    # dict_loss is a plain python dict side-channel; we return the recon_loss tensor.
    recon_loss = _chamfer_l2(pred_pc, gt_pc)
    return recon_loss

if __name__ == "__main__":
    import jax
    _d = setup_inputs()
    print(jax.jit(kernel)(*tuple(_d.values())))

</pallas_src>

<mosaic_0001>
#map = affine_map<(d0, d1) -> (0)>
#map1 = affine_map<(d0, d1) -> (0, 0)>
module attributes {stable_mosaic.version = 14 : i64} {
  func.func @_sc_body(%arg0: i32, %arg1: i32, %arg2: memref<16384xf32, #tpu.memory_space<hbm>>, %arg3: memref<16384xf32, #tpu.memory_space<hbm>>, %arg4: memref<16384xf32, #tpu.memory_space<hbm>>, %arg5: memref<16384xf32, #tpu.memory_space<hbm>>, %arg6: memref<16384xf32, #tpu.memory_space<hbm>>, %arg7: memref<16384xf32, #tpu.memory_space<hbm>>, %arg8: memref<16384xf32, #tpu.memory_space<hbm>>, %arg9: memref<16384xf32, #tpu.memory_space<hbm>>, %arg10: memref<16384xf32, #tpu.memory_space<hbm>>, %arg11: memref<16384xf32, #tpu.memory_space<hbm>>, %arg12: memref<16384xf32, #tpu.memory_space<hbm>>, %arg13: memref<16384xf32, #tpu.memory_space<hbm>>, %arg14: memref<32x16xf32, #tpu.memory_space<hbm>>, %arg15: memref<4096xf32, #tpu.memory_space<vmem>>, %arg16: memref<4096xf32, #tpu.memory_space<vmem>>, %arg17: memref<4096xf32, #tpu.memory_space<vmem>>, %arg18: memref<4096xf32, #tpu.memory_space<vmem>>, %arg19: memref<4096xf32, #tpu.memory_space<vmem>>, %arg20: memref<4096xf32, #tpu.memory_space<vmem>>, %arg21: memref<4096xf32, #tpu.memory_space<vmem>>, %arg22: memref<4096xf32, #tpu.memory_space<vmem>>, %arg23: memref<16xf32, #tpu.memory_space<vmem>>) attributes {dimension_semantics = [#tpu.dimension_semantics<core_parallel>, #tpu.dimension_semantics<subcore_parallel>], iteration_bounds = array<i64: 2, 16>, scalar_prefetch = 0 : i64, scratch_operands = 9 : i64, tpu.core_type = #tpu.core_type<sc_vector_subcore>, window_params = [{transform_indices = #map}, {transform_indices = #map}, {transform_indices = #map}, {transform_indices = #map}, {transform_indices = #map}, {transform_indices = #map}, {transform_indices = #map}, {transform_indices = #map}, {transform_indices = #map}, {transform_indices = #map}, {transform_indices = #map}, {transform_indices = #map}, {transform_indices = #map1}]} {
    %mul3A = arith.constant 2 : i32
    %mul3A_0 = arith.muli %arg1, %mul3A : i32
    %add3A = arith.addi %mul3A_0, %arg0 : i32
    %jit3A = arith.constant 8 : i32
    %div3A = arith.divsi %add3A, %jit3A : i32
    %sign3A = arith.constant 0 : i32
    %sign3A_1 = arith.cmpi sgt, %add3A, %sign3A : i32
    %sign3A_2 = arith.extui %sign3A_1 : i1 to i32
    %sign3A_3 = arith.constant 0 : i32
    %sign3A_4 = arith.cmpi slt, %add3A, %sign3A_3 : i32
    %sign3A_5 = arith.extui %sign3A_4 : i1 to i32
    %sign3A_6 = arith.subi %sign3A_2, %sign3A_5 : i32
    %sign3A_7 = arith.constant 0 : i32
    %sign3A_8 = arith.cmpi sgt, %jit3A, %sign3A_7 : i32
    %sign3A_9 = arith.extui %sign3A_8 : i1 to i32
    %sign3A_10 = arith.constant 0 : i32
    %sign3A_11 = arith.cmpi slt, %jit3A, %sign3A_10 : i32
    %sign3A_12 = arith.extui %sign3A_11 : i1 to i32
    %sign3A_13 = arith.subi %sign3A_9, %sign3A_12 : i32
    %ne3A = arith.cmpi ne, %sign3A_6, %sign3A_13 : i32
    %rem3A = arith.remsi %add3A, %jit3A : i32
    %ne3A_14 = arith.constant 0 : i32
    %ne3A_15 = arith.cmpi ne, %rem3A, %ne3A_14 : i32
    %and3A = arith.andi %ne3A, %ne3A_15 : i1
    %sub3A = arith.constant 1 : i32
    %sub3A_16 = arith.subi %div3A, %sub3A : i32
    %select_n3A = arith.select %and3A, %sub3A_16, %div3A : i32
    %jit3A_17 = arith.constant 8 : i32
    %eq3A = arith.constant 0 : i32
    %eq3A_18 = arith.cmpi eq, %jit3A_17, %eq3A : i32
    %jit3A_19 = arith.constant 1 : i32
    %select_n3A_20 = arith.select %eq3A_18, %jit3A_19, %jit3A_17 : i32
    %rem3A_21 = arith.remsi %add3A, %select_n3A_20 : i32
    %ne3A_22 = arith.constant 0 : i32
    %ne3A_23 = arith.cmpi ne, %rem3A_21, %ne3A_22 : i32
    %lt3A = arith.constant 0 : i32
    %lt3A_24 = arith.cmpi slt, %rem3A_21, %lt3A : i32
    %lt3A_25 = arith.constant 0 : i32
    %lt3A_26 = arith.cmpi slt, %select_n3A_20, %lt3A_25 : i32
    %ne3A_27 = arith.xori %lt3A_24, %lt3A_26 : i1
    %and3A_28 = arith.andi %ne3A_27, %ne3A_23 : i1
    %add3A_29 = arith.addi %rem3A_21, %select_n3A_20 : i32
    %select_n3A_30 = arith.select %and3A_28, %add3A_29, %rem3A_21 : i32
    %mul3A_31 = arith.constant 4096 : i32
    %mul3A_32 = arith.muli %select_n3A, %mul3A_31 : i32
    %mul3A_33 = arith.constant 512 : i32
    %mul3A_34 = arith.muli %select_n3A_30, %mul3A_33 : i32
    "tpu.region"() ({
      %run_scoped3A = tpu.sem_alloc : memref<!tpu.dma_semaphore, #tpu.memory_space<semaphore_mem>>
      %dma_start3A = tpu.memref_slice %arg2[%mul3A_32] : memref<16384xf32, #tpu.memory_space<hbm>> -> memref<4096xf32, #tpu.memory_space<hbm>>
      %dma_start3A_249 = tpu.memref_slice %arg2[%mul3A_32] : memref<16384xf32, #tpu.memory_space<hbm>> -> memref<4096xf32, #tpu.memory_space<hbm>>
      tpu.enqueue_dma source(%dma_start3A_249 : memref<4096xf32, #tpu.memory_space<hbm>>) target(%arg15 : memref<4096xf32, #tpu.memory_space<vmem>>) target_semaphore(%run_scoped3A : memref<!tpu.dma_semaphore, #tpu.memory_space<semaphore_mem>>)
      %dma_wait3A = tpu.memref_slice %arg2[%mul3A_32] : memref<16384xf32, #tpu.memory_space<hbm>> -> memref<4096xf32, #tpu.memory_space<hbm>>
      %dma_wait3A_250 = tpu.memref_slice %arg2[%mul3A_32] : memref<16384xf32, #tpu.memory_space<hbm>> -> memref<4096xf32, #tpu.memory_space<hbm>>
      tpu.wait_dma2 semaphore(%run_scoped3A : memref<!tpu.dma_semaphore, #tpu.memory_space<semaphore_mem>>) src(%dma_wait3A_250 : memref<4096xf32, #tpu.memory_space<hbm>>) dst(%arg15 : memref<4096xf32, #tpu.memory_space<vmem>>)
      tpu.yield
    }) : () -> ()
    "tpu.region"() ({
      %run_scoped3A = tpu.sem_alloc : memref<!tpu.dma_semaphore, #tpu.memory_space<semaphore_mem>>
      %dma_start3A = tpu.memref_slice %arg3[%mul3A_32] : memref<16384xf32, #tpu.memory_space<hbm>> -> memref<4096xf32, #tpu.memory_space<hbm>>
      %dma_start3A_249 = tpu.memref_slice %arg3[%mul3A_32] : memref<16384xf32, #tpu.memory_space<hbm>> -> memref<4096xf32, #tpu.memory_space<hbm>>
      tpu.enqueue_dma source(%dma_start3A_249 : memref<4096xf32, #tpu.memory_space<hbm>>) target(%arg16 : memref<4096xf32, #tpu.memory_space<vmem>>) target_semaphore(%run_scoped3A : memref<!tpu.dma_semaphore, #tpu.memory_space<semaphore_mem>>)
      %dma_wait3A = tpu.memref_slice %arg3[%mul3A_32] : memref<16384xf32, #tpu.memory_space<hbm>> -> memref<4096xf32, #tpu.memory_space<hbm>>
      %dma_wait3A_250 = tpu.memref_slice %arg3[%mul3A_32] : memref<16384xf32, #tpu.memory_space<hbm>> -> memref<4096xf32, #tpu.memory_space<hbm>>
      tpu.wait_dma2 semaphore(%run_scoped3A : memref<!tpu.dma_semaphore, #tpu.memory_space<semaphore_mem>>) src(%dma_wait3A_250 : memref<4096xf32, #tpu.memory_space<hbm>>) dst(%arg16 : memref<4096xf32, #tpu.memory_space<vmem>>)
      tpu.yield
    }) : () -> ()
    "tpu.region"() ({
      %run_scoped3A = tpu.sem_alloc : memref<!tpu.dma_semaphore, #tpu.memory_space<semaphore_mem>>
      %dma_start3A = tpu.memref_slice %arg4[%mul3A_32] : memref<16384xf32, #tpu.memory_space<hbm>> -> memref<4096xf32, #tpu.memory_space<hbm>>
      %dma_start3A_249 = tpu.memref_slice %arg4[%mul3A_32] : memref<16384xf32, #tpu.memory_space<hbm>> -> memref<4096xf32, #tpu.memory_space<hbm>>
      tpu.enqueue_dma source(%dma_start3A_249 : memref<4096xf32, #tpu.memory_space<hbm>>) target(%arg17 : memref<4096xf32, #tpu.memory_space<vmem>>) target_semaphore(%run_scoped3A : memref<!tpu.dma_semaphore, #tpu.memory_space<semaphore_mem>>)
      %dma_wait3A = tpu.memref_slice %arg4[%mul3A_32] : memref<16384xf32, #tpu.memory_space<hbm>> -> memref<4096xf32, #tpu.memory_space<hbm>>
      %dma_wait3A_250 = tpu.memref_slice %arg4[%mul3A_32] : memref<16384xf32, #tpu.memory_space<hbm>> -> memref<4096xf32, #tpu.memory_space<hbm>>
      tpu.wait_dma2 semaphore(%run_scoped3A : memref<!tpu.dma_semaphore, #tpu.memory_space<semaphore_mem>>) src(%dma_wait3A_250 : memref<4096xf32, #tpu.memory_space<hbm>>) dst(%arg17 : memref<4096xf32, #tpu.memory_space<vmem>>)
      tpu.yield
    }) : () -> ()
    "tpu.region"() ({
      %run_scoped3A = tpu.sem_alloc : memref<!tpu.dma_semaphore, #tpu.memory_space<semaphore_mem>>
      %dma_start3A = tpu.memref_slice %arg5[%mul3A_32] : memref<16384xf32, #tpu.memory_space<hbm>> -> memref<4096xf32, #tpu.memory_space<hbm>>
      %dma_start3A_249 = tpu.memref_slice %arg5[%mul3A_32] : memref<16384xf32, #tpu.memory_space<hbm>> -> memref<4096xf32, #tpu.memory_space<hbm>>
      tpu.enqueue_dma source(%dma_start3A_249 : memref<4096xf32, #tpu.memory_space<hbm>>) target(%arg18 : memref<4096xf32, #tpu.memory_space<vmem>>) target_semaphore(%run_scoped3A : memref<!tpu.dma_semaphore, #tpu.memory_space<semaphore_mem>>)
      %dma_wait3A = tpu.memref_slice %arg5[%mul3A_32] : memref<16384xf32, #tpu.memory_space<hbm>> -> memref<4096xf32, #tpu.memory_space<hbm>>
      %dma_wait3A_250 = tpu.memref_slice %arg5[%mul3A_32] : memref<16384xf32, #tpu.memory_space<hbm>> -> memref<4096xf32, #tpu.memory_space<hbm>>
      tpu.wait_dma2 semaphore(%run_scoped3A : memref<!tpu.dma_semaphore, #tpu.memory_space<semaphore_mem>>) src(%dma_wait3A_250 : memref<4096xf32, #tpu.memory_space<hbm>>) dst(%arg18 : memref<4096xf32, #tpu.memory_space<vmem>>)
      tpu.yield
    }) : () -> ()
    "tpu.region"() ({
      %run_scoped3A = tpu.sem_alloc : memref<!tpu.dma_semaphore, #tpu.memory_space<semaphore_mem>>
      %dma_start3A = tpu.memref_slice %arg6[%mul3A_32] : memref<16384xf32, #tpu.memory_space<hbm>> -> memref<4096xf32, #tpu.memory_space<hbm>>
      %dma_start3A_249 = tpu.memref_slice %arg6[%mul3A_32] : memref<16384xf32, #tpu.memory_space<hbm>> -> memref<4096xf32, #tpu.memory_space<hbm>>
      tpu.enqueue_dma source(%dma_start3A_249 : memref<4096xf32, #tpu.memory_space<hbm>>) target(%arg19 : memref<4096xf32, #tpu.memory_space<vmem>>) target_semaphore(%run_scoped3A : memref<!tpu.dma_semaphore, #tpu.memory_space<semaphore_mem>>)
      %dma_wait3A = tpu.memref_slice %arg6[%mul3A_32] : memref<16384xf32, #tpu.memory_space<hbm>> -> memref<4096xf32, #tpu.memory_space<hbm>>
      %dma_wait3A_250 = tpu.memref_slice %arg6[%mul3A_32] : memref<16384xf32, #tpu.memory_space<hbm>> -> memref<4096xf32, #tpu.memory_space<hbm>>
      tpu.wait_dma2 semaphore(%run_scoped3A : memref<!tpu.dma_semaphore, #tpu.memory_space<semaphore_mem>>) src(%dma_wait3A_250 : memref<4096xf32, #tpu.memory_space<hbm>>) dst(%arg19 : memref<4096xf32, #tpu.memory_space<vmem>>)
      tpu.yield
    }) : () -> ()
    "tpu.region"() ({
      %run_scoped3A = tpu.sem_alloc : memref<!tpu.dma_semaphore, #tpu.memory_space<semaphore_mem>>
      %dma_start3A = tpu.memref_slice %arg7[%mul3A_32] : memref<16384xf32, #tpu.memory_space<hbm>> -> memref<4096xf32, #tpu.memory_space<hbm>>
      %dma_start3A_249 = tpu.memref_slice %arg7[%mul3A_32] : memref<16384xf32, #tpu.memory_space<hbm>> -> memref<4096xf32, #tpu.memory_space<hbm>>
      tpu.enqueue_dma source(%dma_start3A_249 : memref<4096xf32, #tpu.memory_space<hbm>>) target(%arg20 : memref<4096xf32, #tpu.memory_space<vmem>>) target_semaphore(%run_scoped3A : memref<!tpu.dma_semaphore, #tpu.memory_space<semaphore_mem>>)
      %dma_wait3A = tpu.memref_slice %arg7[%mul3A_32] : memref<16384xf32, #tpu.memory_space<hbm>> -> memref<4096xf32, #tpu.memory_space<hbm>>
      %dma_wait3A_250 = tpu.memref_slice %arg7[%mul3A_32] : memref<16384xf32, #tpu.memory_space<hbm>> -> memref<4096xf32, #tpu.memory_space<hbm>>
      tpu.wait_dma2 semaphore(%run_scoped3A : memref<!tpu.dma_semaphore, #tpu.memory_space<semaphore_mem>>) src(%dma_wait3A_250 : memref<4096xf32, #tpu.memory_space<hbm>>) dst(%arg20 : memref<4096xf32, #tpu.memory_space<vmem>>)
      tpu.yield
    }) : () -> ()
    %scan3A = arith.constant 0 : i32
    %scan3A_35 = arith.constant 0 : i32
    %scan3A_36 = arith.constant 256 : i32
    %scan3A_37 = arith.addi %scan3A_35, %scan3A_36 : i32
    %scan3A_38 = arith.constant 1 : i32
    %scan3A_39 = scf.for %scan3A_249 = %scan3A_35 to %scan3A_37 step %scan3A_38 iter_args(%scan3A_250 = %scan3A) -> (i32)  : i32 {
      %mul3A_251 = arith.constant 16 : i32
      %mul3A_252 = arith.muli %scan3A_249, %mul3A_251 : i32
      %get3A = arith.index_cast %mul3A_252 : i32 to index
      %get3A_253 = tpu.vector_load %arg15[%get3A] {strides = array<i32>} : memref<4096xf32, #tpu.memory_space<vmem>>, vector<16xf32>,
      %get3A_254 = vector.shape_cast %get3A_253 : vector<16xf32> to vector<16xf32>
      %get3A_255 = arith.index_cast %mul3A_252 : i32 to index
      %get3A_256 = tpu.vector_load %arg16[%get3A_255] {strides = array<i32>} : memref<4096xf32, #tpu.memory_space<vmem>>, vector<16xf32>,
      %get3A_257 = vector.shape_cast %get3A_256 : vector<16xf32> to vector<16xf32>
      %get3A_258 = arith.index_cast %mul3A_252 : i32 to index
      %get3A_259 = tpu.vector_load %arg17[%get3A_258] {strides = array<i32>} : memref<4096xf32, #tpu.memory_space<vmem>>, vector<16xf32>,
      %get3A_260 = vector.shape_cast %get3A_259 : vector<16xf32> to vector<16xf32>
      %mul3A_261 = arith.mulf %get3A_254, %get3A_254 : vector<16xf32>
      %mul3A_262 = arith.mulf %get3A_257, %get3A_257 : vector<16xf32>
      %add3A_263 = arith.addf %mul3A_261, %mul3A_262 : vector<16xf32>
      %mul3A_264 = arith.mulf %get3A_260, %get3A_260 : vector<16xf32>
      %add3A_265 = arith.addf %add3A_263, %mul3A_264 : vector<16xf32>
      %swap3A_266 = arith.index_cast %mul3A_252 : i32 to index
      %swap3A_267 = tpu.vector_load %arg21[%swap3A_266] {strides = array<i32>} : memref<4096xf32, #tpu.memory_space<vmem>>, vector<16xf32>,
      %swap3A_268 = vector.shape_cast %swap3A_267 : vector<16xf32> to vector<16xf32>
      %swap3A_269 = vector.shape_cast %add3A_265 : vector<16xf32> to vector<16xf32>
      tpu.vector_store %arg21[%swap3A_266], %swap3A_269 {strides = array<i32>} : memref<4096xf32, #tpu.memory_space<vmem>>, vector<16xf32>,
      %get3A_270 = arith.index_cast %mul3A_252 : i32 to index
      %get3A_271 = tpu.vector_load %arg18[%get3A_270] {strides = array<i32>} : memref<4096xf32, #tpu.memory_space<vmem>>, vector<16xf32>,
      %get3A_272 = vector.shape_cast %get3A_271 : vector<16xf32> to vector<16xf32>
      %get3A_273 = arith.index_cast %mul3A_252 : i32 to index
      %get3A_274 = tpu.vector_load %arg19[%get3A_273] {strides = array<i32>} : memref<4096xf32, #tpu.memory_space<vmem>>, vector<16xf32>,
      %get3A_275 = vector.shape_cast %get3A_274 : vector<16xf32> to vector<16xf32>
      %get3A_276 = arith.index_cast %mul3A_252 : i32 to index
      %get3A_277 = tpu.vector_load %arg20[%get3A_276] {strides = array<i32>} : memref<4096xf32, #tpu.memory_space<vmem>>, vector<16xf32>,
      %get3A_278 = vector.shape_cast %get3A_277 : vector<16xf32> to vector<16xf32>
      %mul3A_279 = arith.mulf %get3A_272, %get3A_272 : vector<16xf32>
      %mul3A_280 = arith.mulf %get3A_275, %get3A_275 : vector<16xf32>
      %add3A_281 = arith.addf %mul3A_279, %mul3A_280 : vector<16xf32>
      %mul3A_282 = arith.mulf %get3A_278, %get3A_278 : vector<16xf32>
      %add3A_283 = arith.addf %add3A_281, %mul3A_282 : vector<16xf32>
      %swap3A_284 = arith.index_cast %mul3A_252 : i32 to index
      %swap3A_285 = tpu.vector_load %arg22[%swap3A_284] {strides = array<i32>} : memref<4096xf32, #tpu.memory_space<vmem>>, vector<16xf32>,
      %swap3A_286 = vector.shape_cast %swap3A_285 : vector<16xf32> to vector<16xf32>
      %swap3A_287 = vector.shape_cast %add3A_283 : vector<16xf32> to vector<16xf32>
      tpu.vector_store %arg22[%swap3A_284], %swap3A_287 {strides = array<i32>} : memref<4096xf32, #tpu.memory_space<vmem>>, vector<16xf32>,
      %scan3A_288 = arith.constant 0 : i32
      scf.yield %scan3A_288 : i32
    }
    %scan3A_40 = arith.constant 256 : i32
    "tpu.region"() ({
      %run_scoped3A = tpu.sem_alloc : memref<!tpu.dma_semaphore, #tpu.memory_space<semaphore_mem>>
      %dma_start3A = tpu.memref_slice %arg8[%mul3A_32] : memref<16384xf32, #tpu.memory_space<hbm>> -> memref<4096xf32, #tpu.memory_space<hbm>>
      %dma_start3A_249 = tpu.memref_slice %arg8[%mul3A_32] : memref<16384xf32, #tpu.memory_space<hbm>> -> memref<4096xf32, #tpu.memory_space<hbm>>
      tpu.enqueue_dma source(%dma_start3A_249 : memref<4096xf32, #tpu.memory_space<hbm>>) target(%arg15 : memref<4096xf32, #tpu.memory_space<vmem>>) target_semaphore(%run_scoped3A : memref<!tpu.dma_semaphore, #tpu.memory_space<semaphore_mem>>)
      %dma_wait3A = tpu.memref_slice %arg8[%mul3A_32] : memref<16384xf32, #tpu.memory_space<hbm>> -> memref<4096xf32, #tpu.memory_space<hbm>>
      %dma_wait3A_250 = tpu.memref_slice %arg8[%mul3A_32] : memref<16384xf32, #tpu.memory_space<hbm>> -> memref<4096xf32, #tpu.memory_space<hbm>>
      tpu.wait_dma2 semaphore(%run_scoped3A : memref<!tpu.dma_semaphore, #tpu.memory_space<semaphore_mem>>) src(%dma_wait3A_250 : memref<4096xf32, #tpu.memory_space<hbm>>) dst(%arg15 : memref<4096xf32, #tpu.memory_space<vmem>>)
      tpu.yield
    }) : () -> ()
    "tpu.region"() ({
      %run_scoped3A = tpu.sem_alloc : memref<!tpu.dma_semaphore, #tpu.memory_space<semaphore_mem>>
      %dma_start3A = tpu.memref_slice %arg9[%mul3A_32] : memref<16384xf32, #tpu.memory_space<hbm>> -> memref<4096xf32, #tpu.memory_space<hbm>>
      %dma_start3A_249 = tpu.memref_slice %arg9[%mul3A_32] : memref<16384xf32, #tpu.memory_space<hbm>> -> memref<4096xf32, #tpu.memory_space<hbm>>
      tpu.enqueue_dma source(%dma_start3A_249 : memref<4096xf32, #tpu.memory_space<hbm>>) target(%arg16 : memref<4096xf32, #tpu.memory_space<vmem>>) target_semaphore(%run_scoped3A : memref<!tpu.dma_semaphore, #tpu.memory_space<semaphore_mem>>)
      %dma_wait3A = tpu.memref_slice %arg9[%mul3A_32] : memref<16384xf32, #tpu.memory_space<hbm>> -> memref<4096xf32, #tpu.memory_space<hbm>>
      %dma_wait3A_250 = tpu.memref_slice %arg9[%mul3A_32] : memref<16384xf32, #tpu.memory_space<hbm>> -> memref<4096xf32, #tpu.memory_space<hbm>>
      tpu.wait_dma2 semaphore(%run_scoped3A : memref<!tpu.dma_semaphore, #tpu.memory_space<semaphore_mem>>) src(%dma_wait3A_250 : memref<4096xf32, #tpu.memory_space<hbm>>) dst(%arg16 : memref<4096xf32, #tpu.memory_space<vmem>>)
      tpu.yield
    }) : () -> ()
    "tpu.region"() ({
      %run_scoped3A = tpu.sem_alloc : memref<!tpu.dma_semaphore, #tpu.memory_space<semaphore_mem>>
      %dma_start3A = tpu.memref_slice %arg10[%mul3A_32] : memref<16384xf32, #tpu.memory_space<hbm>> -> memref<4096xf32, #tpu.memory_space<hbm>>
      %dma_start3A_249 = tpu.memref_slice %arg10[%mul3A_32] : memref<16384xf32, #tpu.memory_space<hbm>> -> memref<4096xf32, #tpu.memory_space<hbm>>
      tpu.enqueue_dma source(%dma_start3A_249 : memref<4096xf32, #tpu.memory_space<hbm>>) target(%arg17 : memref<4096xf32, #tpu.memory_space<vmem>>) target_semaphore(%run_scoped3A : memref<!tpu.dma_semaphore, #tpu.memory_space<semaphore_mem>>)
      %dma_wait3A = tpu.memref_slice %arg10[%mul3A_32] : memref<16384xf32, #tpu.memory_space<hbm>> -> memref<4096xf32, #tpu.memory_space<hbm>>
      %dma_wait3A_250 = tpu.memref_slice %arg10[%mul3A_32] : memref<16384xf32, #tpu.memory_space<hbm>> -> memref<4096xf32, #tpu.memory_space<hbm>>
      tpu.wait_dma2 semaphore(%run_scoped3A : memref<!tpu.dma_semaphore, #tpu.memory_space<semaphore_mem>>) src(%dma_wait3A_250 : memref<4096xf32, #tpu.memory_space<hbm>>) dst(%arg17 : memref<4096xf32, #tpu.memory_space<vmem>>)
      tpu.yield
    }) : () -> ()
    "tpu.region"() ({
      %run_scoped3A = tpu.sem_alloc : memref<!tpu.dma_semaphore, #tpu.memory_space<semaphore_mem>>
      %dma_start3A = tpu.memref_slice %arg11[%mul3A_32] : memref<16384xf32, #tpu.memory_space<hbm>> -> memref<4096xf32, #tpu.memory_space<hbm>>
      %dma_start3A_249 = tpu.memref_slice %arg11[%mul3A_32] : memref<16384xf32, #tpu.memory_space<hbm>> -> memref<4096xf32, #tpu.memory_space<hbm>>
      tpu.enqueue_dma source(%dma_start3A_249 : memref<4096xf32, #tpu.memory_space<hbm>>) target(%arg18 : memref<4096xf32, #tpu.memory_space<vmem>>) target_semaphore(%run_scoped3A : memref<!tpu.dma_semaphore, #tpu.memory_space<semaphore_mem>>)
      %dma_wait3A = tpu.memref_slice %arg11[%mul3A_32] : memref<16384xf32, #tpu.memory_space<hbm>> -> memref<4096xf32, #tpu.memory_space<hbm>>
      %dma_wait3A_250 = tpu.memref_slice %arg11[%mul3A_32] : memref<16384xf32, #tpu.memory_space<hbm>> -> memref<4096xf32, #tpu.memory_space<hbm>>
      tpu.wait_dma2 semaphore(%run_scoped3A : memref<!tpu.dma_semaphore, #tpu.memory_space<semaphore_mem>>) src(%dma_wait3A_250 : memref<4096xf32, #tpu.memory_space<hbm>>) dst(%arg18 : memref<4096xf32, #tpu.memory_space<vmem>>)
      tpu.yield
    }) : () -> ()
    "tpu.region"() ({
      %run_scoped3A = tpu.sem_alloc : memref<!tpu.dma_semaphore, #tpu.memory_space<semaphore_mem>>
      %dma_start3A = tpu.memref_slice %arg12[%mul3A_32] : memref<16384xf32, #tpu.memory_space<hbm>> -> memref<4096xf32, #tpu.memory_space<hbm>>
      %dma_start3A_249 = tpu.memref_slice %arg12[%mul3A_32] : memref<16384xf32, #tpu.memory_space<hbm>> -> memref<4096xf32, #tpu.memory_space<hbm>>
      tpu.enqueue_dma source(%dma_start3A_249 : memref<4096xf32, #tpu.memory_space<hbm>>) target(%arg19 : memref<4096xf32, #tpu.memory_space<vmem>>) target_semaphore(%run_scoped3A : memref<!tpu.dma_semaphore, #tpu.memory_space<semaphore_mem>>)
      %dma_wait3A = tpu.memref_slice %arg12[%mul3A_32] : memref<16384xf32, #tpu.memory_space<hbm>> -> memref<4096xf32, #tpu.memory_space<hbm>>
      %dma_wait3A_250 = tpu.memref_slice %arg12[%mul3A_32] : memref<16384xf32, #tpu.memory_space<hbm>> -> memref<4096xf32, #tpu.memory_space<hbm>>
      tpu.wait_dma2 semaphore(%run_scoped3A : memref<!tpu.dma_semaphore, #tpu.memory_space<semaphore_mem>>) src(%dma_wait3A_250 : memref<4096xf32, #tpu.memory_space<hbm>>) dst(%arg19 : memref<4096xf32, #tpu.memory_space<vmem>>)
      tpu.yield
    }) : () -> ()
    "tpu.region"() ({
      %run_scoped3A = tpu.sem_alloc : memref<!tpu.dma_semaphore, #tpu.memory_space<semaphore_mem>>
      %dma_start3A = tpu.memref_slice %arg13[%mul3A_32] : memref<16384xf32, #tpu.memory_space<hbm>> -> memref<4096xf32, #tpu.memory_space<hbm>>
      %dma_start3A_249 = tpu.memref_slice %arg13[%mul3A_32] : memref<16384xf32, #tpu.memory_space<hbm>> -> memref<4096xf32, #tpu.memory_space<hbm>>
      tpu.enqueue_dma source(%dma_start3A_249 : memref<4096xf32, #tpu.memory_space<hbm>>) target(%arg20 : memref<4096xf32, #tpu.memory_space<vmem>>) target_semaphore(%run_scoped3A : memref<!tpu.dma_semaphore, #tpu.memory_space<semaphore_mem>>)
      %dma_wait3A = tpu.memref_slice %arg13[%mul3A_32] : memref<16384xf32, #tpu.memory_space<hbm>> -> memref<4096xf32, #tpu.memory_space<hbm>>
      %dma_wait3A_250 = tpu.memref_slice %arg13[%mul3A_32] : memref<16384xf32, #tpu.memory_space<hbm>> -> memref<4096xf32, #tpu.memory_space<hbm>>
      tpu.wait_dma2 semaphore(%run_scoped3A : memref<!tpu.dma_semaphore, #tpu.memory_space<semaphore_mem>>) src(%dma_wait3A_250 : memref<4096xf32, #tpu.memory_space<hbm>>) dst(%arg20 : memref<4096xf32, #tpu.memory_space<vmem>>)
      tpu.yield
    }) : () -> ()
    %broadcast_in_dim3A = arith.constant 0.000000e+00 : f32
    %broadcast_in_dim3A_41 = vector.broadcast %broadcast_in_dim3A : f32 to vector<16xf32>
    %iota3A = tpu.iota {dimensions = array<i32: 0>} : vector<16xi32>
    %add3A_42 = arith.constant 8 : i32
    %add3A_43 = vector.broadcast %add3A_42 : i32 to vector<16xi32>
    %add3A_44 = arith.addi %iota3A, %add3A_43 : vector<16xi32>
    %and3A_45 = arith.constant 15 : i32
    %and3A_46 = vector.broadcast %and3A_45 : i32 to vector<16xi32>
    %and3A_47 = arith.andi %add3A_44, %and3A_46 : vector<16xi32>
    %reshape3A = vector.shape_cast %and3A_47 : vector<16xi32> to vector<16x1xi32>
    %add3A_48 = arith.constant 4 : i32
    %add3A_49 = vector.broadcast %add3A_48 : i32 to vector<16xi32>
    %add3A_50 = arith.addi %iota3A, %add3A_49 : vector<16xi32>
    %and3A_51 = arith.constant 15 : i32
    %and3A_52 = vector.broadcast %and3A_51 : i32 to vector<16xi32>
    %and3A_53 = arith.andi %add3A_50, %and3A_52 : vector<16xi32>
    %reshape3A_54 = vector.shape_cast %and3A_53 : vector<16xi32> to vector<16x1xi32>
    %add3A_55 = arith.constant 2 : i32
    %add3A_56 = vector.broadcast %add3A_55 : i32 to vector<16xi32>
    %add3A_57 = arith.addi %iota3A, %add3A_56 : vector<16xi32>
    %and3A_58 = arith.constant 15 : i32
    %and3A_59 = vector.broadcast %and3A_58 : i32 to vector<16xi32>
    %and3A_60 = arith.andi %add3A_57, %and3A_59 : vector<16xi32>
    %reshape3A_61 = vector.shape_cast %and3A_60 : vector<16xi32> to vector<16x1xi32>
    %add3A_62 = arith.constant 1 : i32
    %add3A_63 = vector.broadcast %add3A_62 : i32 to vector<16xi32>
    %add3A_64 = arith.addi %iota3A, %add3A_63 : vector<16xi32>
    %and3A_65 = arith.constant 15 : i32
    %and3A_66 = vector.broadcast %and3A_65 : i32 to vector<16xi32>
    %and3A_67 = arith.andi %add3A_64, %and3A_66 : vector<16xi32>
    %reshape3A_68 = vector.shape_cast %and3A_67 : vector<16xi32> to vector<16x1xi32>
    %broadcast_in_dim3A_69 = arith.constant 1.000000e+00 : f32
    %broadcast_in_dim3A_70 = vector.broadcast %broadcast_in_dim3A_69 : f32 to vector<16xf32>
    %broadcast_in_dim3A_71 = arith.constant 0.000000e+00 : f32
    %broadcast_in_dim3A_72 = vector.broadcast %broadcast_in_dim3A_71 : f32 to vector<16xf32>
    %eq3A_73 = arith.constant 0 : i32
    %eq3A_74 = vector.broadcast %eq3A_73 : i32 to vector<16xi32>
    %eq3A_75 = arith.cmpi eq, %iota3A, %eq3A_74 : vector<16xi32>
    %select_n3A_76 = arith.select %eq3A_75, %broadcast_in_dim3A_70, %broadcast_in_dim3A_72 : vector<16xi1>, vector<16xf32>
    %eq3A_77 = arith.constant 1 : i32
    %eq3A_78 = vector.broadcast %eq3A_77 : i32 to vector<16xi32>
    %eq3A_79 = arith.cmpi eq, %iota3A, %eq3A_78 : vector<16xi32>
    %select_n3A_80 = arith.select %eq3A_79, %broadcast_in_dim3A_70, %broadcast_in_dim3A_72 : vector<16xi1>, vector<16xf32>
    %eq3A_81 = arith.constant 2 : i32
    %eq3A_82 = vector.broadcast %eq3A_81 : i32 to vector<16xi32>
    %eq3A_83 = arith.cmpi eq, %iota3A, %eq3A_82 : vector<16xi32>
    %select_n3A_84 = arith.select %eq3A_83, %broadcast_in_dim3A_70, %broadcast_in_dim3A_72 : vector<16xi1>, vector<16xf32>
    %eq3A_85 = arith.constant 3 : i32
    %eq3A_86 = vector.broadcast %eq3A_85 : i32 to vector<16xi32>
    %eq3A_87 = arith.cmpi eq, %iota3A, %eq3A_86 : vector<16xi32>
    %select_n3A_88 = arith.select %eq3A_87, %broadcast_in_dim3A_70, %broadcast_in_dim3A_72 : vector<16xi1>, vector<16xf32>
    %eq3A_89 = arith.constant 4 : i32
    %eq3A_90 = vector.broadcast %eq3A_89 : i32 to vector<16xi32>
    %eq3A_91 = arith.cmpi eq, %iota3A, %eq3A_90 : vector<16xi32>
    %select_n3A_92 = arith.select %eq3A_91, %broadcast_in_dim3A_70, %broadcast_in_dim3A_72 : vector<16xi1>, vector<16xf32>
    %eq3A_93 = arith.constant 5 : i32
    %eq3A_94 = vector.broadcast %eq3A_93 : i32 to vector<16xi32>
    %eq3A_95 = arith.cmpi eq, %iota3A, %eq3A_94 : vector<16xi32>
    %select_n3A_96 = arith.select %eq3A_95, %broadcast_in_dim3A_70, %broadcast_in_dim3A_72 : vector<16xi1>, vector<16xf32>
    %eq3A_97 = arith.constant 6 : i32
    %eq3A_98 = vector.broadcast %eq3A_97 : i32 to vector<16xi32>
    %eq3A_99 = arith.cmpi eq, %iota3A, %eq3A_98 : vector<16xi32>
    %select_n3A_100 = arith.select %eq3A_99, %broadcast_in_dim3A_70, %broadcast_in_dim3A_72 : vector<16xi1>, vector<16xf32>
    %eq3A_101 = arith.constant 7 : i32
    %eq3A_102 = vector.broadcast %eq3A_101 : i32 to vector<16xi32>
    %eq3A_103 = arith.cmpi eq, %iota3A, %eq3A_102 : vector<16xi32>
    %select_n3A_104 = arith.select %eq3A_103, %broadcast_in_dim3A_70, %broadcast_in_dim3A_72 : vector<16xi1>, vector<16xf32>
    %eq3A_105 = arith.constant 8 : i32
    %eq3A_106 = vector.broadcast %eq3A_105 : i32 to vector<16xi32>
    %eq3A_107 = arith.cmpi eq, %iota3A, %eq3A_106 : vector<16xi32>
    %select_n3A_108 = arith.select %eq3A_107, %broadcast_in_dim3A_70, %broadcast_in_dim3A_72 : vector<16xi1>, vector<16xf32>
    %eq3A_109 = arith.constant 9 : i32
    %eq3A_110 = vector.broadcast %eq3A_109 : i32 to vector<16xi32>
    %eq3A_111 = arith.cmpi eq, %iota3A, %eq3A_110 : vector<16xi32>
    %select_n3A_112 = arith.select %eq3A_111, %broadcast_in_dim3A_70, %broadcast_in_dim3A_72 : vector<16xi1>, vector<16xf32>
    %eq3A_113 = arith.constant 10 : i32
    %eq3A_114 = vector.broadcast %eq3A_113 : i32 to vector<16xi32>
    %eq3A_115 = arith.cmpi eq, %iota3A, %eq3A_114 : vector<16xi32>
    %select_n3A_116 = arith.select %eq3A_115, %broadcast_in_dim3A_70, %broadcast_in_dim3A_72 : vector<16xi1>, vector<16xf32>
    %eq3A_117 = arith.constant 11 : i32
    %eq3A_118 = vector.broadcast %eq3A_117 : i32 to vector<16xi32>
    %eq3A_119 = arith.cmpi eq, %iota3A, %eq3A_118 : vector<16xi32>
    %select_n3A_120 = arith.select %eq3A_119, %broadcast_in_dim3A_70, %broadcast_in_dim3A_72 : vector<16xi1>, vector<16xf32>
    %eq3A_121 = arith.constant 12 : i32
    %eq3A_122 = vector.broadcast %eq3A_121 : i32 to vector<16xi32>
    %eq3A_123 = arith.cmpi eq, %iota3A, %eq3A_122 : vector<16xi32>
    %select_n3A_124 = arith.select %eq3A_123, %broadcast_in_dim3A_70, %broadcast_in_dim3A_72 : vector<16xi1>, vector<16xf32>
    %eq3A_125 = arith.constant 13 : i32
    %eq3A_126 = vector.broadcast %eq3A_125 : i32 to vector<16xi32>
    %eq3A_127 = arith.cmpi eq, %iota3A, %eq3A_126 : vector<16xi32>
    %select_n3A_128 = arith.select %eq3A_127, %broadcast_in_dim3A_70, %broadcast_in_dim3A_72 : vector<16xi1>, vector<16xf32>
    %eq3A_129 = arith.constant 14 : i32
    %eq3A_130 = vector.broadcast %eq3A_129 : i32 to vector<16xi32>
    %eq3A_131 = arith.cmpi eq, %iota3A, %eq3A_130 : vector<16xi32>
    %select_n3A_132 = arith.select %eq3A_131, %broadcast_in_dim3A_70, %broadcast_in_dim3A_72 : vector<16xi1>, vector<16xf32>
    %eq3A_133 = arith.constant 15 : i32
    %eq3A_134 = vector.broadcast %eq3A_133 : i32 to vector<16xi32>
    %eq3A_135 = arith.cmpi eq, %iota3A, %eq3A_134 : vector<16xi32>
    %select_n3A_136 = arith.select %eq3A_135, %broadcast_in_dim3A_70, %broadcast_in_dim3A_72 : vector<16xi1>, vector<16xf32>
    %scan3A_137 = arith.constant 0 : i32
    %scan3A_138 = arith.constant 32 : i32
    %scan3A_139 = arith.addi %scan3A_137, %scan3A_138 : i32
    %scan3A_140 = arith.constant 1 : i32
    %scan3A_141 = scf.for %scan3A_249 = %scan3A_137 to %scan3A_139 step %scan3A_140 iter_args(%scan3A_250 = %broadcast_in_dim3A_41) -> (vector<16xf32>)  : i32 {
      %mul3A_251 = arith.constant 16 : i32
      %mul3A_252 = arith.muli %scan3A_249, %mul3A_251 : i32
      %add3A_253 = arith.addi %mul3A_34, %mul3A_252 : i32
      %get3A = arith.index_cast %add3A_253 : i32 to index
      %get3A_254 = tpu.vector_load %arg15[%get3A] {strides = array<i32>} : memref<4096xf32, #tpu.memory_space<vmem>>, vector<16xf32>,
      %get3A_255 = vector.shape_cast %get3A_254 : vector<16xf32> to vector<16xf32>
      %get3A_256 = arith.index_cast %add3A_253 : i32 to index
      %get3A_257 = tpu.vector_load %arg16[%get3A_256] {strides = array<i32>} : memref<4096xf32, #tpu.memory_space<vmem>>, vector<16xf32>,
      %get3A_258 = vector.shape_cast %get3A_257 : vector<16xf32> to vector<16xf32>
      %get3A_259 = arith.index_cast %add3A_253 : i32 to index
      %get3A_260 = tpu.vector_load %arg17[%get3A_259] {strides = array<i32>} : memref<4096xf32, #tpu.memory_space<vmem>>, vector<16xf32>,
      %get3A_261 = vector.shape_cast %get3A_260 : vector<16xf32> to vector<16xf32>
      %broadcast_in_dim3A_262 = arith.constant 0.000000e+00 : f32
      %broadcast_in_dim3A_263 = vector.broadcast %broadcast_in_dim3A_262 : f32 to vector<16xf32>
      %broadcast_in_dim3A_264 = arith.constant 0 : i32
      %broadcast_in_dim3A_265 = vector.broadcast %broadcast_in_dim3A_264 : i32 to vector<16x1xi32>
      %gather3A = vector.shape_cast %broadcast_in_dim3A_265 : vector<16x1xi32> to vector<16xi32>
      %gather3A_266 = tpu.dynamic_gather %get3A_255[%gather3A] in [0] : vector<16xf32>, vector<16xi32> -> vector<16xf32>
      %mul3A_267 = arith.constant -2.000000e+00 : f32
      %mul3A_268 = vector.broadcast %mul3A_267 : f32 to vector<16xf32>
      %mul3A_269 = arith.mulf %gather3A_266, %mul3A_268 : vector<16xf32>
      %broadcast_in_dim3A_270 = arith.constant 0 : i32
      %broadcast_in_dim3A_271 = vector.broadcast %broadcast_in_dim3A_270 : i32 to vector<16x1xi32>
      %gather3A_272 = vector.shape_cast %broadcast_in_dim3A_271 : vector<16x1xi32> to vector<16xi32>
      %gather3A_273 = tpu.dynamic_gather %get3A_258[%gather3A_272] in [0] : vector<16xf32>, vector<16xi32> -> vector<16xf32>
      %mul3A_274 = arith.constant -2.000000e+00 : f32
      %mul3A_275 = vector.broadcast %mul3A_274 : f32 to vector<16xf32>
      %mul3A_276 = arith.mulf %gather3A_273, %mul3A_275 : vector<16xf32>
      %broadcast_in_dim3A_277 = arith.constant 0 : i32
      %broadcast_in_dim3A_278 = vector.broadcast %broadcast_in_dim3A_277 : i32 to vector<16x1xi32>
      %gather3A_279 = vector.shape_cast %broadcast_in_dim3A_278 : vector<16x1xi32> to vector<16xi32>
      %gather3A_280 = tpu.dynamic_gather %get3A_261[%gather3A_279] in [0] : vector<16xf32>, vector<16xi32> -> vector<16xf32>
      %mul3A_281 = arith.constant -2.000000e+00 : f32
      %mul3A_282 = vector.broadcast %mul3A_281 : f32 to vector<16xf32>
      %mul3A_283 = arith.mulf %gather3A_280, %mul3A_282 : vector<16xf32>
      %broadcast_in_dim3A_284 = arith.constant 1 : i32
      %broadcast_in_dim3A_285 = vector.broadcast %broadcast_in_dim3A_284 : i32 to vector<16x1xi32>
      %gather3A_286 = vector.shape_cast %broadcast_in_dim3A_285 : vector<16x1xi32> to vector<16xi32>
      %gather3A_287 = tpu.dynamic_gather %get3A_255[%gather3A_286] in [0] : vector<16xf32>, vector<16xi32> -> vector<16xf32>
      %mul3A_288 = arith.constant -2.000000e+00 : f32
      %mul3A_289 = vector.broadcast %mul3A_288 : f32 to vector<16xf32>
      %mul3A_290 = arith.mulf %gather3A_287, %mul3A_289 : vector<16xf32>
      %broadcast_in_dim3A_291 = arith.constant 1 : i32
      %broadcast_in_dim3A_292 = vector.broadcast %broadcast_in_dim3A_291 : i32 to vector<16x1xi32>
      %gather3A_293 = vector.shape_cast %broadcast_in_dim3A_292 : vector<16x1xi32> to vector<16xi32>
      %gather3A_294 = tpu.dynamic_gather %get3A_258[%gather3A_293] in [0] : vector<16xf32>, vector<16xi32> -> vector<16xf32>
      %mul3A_295 = arith.constant -2.000000e+00 : f32
      %mul3A_296 = vector.broadcast %mul3A_295 : f32 to vector<16xf32>
      %mul3A_297 = arith.mulf %gather3A_294, %mul3A_296 : vector<16xf32>
      %broadcast_in_dim3A_298 = arith.constant 1 : i32
      %broadcast_in_dim3A_299 = vector.broadcast %broadcast_in_dim3A_298 : i32 to vector<16x1xi32>
      %gather3A_300 = vector.shape_cast %broadcast_in_dim3A_299 : vector<16x1xi32> to vector<16xi32>
      %gather3A_301 = tpu.dynamic_gather %get3A_261[%gather3A_300] in [0] : vector<16xf32>, vector<16xi32> -> vector<16xf32>
      %mul3A_302 = arith.constant -2.000000e+00 : f32
      %mul3A_303 = vector.broadcast %mul3A_302 : f32 to vector<16xf32>
      %mul3A_304 = arith.mulf %gather3A_301, %mul3A_303 : vector<16xf32>
      %broadcast_in_dim3A_305 = arith.constant 2 : i32
      %broadcast_in_dim3A_306 = vector.broadcast %broadcast_in_dim3A_305 : i32 to vector<16x1xi32>
      %gather3A_307 = vector.shape_cast %broadcast_in_dim3A_306 : vector<16x1xi32> to vector<16xi32>
      %gather3A_308 = tpu.dynamic_gather %get3A_255[%gather3A_307] in [0] : vector<16xf32>, vector<16xi32> -> vector<16xf32>
      %mul3A_309 = arith.constant -2.000000e+00 : f32
      %mul3A_310 = vector.broadcast %mul3A_309 : f32 to vector<16xf32>
      %mul3A_311 = arith.mulf %gather3A_308, %mul3A_310 : vector<16xf32>
      %broadcast_in_dim3A_312 = arith.constant 2 : i32
      %broadcast_in_dim3A_313 = vector.broadcast %broadcast_in_dim3A_312 : i32 to vector<16x1xi32>
      %gather3A_314 = vector.shape_cast %broadcast_in_dim3A_313 : vector<16x1xi32> to vector<16xi32>
      %gather3A_315 = tpu.dynamic_gather %get3A_258[%gather3A_314] in [0] : vector<16xf32>, vector<16xi32> -> vector<16xf32>
      %mul3A_316 = arith.constant -2.000000e+00 : f32
      %mul3A_317 = vector.broadcast %mul3A_316 : f32 to vector<16xf32>
      %mul3A_318 = arith.mulf %gather3A_315, %mul3A_317 : vector<16xf32>
      %broadcast_in_dim3A_319 = arith.constant 2 : i32
      %broadcast_in_dim3A_320 = vector.broadcast %broadcast_in_dim3A_319 : i32 to vector<16x1xi32>
      %gather3A_321 = vector.shape_cast %broadcast_in_dim3A_320 : vector<16x1xi32> to vector<16xi32>
      %gather3A_322 = tpu.dynamic_gather %get3A_261[%gather3A_321] in [0] : vector<16xf32>, vector<16xi32> -> vector<16xf32>
      %mul3A_323 = arith.constant -2.000000e+00 : f32
      %mul3A_324 = vector.broadcast %mul3A_323 : f32 to vector<16xf32>
      %mul3A_325 = arith.mulf %gather3A_322, %mul3A_324 : vector<16xf32>
      %broadcast_in_dim3A_326 = arith.constant 3 : i32
      %broadcast_in_dim3A_327 = vector.broadcast %broadcast_in_dim3A_326 : i32 to vector<16x1xi32>
      %gather3A_328 = vector.shape_cast %broadcast_in_dim3A_327 : vector<16x1xi32> to vector<16xi32>
      %gather3A_329 = tpu.dynamic_gather %get3A_255[%gather3A_328] in [0] : vector<16xf32>, vector<16xi32> -> vector<16xf32>
      %mul3A_330 = arith.constant -2.000000e+00 : f32
      %mul3A_331 = vector.broadcast %mul3A_330 : f32 to vector<16xf32>
      %mul3A_332 = arith.mulf %gather3A_329, %mul3A_331 : vector<16xf32>
      %broadcast_in_dim3A_333 = arith.constant 3 : i32
      %broadcast_in_dim3A_334 = vector.broadcast %broadcast_in_dim3A_333 : i32 to vector<16x1xi32>
      %gather3A_335 = vector.shape_cast %broadcast_in_dim3A_334 : vector<16x1xi32> to vector<16xi32>
      %gather3A_336 = tpu.dynamic_gather %get3A_258[%gather3A_335] in [0] : vector<16xf32>, vector<16xi32> -> vector<16xf32>
      %mul3A_337 = arith.constant -2.000000e+00 : f32
      %mul3A_338 = vector.broadcast %mul3A_337 : f32 to vector<16xf32>
      %mul3A_339 = arith.mulf %gather3A_336, %mul3A_338 : vector<16xf32>
      %broadcast_in_dim3A_340 = arith.constant 3 : i32
      %broadcast_in_dim3A_341 = vector.broadcast %broadcast_in_dim3A_340 : i32 to vector<16x1xi32>
      %gather3A_342 = vector.shape_cast %broadcast_in_dim3A_341 : vector<16x1xi32> to vector<16xi32>
      %gather3A_343 = tpu.dynamic_gather %get3A_261[%gather3A_342] in [0] : vector<16xf32>, vector<16xi32> -> vector<16xf32>
      %mul3A_344 = arith.constant -2.000000e+00 : f32
      %mul3A_345 = vector.broadcast %mul3A_344 : f32 to vector<16xf32>
      %mul3A_346 = arith.mulf %gather3A_343, %mul3A_345 : vector<16xf32>
      %broadcast_in_dim3A_347 = arith.constant 4 : i32
      %broadcast_in_dim3A_348 = vector.broadcast %broadcast_in_dim3A_347 : i32 to vector<16x1xi32>
      %gather3A_349 = vector.shape_cast %broadcast_in_dim3A_348 : vector<16x1xi32> to vector<16xi32>
      %gather3A_350 = tpu.dynamic_gather %get3A_255[%gather3A_349] in [0] : vector<16xf32>, vector<16xi32> -> vector<16xf32>
      %mul3A_351 = arith.constant -2.000000e+00 : f32
      %mul3A_352 = vector.broadcast %mul3A_351 : f32 to vector<16xf32>
      %mul3A_353 = arith.mulf %gather3A_350, %mul3A_352 : vector<16xf32>
      %broadcast_in_dim3A_354 = arith.constant 4 : i32
      %broadcast_in_dim3A_355 = vector.broadcast %broadcast_in_dim3A_354 : i32 to vector<16x1xi32>
      %gather3A_356 = vector.shape_cast %broadcast_in_dim3A_355 : vector<16x1xi32> to vector<16xi32>
      %gather3A_357 = tpu.dynamic_gather %get3A_258[%gather3A_356] in [0] : vector<16xf32>, vector<16xi32> -> vector<16xf32>
      %mul3A_358 = arith.constant -2.000000e+00 : f32
      %mul3A_359 = vector.broadcast %mul3A_358 : f32 to vector<16xf32>
      %mul3A_360 = arith.mulf %gather3A_357, %mul3A_359 : vector<16xf32>
      %broadcast_in_dim3A_361 = arith.constant 4 : i32
      %broadcast_in_dim3A_362 = vector.broadcast %broadcast_in_dim3A_361 : i32 to vector<16x1xi32>
      %gather3A_363 = vector.shape_cast %broadcast_in_dim3A_362 : vector<16x1xi32> to vector<16xi32>
      %gather3A_364 = tpu.dynamic_gather %get3A_261[%gather3A_363] in [0] : vector<16xf32>, vector<16xi32> -> vector<16xf32>
      %mul3A_365 = arith.constant -2.000000e+00 : f32
      %mul3A_366 = vector.broadcast %mul3A_365 : f32 to vector<16xf32>
      %mul3A_367 = arith.mulf %gather3A_364, %mul3A_366 : vector<16xf32>
      %broadcast_in_dim3A_368 = arith.constant 5 : i32
      %broadcast_in_dim3A_369 = vector.broadcast %broadcast_in_dim3A_368 : i32 to vector<16x1xi32>
      %gather3A_370 = vector.shape_cast %broadcast_in_dim3A_369 : vector<16x1xi32> to vector<16xi32>
      %gather3A_371 = tpu.dynamic_gather %get3A_255[%gather3A_370] in [0] : vector<16xf32>, vector<16xi32> -> vector<16xf32>
      %mul3A_372 = arith.constant -2.000000e+00 : f32
      %mul3A_373 = vector.broadcast %mul3A_372 : f32 to vector<16xf32>
      %mul3A_374 = arith.mulf %gather3A_371, %mul3A_373 : vector<16xf32>
      %broadcast_in_dim3A_375 = arith.constant 5 : i32
      %broadcast_in_dim3A_376 = vector.broadcast %broadcast_in_dim3A_375 : i32 to vector<16x1xi32>
      %gather3A_377 = vector.shape_cast %broadcast_in_dim3A_376 : vector<16x1xi32> to vector<16xi32>
      %gather3A_378 = tpu.dynamic_gather %get3A_258[%gather3A_377] in [0] : vector<16xf32>, vector<16xi32> -> vector<16xf32>
      %mul3A_379 = arith.constant -2.000000e+00 : f32
      %mul3A_380 = vector.broadcast %mul3A_379 : f32 to vector<16xf32>
      %mul3A_381 = arith.mulf %gather3A_378, %mul3A_380 : vector<16xf32>
      %broadcast_in_dim3A_382 = arith.constant 5 : i32
      %broadcast_in_dim3A_383 = vector.broadcast %broadcast_in_dim3A_382 : i32 to vector<16x1xi32>
      %gather3A_384 = vector.shape_cast %broadcast_in_dim3A_383 : vector<16x1xi32> to vector<16xi32>
      %gather3A_385 = tpu.dynamic_gather %get3A_261[%gather3A_384] in [0] : vector<16xf32>, vector<16xi32> -> vector<16xf32>
      %mul3A_386 = arith.constant -2.000000e+00 : f32
      %mul3A_387 = vector.broadcast %mul3A_386 : f32 to vector<16xf32>
      %mul3A_388 = arith.mulf %gather3A_385, %mul3A_387 : vector<16xf32>
      %broadcast_in_dim3A_389 = arith.constant 6 : i32
      %broadcast_in_dim3A_390 = vector.broadcast %broadcast_in_dim3A_389 : i32 to vector<16x1xi32>
      %gather3A_391 = vector.shape_cast %broadcast_in_dim3A_390 : vector<16x1xi32> to vector<16xi32>
      %gather3A_392 = tpu.dynamic_gather %get3A_255[%gather3A_391] in [0] : vector<16xf32>, vector<16xi32> -> vector<16xf32>
      %mul3A_393 = arith.constant -2.000000e+00 : f32
      %mul3A_394 = vector.broadcast %mul3A_393 : f32 to vector<16xf32>
      %mul3A_395 = arith.mulf %gather3A_392, %mul3A_394 : vector<16xf32>
      %broadcast_in_dim3A_396 = arith.constant 6 : i32
      %broadcast_in_dim3A_397 = vector.broadcast %broadcast_in_dim3A_396 : i32 to vector<16x1xi32>
      %gather3A_398 = vector.shape_cast %broadcast_in_dim3A_397 : vector<16x1xi32> to vector<16xi32>
      %gather3A_399 = tpu.dynamic_gather %get3A_258[%gather3A_398] in [0] : vector<16xf32>, vector<16xi32> -> vector<16xf32>
      %mul3A_400 = arith.constant -2.000000e+00 : f32
      %mul3A_401 = vector.broadcast %mul3A_400 : f32 to vector<16xf32>
      %mul3A_402 = arith.mulf %gather3A_399, %mul3A_401 : vector<16xf32>
      %broadcast_in_dim3A_403 = arith.constant 6 : i32
      %broadcast_in_dim3A_404 = vector.broadcast %broadcast_in_dim3A_403 : i32 to vector<16x1xi32>
      %gather3A_405 = vector.shape_cast %broadcast_in_dim3A_404 : vector<16x1xi32> to vector<16xi32>
      %gather3A_406 = tpu.dynamic_gather %get3A_261[%gather3A_405] in [0] : vector<16xf32>, vector<16xi32> -> vector<16xf32>
      %mul3A_407 = arith.constant -2.000000e+00 : f32
      %mul3A_408 = vector.broadcast %mul3A_407 : f32 to vector<16xf32>
      %mul3A_409 = arith.mulf %gather3A_406, %mul3A_408 : vector<16xf32>
      %broadcast_in_dim3A_410 = arith.constant 7 : i32
      %broadcast_in_dim3A_411 = vector.broadcast %broadcast_in_dim3A_410 : i32 to vector<16x1xi32>
      %gather3A_412 = vector.shape_cast %broadcast_in_dim3A_411 : vector<16x1xi32> to vector<16xi32>
      %gather3A_413 = tpu.dynamic_gather %get3A_255[%gather3A_412] in [0] : vector<16xf32>, vector<16xi32> -> vector<16xf32>
      %mul3A_414 = arith.constant -2.000000e+00 : f32
      %mul3A_415 = vector.broadcast %mul3A_414 : f32 to vector<16xf32>
      %mul3A_416 = arith.mulf %gather3A_413, %mul3A_415 : vector<16xf32>
      %broadcast_in_dim3A_417 = arith.constant 7 : i32
      %broadcast_in_dim3A_418 = vector.broadcast %broadcast_in_dim3A_417 : i32 to vector<16x1xi32>
      %gather3A_419 = vector.shape_cast %broadcast_in_dim3A_418 : vector<16x1xi32> to vector<16xi32>
      %gather3A_420 = tpu.dynamic_gather %get3A_258[%gather3A_419] in [0] : vector<16xf32>, vector<16xi32> -> vector<16xf32>
      %mul3A_421 = arith.constant -2.000000e+00 : f32
      %mul3A_422 = vector.broadcast %mul3A_421 : f32 to vector<16xf32>
      %mul3A_423 = arith.mulf %gather3A_420, %mul3A_422 : vector<16xf32>
      %broadcast_in_dim3A_424 = arith.constant 7 : i32
      %broadcast_in_dim3A_425 = vector.broadcast %broadcast_in_dim3A_424 : i32 to vector<16x1xi32>
      %gather3A_426 = vector.shape_cast %broadcast_in_dim3A_425 : vector<16x1xi32> to vector<16xi32>
      %gather3A_427 = tpu.dynamic_gather %get3A_261[%gather3A_426] in [0] : vector<16xf32>, vector<16xi32> -> vector<16xf32>
      %mul3A_428 = arith.constant -2.000000e+00 : f32
      %mul3A_429 = vector.broadcast %mul3A_428 : f32 to vector<16xf32>
      %mul3A_430 = arith.mulf %gather3A_427, %mul3A_429 : vector<16xf32>
      %broadcast_in_dim3A_431 = arith.constant 3.000000e+38 : f32
      %broadcast_in_dim3A_432 = vector.broadcast %broadcast_in_dim3A_431 : f32 to vector<16xf32>
      %broadcast_in_dim3A_433 = arith.constant 3.000000e+38 : f32
      %broadcast_in_dim3A_434 = vector.broadcast %broadcast_in_dim3A_433 : f32 to vector<16xf32>
      %broadcast_in_dim3A_435 = arith.constant 3.000000e+38 : f32
      %broadcast_in_dim3A_436 = vector.broadcast %broadcast_in_dim3A_435 : f32 to vector<16xf32>
      %broadcast_in_dim3A_437 = arith.constant 3.000000e+38 : f32
      %broadcast_in_dim3A_438 = vector.broadcast %broadcast_in_dim3A_437 : f32 to vector<16xf32>
      %broadcast_in_dim3A_439 = arith.constant 3.000000e+38 : f32
      %broadcast_in_dim3A_440 = vector.broadcast %broadcast_in_dim3A_439 : f32 to vector<16xf32>
      %broadcast_in_dim3A_441 = arith.constant 3.000000e+38 : f32
      %broadcast_in_dim3A_442 = vector.broadcast %broadcast_in_dim3A_441 : f32 to vector<16xf32>
      %broadcast_in_dim3A_443 = arith.constant 3.000000e+38 : f32
      %broadcast_in_dim3A_444 = vector.broadcast %broadcast_in_dim3A_443 : f32 to vector<16xf32>
      %broadcast_in_dim3A_445 = arith.constant 3.000000e+38 : f32
      %broadcast_in_dim3A_446 = vector.broadcast %broadcast_in_dim3A_445 : f32 to vector<16xf32>
      %scan3A_447 = arith.constant 0 : i32
      %scan3A_448 = arith.constant 256 : i32
      %scan3A_449 = arith.addi %scan3A_447, %scan3A_448 : i32
      %scan3A_450 = arith.constant 1 : i32
      %scan3A_451:8 = scf.for %scan3A_873 = %scan3A_447 to %scan3A_449 step %scan3A_450 iter_args(%scan3A_874 = %broadcast_in_dim3A_432, %scan3A_875 = %broadcast_in_dim3A_434, %scan3A_876 = %broadcast_in_dim3A_436, %scan3A_877 = %broadcast_in_dim3A_438, %scan3A_878 = %broadcast_in_dim3A_440, %scan3A_879 = %broadcast_in_dim3A_442, %scan3A_880 = %broadcast_in_dim3A_444, %scan3A_881 = %broadcast_in_dim3A_446) -> (vector<16xf32>, vector<16xf32>, vector<16xf32>, vector<16xf32>, vector<16xf32>, vector<16xf32>, vector<16xf32>, vector<16xf32>)  : i32 {
        %mul3A_882 = arith.constant 16 : i32
        %mul3A_883 = arith.muli %scan3A_873, %mul3A_882 : i32
        %get3A_884 = arith.index_cast %mul3A_883 : i32 to index
        %get3A_885 = tpu.vector_load %arg18[%get3A_884] {strides = array<i32>} : memref<4096xf32, #tpu.memory_space<vmem>>, vector<16xf32>,
        %get3A_886 = vector.shape_cast %get3A_885 : vector<16xf32> to vector<16xf32>
        %get3A_887 = arith.index_cast %mul3A_883 : i32 to index
        %get3A_888 = tpu.vector_load %arg19[%get3A_887] {strides = array<i32>} : memref<4096xf32, #tpu.memory_space<vmem>>, vector<16xf32>,
        %get3A_889 = vector.shape_cast %get3A_888 : vector<16xf32> to vector<16xf32>
        %get3A_890 = arith.index_cast %mul3A_883 : i32 to index
        %get3A_891 = tpu.vector_load %arg20[%get3A_890] {strides = array<i32>} : memref<4096xf32, #tpu.memory_space<vmem>>, vector<16xf32>,
        %get3A_892 = vector.shape_cast %get3A_891 : vector<16xf32> to vector<16xf32>
        %get3A_893 = arith.index_cast %mul3A_883 : i32 to index
        %get3A_894 = tpu.vector_load %arg22[%get3A_893] {strides = array<i32>} : memref<4096xf32, #tpu.memory_space<vmem>>, vector<16xf32>,
        %get3A_895 = vector.shape_cast %get3A_894 : vector<16xf32> to vector<16xf32>
        %mul3A_896 = arith.mulf %mul3A_269, %get3A_886 : vector<16xf32>
        %add3A_897 = arith.addf %get3A_895, %mul3A_896 : vector<16xf32>
        %mul3A_898 = arith.mulf %mul3A_276, %get3A_889 : vector<16xf32>
        %add3A_899 = arith.addf %add3A_897, %mul3A_898 : vector<16xf32>
        %mul3A_900 = arith.mulf %mul3A_283, %get3A_892 : vector<16xf32>
        %add3A_901 = arith.addf %add3A_899, %mul3A_900 : vector<16xf32>
        %min3A_902 = arith.minimumf %scan3A_874, %add3A_901 : vector<16xf32>
        %mul3A_903 = arith.mulf %mul3A_290, %get3A_886 : vector<16xf32>
        %add3A_904 = arith.addf %get3A_895, %mul3A_903 : vector<16xf32>
        %mul3A_905 = arith.mulf %mul3A_297, %get3A_889 : vector<16xf32>
        %add3A_906 = arith.addf %add3A_904, %mul3A_905 : vector<16xf32>
        %mul3A_907 = arith.mulf %mul3A_304, %get3A_892 : vector<16xf32>
        %add3A_908 = arith.addf %add3A_906, %mul3A_907 : vector<16xf32>
        %min3A_909 = arith.minimumf %scan3A_875, %add3A_908 : vector<16xf32>
        %mul3A_910 = arith.mulf %mul3A_311, %get3A_886 : vector<16xf32>
        %add3A_911 = arith.addf %get3A_895, %mul3A_910 : vector<16xf32>
        %mul3A_912 = arith.mulf %mul3A_318, %get3A_889 : vector<16xf32>
        %add3A_913 = arith.addf %add3A_911, %mul3A_912 : vector<16xf32>
        %mul3A_914 = arith.mulf %mul3A_325, %get3A_892 : vector<16xf32>
        %add3A_915 = arith.addf %add3A_913, %mul3A_914 : vector<16xf32>
        %min3A_916 = arith.minimumf %scan3A_876, %add3A_915 : vector<16xf32>
        %mul3A_917 = arith.mulf %mul3A_332, %get3A_886 : vector<16xf32>
        %add3A_918 = arith.addf %get3A_895, %mul3A_917 : vector<16xf32>
        %mul3A_919 = arith.mulf %mul3A_339, %get3A_889 : vector<16xf32>
        %add3A_920 = arith.addf %add3A_918, %mul3A_919 : vector<16xf32>
        %mul3A_921 = arith.mulf %mul3A_346, %get3A_892 : vector<16xf32>
        %add3A_922 = arith.addf %add3A_920, %mul3A_921 : vector<16xf32>
        %min3A_923 = arith.minimumf %scan3A_877, %add3A_922 : vector<16xf32>
        %mul3A_924 = arith.mulf %mul3A_353, %get3A_886 : vector<16xf32>
        %add3A_925 = arith.addf %get3A_895, %mul3A_924 : vector<16xf32>
        %mul3A_926 = arith.mulf %mul3A_360, %get3A_889 : vector<16xf32>
        %add3A_927 = arith.addf %add3A_925, %mul3A_926 : vector<16xf32>
        %mul3A_928 = arith.mulf %mul3A_367, %get3A_892 : vector<16xf32>
        %add3A_929 = arith.addf %add3A_927, %mul3A_928 : vector<16xf32>
        %min3A_930 = arith.minimumf %scan3A_878, %add3A_929 : vector<16xf32>
        %mul3A_931 = arith.mulf %mul3A_374, %get3A_886 : vector<16xf32>
        %add3A_932 = arith.addf %get3A_895, %mul3A_931 : vector<16xf32>
        %mul3A_933 = arith.mulf %mul3A_381, %get3A_889 : vector<16xf32>
        %add3A_934 = arith.addf %add3A_932, %mul3A_933 : vector<16xf32>
        %mul3A_935 = arith.mulf %mul3A_388, %get3A_892 : vector<16xf32>
        %add3A_936 = arith.addf %add3A_934, %mul3A_935 : vector<16xf32>
        %min3A_937 = arith.minimumf %scan3A_879, %add3A_936 : vector<16xf32>
        %mul3A_938 = arith.mulf %mul3A_395, %get3A_886 : vector<16xf32>
        %add3A_939 = arith.addf %get3A_895, %mul3A_938 : vector<16xf32>
        %mul3A_940 = arith.mulf %mul3A_402, %get3A_889 : vector<16xf32>
        %add3A_941 = arith.addf %add3A_939, %mul3A_940 : vector<16xf32>
        %mul3A_942 = arith.mulf %mul3A_409, %get3A_892 : vector<16xf32>
        %add3A_943 = arith.addf %add3A_941, %mul3A_942 : vector<16xf32>
        %min3A_944 = arith.minimumf %scan3A_880, %add3A_943 : vector<16xf32>
        %mul3A_945 = arith.mulf %mul3A_416, %get3A_886 : vector<16xf32>
        %add3A_946 = arith.addf %get3A_895, %mul3A_945 : vector<16xf32>
        %mul3A_947 = arith.mulf %mul3A_423, %get3A_889 : vector<16xf32>
        %add3A_948 = arith.addf %add3A_946, %mul3A_947 : vector<16xf32>
        %mul3A_949 = arith.mulf %mul3A_430, %get3A_892 : vector<16xf32>
        %add3A_950 = arith.addf %add3A_948, %mul3A_949 : vector<16xf32>
        %min3A_951 = arith.minimumf %scan3A_881, %add3A_950 : vector<16xf32>
        scf.yield %min3A_902, %min3A_909, %min3A_916, %min3A_923, %min3A_930, %min3A_937, %min3A_944, %min3A_951 : vector<16xf32>, vector<16xf32>, vector<16xf32>, vector<16xf32>, vector<16xf32>, vector<16xf32>, vector<16xf32>, vector<16xf32>
      }
      %scan3A_452 = arith.constant 256 : i32
      %gather3A_453 = vector.shape_cast %reshape3A : vector<16x1xi32> to vector<16xi32>
      %gather3A_454 = tpu.dynamic_gather %scan3A_451#0[%gather3A_453] in [0] : vector<16xf32>, vector<16xi32> -> vector<16xf32>
      %min3A = arith.minimumf %scan3A_451#0, %gather3A_454 : vector<16xf32>
      %gather3A_455 = vector.shape_cast %reshape3A_54 : vector<16x1xi32> to vector<16xi32>
      %gather3A_456 = tpu.dynamic_gather %min3A[%gather3A_455] in [0] : vector<16xf32>, vector<16xi32> -> vector<16xf32>
      %min3A_457 = arith.minimumf %min3A, %gather3A_456 : vector<16xf32>
      %gather3A_458 = vector.shape_cast %reshape3A_61 : vector<16x1xi32> to vector<16xi32>
      %gather3A_459 = tpu.dynamic_gather %min3A_457[%gather3A_458] in [0] : vector<16xf32>, vector<16xi32> -> vector<16xf32>
      %min3A_460 = arith.minimumf %min3A_457, %gather3A_459 : vector<16xf32>
      %gather3A_461 = vector.shape_cast %reshape3A_68 : vector<16x1xi32> to vector<16xi32>
      %gather3A_462 = tpu.dynamic_gather %min3A_460[%gather3A_461] in [0] : vector<16xf32>, vector<16xi32> -> vector<16xf32>
      %min3A_463 = arith.minimumf %min3A_460, %gather3A_462 : vector<16xf32>
      %mul3A_464 = arith.mulf %min3A_463, %select_n3A_76 : vector<16xf32>
      %add3A_465 = arith.addf %broadcast_in_dim3A_263, %mul3A_464 : vector<16xf32>
      %gather3A_466 = vector.shape_cast %reshape3A : vector<16x1xi32> to vector<16xi32>
      %gather3A_467 = tpu.dynamic_gather %scan3A_451#1[%gather3A_466] in [0] : vector<16xf32>, vector<16xi32> -> vector<16xf32>
      %min3A_468 = arith.minimumf %scan3A_451#1, %gather3A_467 : vector<16xf32>
      %gather3A_469 = vector.shape_cast %reshape3A_54 : vector<16x1xi32> to vector<16xi32>
      %gather3A_470 = tpu.dynamic_gather %min3A_468[%gather3A_469] in [0] : vector<16xf32>, vector<16xi32> -> vector<16xf32>
      %min3A_471 = arith.minimumf %min3A_468, %gather3A_470 : vector<16xf32>
      %gather3A_472 = vector.shape_cast %reshape3A_61 : vector<16x1xi32> to vector<16xi32>
      %gather3A_473 = tpu.dynamic_gather %min3A_471[%gather3A_472] in [0] : vector<16xf32>, vector<16xi32> -> vector<16xf32>
      %min3A_474 = arith.minimumf %min3A_471, %gather3A_473 : vector<16xf32>
      %gather3A_475 = vector.shape_cast %reshape3A_68 : vector<16x1xi32> to vector<16xi32>
      %gather3A_476 = tpu.dynamic_gather %min3A_474[%gather3A_475] in [0] : vector<16xf32>, vector<16xi32> -> vector<16xf32>
      %min3A_477 = arith.minimumf %min3A_474, %gather3A_476 : vector<16xf32>
      %mul3A_478 = arith.mulf %min3A_477, %select_n3A_80 : vector<16xf32>
      %add3A_479 = arith.addf %add3A_465, %mul3A_478 : vector<16xf32>
      %gather3A_480 = vector.shape_cast %reshape3A : vector<16x1xi32> to vector<16xi32>
      %gather3A_481 = tpu.dynamic_gather %scan3A_451#2[%gather3A_480] in [0] : vector<16xf32>, vector<16xi32> -> vector<16xf32>
      %min3A_482 = arith.minimumf %scan3A_451#2, %gather3A_481 : vector<16xf32>
      %gather3A_483 = vector.shape_cast %reshape3A_54 : vector<16x1xi32> to vector<16xi32>
      %gather3A_484 = tpu.dynamic_gather %min3A_482[%gather3A_483] in [0] : vector<16xf32>, vector<16xi32> -> vector<16xf32>
      %min3A_485 = arith.minimumf %min3A_482, %gather3A_484 : vector<16xf32>
      %gather3A_486 = vector.shape_cast %reshape3A_61 : vector<16x1xi32> to vector<16xi32>
      %gather3A_487 = tpu.dynamic_gather %min3A_485[%gather3A_486] in [0] : vector<16xf32>, vector<16xi32> -> vector<16xf32>
      %min3A_488 = arith.minimumf %min3A_485, %gather3A_487 : vector<16xf32>
      %gather3A_489 = vector.shape_cast %reshape3A_68 : vector<16x1xi32> to vector<16xi32>
      %gather3A_490 = tpu.dynamic_gather %min3A_488[%gather3A_489] in [0] : vector<16xf32>, vector<16xi32> -> vector<16xf32>
      %min3A_491 = arith.minimumf %min3A_488, %gather3A_490 : vector<16xf32>
      %mul3A_492 = arith.mulf %min3A_491, %select_n3A_84 : vector<16xf32>
      %add3A_493 = arith.addf %add3A_479, %mul3A_492 : vector<16xf32>
      %gather3A_494 = vector.shape_cast %reshape3A : vector<16x1xi32> to vector<16xi32>
      %gather3A_495 = tpu.dynamic_gather %scan3A_451#3[%gather3A_494] in [0] : vector<16xf32>, vector<16xi32> -> vector<16xf32>
      %min3A_496 = arith.minimumf %scan3A_451#3, %gather3A_495 : vector<16xf32>
      %gather3A_497 = vector.shape_cast %reshape3A_54 : vector<16x1xi32> to vector<16xi32>
      %gather3A_498 = tpu.dynamic_gather %min3A_496[%gather3A_497] in [0] : vector<16xf32>, vector<16xi32> -> vector<16xf32>
      %min3A_499 = arith.minimumf %min3A_496, %gather3A_498 : vector<16xf32>
      %gather3A_500 = vector.shape_cast %reshape3A_61 : vector<16x1xi32> to vector<16xi32>
      %gather3A_501 = tpu.dynamic_gather %min3A_499[%gather3A_500] in [0] : vector<16xf32>, vector<16xi32> -> vector<16xf32>
      %min3A_502 = arith.minimumf %min3A_499, %gather3A_501 : vector<16xf32>
      %gather3A_503 = vector.shape_cast %reshape3A_68 : vector<16x1xi32> to vector<16xi32>
      %gather3A_504 = tpu.dynamic_gather %min3A_502[%gather3A_503] in [0] : vector<16xf32>, vector<16xi32> -> vector<16xf32>
      %min3A_505 = arith.minimumf %min3A_502, %gather3A_504 : vector<16xf32>
      %mul3A_506 = arith.mulf %min3A_505, %select_n3A_88 : vector<16xf32>
      %add3A_507 = arith.addf %add3A_493, %mul3A_506 : vector<16xf32>
      %gather3A_508 = vector.shape_cast %reshape3A : vector<16x1xi32> to vector<16xi32>
      %gather3A_509 = tpu.dynamic_gather %scan3A_451#4[%gather3A_508] in [0] : vector<16xf32>, vector<16xi32> -> vector<16xf32>
      %min3A_510 = arith.minimumf %scan3A_451#4, %gather3A_509 : vector<16xf32>
      %gather3A_511 = vector.shape_cast %reshape3A_54 : vector<16x1xi32> to vector<16xi32>
      %gather3A_512 = tpu.dynamic_gather %min3A_510[%gather3A_511] in [0] : vector<16xf32>, vector<16xi32> -> vector<16xf32>
      %min3A_513 = arith.minimumf %min3A_510, %gather3A_512 : vector<16xf32>
      %gather3A_514 = vector.shape_cast %reshape3A_61 : vector<16x1xi32> to vector<16xi32>
      %gather3A_515 = tpu.dynamic_gather %min3A_513[%gather3A_514] in [0] : vector<16xf32>, vector<16xi32> -> vector<16xf32>
      %min3A_516 = arith.minimumf %min3A_513, %gather3A_515 : vector<16xf32>
      %gather3A_517 = vector.shape_cast %reshape3A_68 : vector<16x1xi32> to vector<16xi32>
      %gather3A_518 = tpu.dynamic_gather %min3A_516[%gather3A_517] in [0] : vector<16xf32>, vector<16xi32> -> vector<16xf32>
      %min3A_519 = arith.minimumf %min3A_516, %gather3A_518 : vector<16xf32>
      %mul3A_520 = arith.mulf %min3A_519, %select_n3A_92 : vector<16xf32>
      %add3A_521 = arith.addf %add3A_507, %mul3A_520 : vector<16xf32>
      %gather3A_522 = vector.shape_cast %reshape3A : vector<16x1xi32> to vector<16xi32>
      %gather3A_523 = tpu.dynamic_gather %scan3A_451#5[%gather3A_522] in [0] : vector<16xf32>, vector<16xi32> -> vector<16xf32>
      %min3A_524 = arith.minimumf %scan3A_451#5, %gather3A_523 : vector<16xf32>
      %gather3A_525 = vector.shape_cast %reshape3A_54 : vector<16x1xi32> to vector<16xi32>
      %gather3A_526 = tpu.dynamic_gather %min3A_524[%gather3A_525] in [0] : vector<16xf32>, vector<16xi32> -> vector<16xf32>
      %min3A_527 = arith.minimumf %min3A_524, %gather3A_526 : vector<16xf32>
      %gather3A_528 = vector.shape_cast %reshape3A_61 : vector<16x1xi32> to vector<16xi32>
      %gather3A_529 = tpu.dynamic_gather %min3A_527[%gather3A_528] in [0] : vector<16xf32>, vector<16xi32> -> vector<16xf32>
      %min3A_530 = arith.minimumf %min3A_527, %gather3A_529 : vector<16xf32>
      %gather3A_531 = vector.shape_cast %reshape3A_68 : vector<16x1xi32> to vector<16xi32>
      %gather3A_532 = tpu.dynamic_gather %min3A_530[%gather3A_531] in [0] : vector<16xf32>, vector<16xi32> -> vector<16xf32>
      %min3A_533 = arith.minimumf %min3A_530, %gather3A_532 : vector<16xf32>
      %mul3A_534 = arith.mulf %min3A_533, %select_n3A_96 : vector<16xf32>
      %add3A_535 = arith.addf %add3A_521, %mul3A_534 : vector<16xf32>
      %gather3A_536 = vector.shape_cast %reshape3A : vector<16x1xi32> to vector<16xi32>
      %gather3A_537 = tpu.dynamic_gather %scan3A_451#6[%gather3A_536] in [0] : vector<16xf32>, vector<16xi32> -> vector<16xf32>
      %min3A_538 = arith.minimumf %scan3A_451#6, %gather3A_537 : vector<16xf32>
      %gather3A_539 = vector.shape_cast %reshape3A_54 : vector<16x1xi32> to vector<16xi32>
      %gather3A_540 = tpu.dynamic_gather %min3A_538[%gather3A_539] in [0] : vector<16xf32>, vector<16xi32> -> vector<16xf32>
      %min3A_541 = arith.minimumf %min3A_538, %gather3A_540 : vector<16xf32>
      %gather3A_542 = vector.shape_cast %reshape3A_61 : vector<16x1xi32> to vector<16xi32>
      %gather3A_543 = tpu.dynamic_gather %min3A_541[%gather3A_542] in [0] : vector<16xf32>, vector<16xi32> -> vector<16xf32>
      %min3A_544 = arith.minimumf %min3A_541, %gather3A_543 : vector<16xf32>
      %gather3A_545 = vector.shape_cast %reshape3A_68 : vector<16x1xi32> to vector<16xi32>
      %gather3A_546 = tpu.dynamic_gather %min3A_544[%gather3A_545] in [0] : vector<16xf32>, vector<16xi32> -> vector<16xf32>
      %min3A_547 = arith.minimumf %min3A_544, %gather3A_546 : vector<16xf32>
      %mul3A_548 = arith.mulf %min3A_547, %select_n3A_100 : vector<16xf32>
      %add3A_549 = arith.addf %add3A_535, %mul3A_548 : vector<16xf32>
      %gather3A_550 = vector.shape_cast %reshape3A : vector<16x1xi32> to vector<16xi32>
      %gather3A_551 = tpu.dynamic_gather %scan3A_451#7[%gather3A_550] in [0] : vector<16xf32>, vector<16xi32> -> vector<16xf32>
      %min3A_552 = arith.minimumf %scan3A_451#7, %gather3A_551 : vector<16xf32>
      %gather3A_553 = vector.shape_cast %reshape3A_54 : vector<16x1xi32> to vector<16xi32>
      %gather3A_554 = tpu.dynamic_gather %min3A_552[%gather3A_553] in [0] : vector<16xf32>, vector<16xi32> -> vector<16xf32>
      %min3A_555 = arith.minimumf %min3A_552, %gather3A_554 : vector<16xf32>
      %gather3A_556 = vector.shape_cast %reshape3A_61 : vector<16x1xi32> to vector<16xi32>
      %gather3A_557 = tpu.dynamic_gather %min3A_555[%gather3A_556] in [0] : vector<16xf32>, vector<16xi32> -> vector<16xf32>
      %min3A_558 = arith.minimumf %min3A_555, %gather3A_557 : vector<16xf32>
      %gather3A_559 = vector.shape_cast %reshape3A_68 : vector<16x1xi32> to vector<16xi32>
      %gather3A_560 = tpu.dynamic_gather %min3A_558[%gather3A_559] in [0] : vector<16xf32>, vector<16xi32> -> vector<16xf32>
      %min3A_561 = arith.minimumf %min3A_558, %gather3A_560 : vector<16xf32>
      %mul3A_562 = arith.mulf %min3A_561, %select_n3A_104 : vector<16xf32>
      %add3A_563 = arith.addf %add3A_549, %mul3A_562 : vector<16xf32>
      %broadcast_in_dim3A_564 = arith.constant 8 : i32
      %broadcast_in_dim3A_565 = vector.broadcast %broadcast_in_dim3A_564 : i32 to vector<16x1xi32>
      %gather3A_566 = vector.shape_cast %broadcast_in_dim3A_565 : vector<16x1xi32> to vector<16xi32>
      %gather3A_567 = tpu.dynamic_gather %get3A_255[%gather3A_566] in [0] : vector<16xf32>, vector<16xi32> -> vector<16xf32>
      %mul3A_568 = arith.constant -2.000000e+00 : f32
      %mul3A_569 = vector.broadcast %mul3A_568 : f32 to vector<16xf32>
      %mul3A_570 = arith.mulf %gather3A_567, %mul3A_569 : vector<16xf32>
      %broadcast_in_dim3A_571 = arith.constant 8 : i32
      %broadcast_in_dim3A_572 = vector.broadcast %broadcast_in_dim3A_571 : i32 to vector<16x1xi32>
      %gather3A_573 = vector.shape_cast %broadcast_in_dim3A_572 : vector<16x1xi32> to vector<16xi32>
      %gather3A_574 = tpu.dynamic_gather %get3A_258[%gather3A_573] in [0] : vector<16xf32>, vector<16xi32> -> vector<16xf32>
      %mul3A_575 = arith.constant -2.000000e+00 : f32
      %mul3A_576 = vector.broadcast %mul3A_575 : f32 to vector<16xf32>
      %mul3A_577 = arith.mulf %gather3A_574, %mul3A_576 : vector<16xf32>
      %broadcast_in_dim3A_578 = arith.constant 8 : i32
      %broadcast_in_dim3A_579 = vector.broadcast %broadcast_in_dim3A_578 : i32 to vector<16x1xi32>
      %gather3A_580 = vector.shape_cast %broadcast_in_dim3A_579 : vector<16x1xi32> to vector<16xi32>
      %gather3A_581 = tpu.dynamic_gather %get3A_261[%gather3A_580] in [0] : vector<16xf32>, vector<16xi32> -> vector<16xf32>
      %mul3A_582 = arith.constant -2.000000e+00 : f32
      %mul3A_583 = vector.broadcast %mul3A_582 : f32 to vector<16xf32>
      %mul3A_584 = arith.mulf %gather3A_581, %mul3A_583 : vector<16xf32>
      %broadcast_in_dim3A_585 = arith.constant 9 : i32
      %broadcast_in_dim3A_586 = vector.broadcast %broadcast_in_dim3A_585 : i32 to vector<16x1xi32>
      %gather3A_587 = vector.shape_cast %broadcast_in_dim3A_586 : vector<16x1xi32> to vector<16xi32>
      %gather3A_588 = tpu.dynamic_gather %get3A_255[%gather3A_587] in [0] : vector<16xf32>, vector<16xi32> -> vector<16xf32>
      %mul3A_589 = arith.constant -2.000000e+00 : f32
      %mul3A_590 = vector.broadcast %mul3A_589 : f32 to vector<16xf32>
      %mul3A_591 = arith.mulf %gather3A_588, %mul3A_590 : vector<16xf32>
      %broadcast_in_dim3A_592 = arith.constant 9 : i32
      %broadcast_in_dim3A_593 = vector.broadcast %broadcast_in_dim3A_592 : i32 to vector<16x1xi32>
      %gather3A_594 = vector.shape_cast %broadcast_in_dim3A_593 : vector<16x1xi32> to vector<16xi32>
      %gather3A_595 = tpu.dynamic_gather %get3A_258[%gather3A_594] in [0] : vector<16xf32>, vector<16xi32> -> vector<16xf32>
      %mul3A_596 = arith.constant -2.000000e+00 : f32
      %mul3A_597 = vector.broadcast %mul3A_596 : f32 to vector<16xf32>
      %mul3A_598 = arith.mulf %gather3A_595, %mul3A_597 : vector<16xf32>
      %broadcast_in_dim3A_599 = arith.constant 9 : i32
      %broadcast_in_dim3A_600 = vector.broadcast %broadcast_in_dim3A_599 : i32 to vector<16x1xi32>
      %gather3A_601 = vector.shape_cast %broadcast_in_dim3A_600 : vector<16x1xi32> to vector<16xi32>
      %gather3A_602 = tpu.dynamic_gather %get3A_261[%gather3A_601] in [0] : vector<16xf32>, vector<16xi32> -> vector<16xf32>
      %mul3A_603 = arith.constant -2.000000e+00 : f32
      %mul3A_604 = vector.broadcast %mul3A_603 : f32 to vector<16xf32>
      %mul3A_605 = arith.mulf %gather3A_602, %mul3A_604 : vector<16xf32>
      %broadcast_in_dim3A_606 = arith.constant 10 : i32
      %broadcast_in_dim3A_607 = vector.broadcast %broadcast_in_dim3A_606 : i32 to vector<16x1xi32>
      %gather3A_608 = vector.shape_cast %broadcast_in_dim3A_607 : vector<16x1xi32> to vector<16xi32>
      %gather3A_609 = tpu.dynamic_gather %get3A_255[%gather3A_608] in [0] : vector<16xf32>, vector<16xi32> -> vector<16xf32>
      %mul3A_610 = arith.constant -2.000000e+00 : f32
      %mul3A_611 = vector.broadcast %mul3A_610 : f32 to vector<16xf32>
      %mul3A_612 = arith.mulf %gather3A_609, %mul3A_611 : vector<16xf32>
      %broadcast_in_dim3A_613 = arith.constant 10 : i32
      %broadcast_in_dim3A_614 = vector.broadcast %broadcast_in_dim3A_613 : i32 to vector<16x1xi32>
      %gather3A_615 = vector.shape_cast %broadcast_in_dim3A_614 : vector<16x1xi32> to vector<16xi32>
      %gather3A_616 = tpu.dynamic_gather %get3A_258[%gather3A_615] in [0] : vector<16xf32>, vector<16xi32> -> vector<16xf32>
      %mul3A_617 = arith.constant -2.000000e+00 : f32
      %mul3A_618 = vector.broadcast %mul3A_617 : f32 to vector<16xf32>
      %mul3A_619 = arith.mulf %gather3A_616, %mul3A_618 : vector<16xf32>
      %broadcast_in_dim3A_620 = arith.constant 10 : i32
      %broadcast_in_dim3A_621 = vector.broadcast %broadcast_in_dim3A_620 : i32 to vector<16x1xi32>
      %gather3A_622 = vector.shape_cast %broadcast_in_dim3A_621 : vector<16x1xi32> to vector<16xi32>
      %gather3A_623 = tpu.dynamic_gather %get3A_261[%gather3A_622] in [0] : vector<16xf32>, vector<16xi32> -> vector<16xf32>
      %mul3A_624 = arith.constant -2.000000e+00 : f32
      %mul3A_625 = vector.broadcast %mul3A_624 : f32 to vector<16xf32>
      %mul3A_626 = arith.mulf %gather3A_623, %mul3A_625 : vector<16xf32>
      %broadcast_in_dim3A_627 = arith.constant 11 : i32
      %broadcast_in_dim3A_628 = vector.broadcast %broadcast_in_dim3A_627 : i32 to vector<16x1xi32>
      %gather3A_629 = vector.shape_cast %broadcast_in_dim3A_628 : vector<16x1xi32> to vector<16xi32>
      %gather3A_630 = tpu.dynamic_gather %get3A_255[%gather3A_629] in [0] : vector<16xf32>, vector<16xi32> -> vector<16xf32>
      %mul3A_631 = arith.constant -2.000000e+00 : f32
      %mul3A_632 = vector.broadcast %mul3A_631 : f32 to vector<16xf32>
      %mul3A_633 = arith.mulf %gather3A_630, %mul3A_632 : vector<16xf32>
      %broadcast_in_dim3A_634 = arith.constant 11 : i32
      %broadcast_in_dim3A_635 = vector.broadcast %broadcast_in_dim3A_634 : i32 to vector<16x1xi32>
      %gather3A_636 = vector.shape_cast %broadcast_in_dim3A_635 : vector<16x1xi32> to vector<16xi32>
      %gather3A_637 = tpu.dynamic_gather %get3A_258[%gather3A_636] in [0] : vector<16xf32>, vector<16xi32> -> vector<16xf32>
      %mul3A_638 = arith.constant -2.000000e+00 : f32
      %mul3A_639 = vector.broadcast %mul3A_638 : f32 to vector<16xf32>
      %mul3A_640 = arith.mulf %gather3A_637, %mul3A_639 : vector<16xf32>
      %broadcast_in_dim3A_641 = arith.constant 11 : i32
      %broadcast_in_dim3A_642 = vector.broadcast %broadcast_in_dim3A_641 : i32 to vector<16x1xi32>
      %gather3A_643 = vector.shape_cast %broadcast_in_dim3A_642 : vector<16x1xi32> to vector<16xi32>
      %gather3A_644 = tpu.dynamic_gather %get3A_261[%gather3A_643] in [0] : vector<16xf32>, vector<16xi32> -> vector<16xf32>
      %mul3A_645 = arith.constant -2.000000e+00 : f32
      %mul3A_646 = vector.broadcast %mul3A_645 : f32 to vector<16xf32>
      %mul3A_647 = arith.mulf %gather3A_644, %mul3A_646 : vector<16xf32>
      %broadcast_in_dim3A_648 = arith.constant 12 : i32
      %broadcast_in_dim3A_649 = vector.broadcast %broadcast_in_dim3A_648 : i32 to vector<16x1xi32>
      %gather3A_650 = vector.shape_cast %broadcast_in_dim3A_649 : vector<16x1xi32> to vector<16xi32>
      %gather3A_651 = tpu.dynamic_gather %get3A_255[%gather3A_650] in [0] : vector<16xf32>, vector<16xi32> -> vector<16xf32>
      %mul3A_652 = arith.constant -2.000000e+00 : f32
      %mul3A_653 = vector.broadcast %mul3A_652 : f32 to vector<16xf32>
      %mul3A_654 = arith.mulf %gather3A_651, %mul3A_653 : vector<16xf32>
      %broadcast_in_dim3A_655 = arith.constant 12 : i32
      %broadcast_in_dim3A_656 = vector.broadcast %broadcast_in_dim3A_655 : i32 to vector<16x1xi32>
      %gather3A_657 = vector.shape_cast %broadcast_in_dim3A_656 : vector<16x1xi32> to vector<16xi32>
      %gather3A_658 = tpu.dynamic_gather %get3A_258[%gather3A_657] in [0] : vector<16xf32>, vector<16xi32> -> vector<16xf32>
      %mul3A_659 = arith.constant -2.000000e+00 : f32
      %mul3A_660 = vector.broadcast %mul3A_659 : f32 to vector<16xf32>
      %mul3A_661 = arith.mulf %gather3A_658, %mul3A_660 : vector<16xf32>
      %broadcast_in_dim3A_662 = arith.constant 12 : i32
      %broadcast_in_dim3A_663 = vector.broadcast %broadcast_in_dim3A_662 : i32 to vector<16x1xi32>
      %gather3A_664 = vector.shape_cast %broadcast_in_dim3A_663 : vector<16x1xi32> to vector<16xi32>
      %gather3A_665 = tpu.dynamic_gather %get3A_261[%gather3A_664] in [0] : vector<16xf32>, vector<16xi32> -> vector<16xf32>
      %mul3A_666 = arith.constant -2.000000e+00 : f32
      %mul3A_667 = vector.broadcast %mul3A_666 : f32 to vector<16xf32>
      %mul3A_668 = arith.mulf %gather3A_665, %mul3A_667 : vector<16xf32>
      %broadcast_in_dim3A_669 = arith.constant 13 : i32
      %broadcast_in_dim3A_670 = vector.broadcast %broadcast_in_dim3A_669 : i32 to vector<16x1xi32>
      %gather3A_671 = vector.shape_cast %broadcast_in_dim3A_670 : vector<16x1xi32> to vector<16xi32>
      %gather3A_672 = tpu.dynamic_gather %get3A_255[%gather3A_671] in [0] : vector<16xf32>, vector<16xi32> -> vector<16xf32>
      %mul3A_673 = arith.constant -2.000000e+00 : f32
      %mul3A_674 = vector.broadcast %mul3A_673 : f32 to vector<16xf32>
      %mul3A_675 = arith.mulf %gather3A_672, %mul3A_674 : vector<16xf32>
      %broadcast_in_dim3A_676 = arith.constant 13 : i32
      %broadcast_in_dim3A_677 = vector.broadcast %broadcast_in_dim3A_676 : i32 to vector<16x1xi32>
      %gather3A_678 = vector.shape_cast %broadcast_in_dim3A_677 : vector<16x1xi32> to vector<16xi32>
      %gather3A_679 = tpu.dynamic_gather %get3A_258[%gather3A_678] in [0] : vector<16xf32>, vector<16xi32> -> vector<16xf32>
      %mul3A_680 = arith.constant -2.000000e+00 : f32
      %mul3A_681 = vector.broadcast %mul3A_680 : f32 to vector<16xf32>
      %mul3A_682 = arith.mulf %gather3A_679, %mul3A_681 : vector<16xf32>
      %broadcast_in_dim3A_683 = arith.constant 13 : i32
      %broadcast_in_dim3A_684 = vector.broadcast %broadcast_in_dim3A_683 : i32 to vector<16x1xi32>
      %gather3A_685 = vector.shape_cast %broadcast_in_dim3A_684 : vector<16x1xi32> to vector<16xi32>
      %gather3A_686 = tpu.dynamic_gather %get3A_261[%gather3A_685] in [0] : vector<16xf32>, vector<16xi32> -> vector<16xf32>
      %mul3A_687 = arith.constant -2.000000e+00 : f32
      %mul3A_688 = vector.broadcast %mul3A_687 : f32 to vector<16xf32>
      %mul3A_689 = arith.mulf %gather3A_686, %mul3A_688 : vector<16xf32>
      %broadcast_in_dim3A_690 = arith.constant 14 : i32
      %broadcast_in_dim3A_691 = vector.broadcast %broadcast_in_dim3A_690 : i32 to vector<16x1xi32>
      %gather3A_692 = vector.shape_cast %broadcast_in_dim3A_691 : vector<16x1xi32> to vector<16xi32>
      %gather3A_693 = tpu.dynamic_gather %get3A_255[%gather3A_692] in [0] : vector<16xf32>, vector<16xi32> -> vector<16xf32>
      %mul3A_694 = arith.constant -2.000000e+00 : f32
      %mul3A_695 = vector.broadcast %mul3A_694 : f32 to vector<16xf32>
      %mul3A_696 = arith.mulf %gather3A_693, %mul3A_695 : vector<16xf32>
      %broadcast_in_dim3A_697 = arith.constant 14 : i32
      %broadcast_in_dim3A_698 = vector.broadcast %broadcast_in_dim3A_697 : i32 to vector<16x1xi32>
      %gather3A_699 = vector.shape_cast %broadcast_in_dim3A_698 : vector<16x1xi32> to vector<16xi32>
      %gather3A_700 = tpu.dynamic_gather %get3A_258[%gather3A_699] in [0] : vector<16xf32>, vector<16xi32> -> vector<16xf32>
      %mul3A_701 = arith.constant -2.000000e+00 : f32
      %mul3A_702 = vector.broadcast %mul3A_701 : f32 to vector<16xf32>
      %mul3A_703 = arith.mulf %gather3A_700, %mul3A_702 : vector<16xf32>
      %broadcast_in_dim3A_704 = arith.constant 14 : i32
      %broadcast_in_dim3A_705 = vector.broadcast %broadcast_in_dim3A_704 : i32 to vector<16x1xi32>
      %gather3A_706 = vector.shape_cast %broadcast_in_dim3A_705 : vector<16x1xi32> to vector<16xi32>
      %gather3A_707 = tpu.dynamic_gather %get3A_261[%gather3A_706] in [0] : vector<16xf32>, vector<16xi32> -> vector<16xf32>
      %mul3A_708 = arith.constant -2.000000e+00 : f32
      %mul3A_709 = vector.broadcast %mul3A_708 : f32 to vector<16xf32>
      %mul3A_710 = arith.mulf %gather3A_707, %mul3A_709 : vector<16xf32>
      %broadcast_in_dim3A_711 = arith.constant 15 : i32
      %broadcast_in_dim3A_712 = vector.broadcast %broadcast_in_dim3A_711 : i32 to vector<16x1xi32>
      %gather3A_713 = vector.shape_cast %broadcast_in_dim3A_712 : vector<16x1xi32> to vector<16xi32>
      %gather3A_714 = tpu.dynamic_gather %get3A_255[%gather3A_713] in [0] : vector<16xf32>, vector<16xi32> -> vector<16xf32>
      %mul3A_715 = arith.constant -2.000000e+00 : f32
      %mul3A_716 = vector.broadcast %mul3A_715 : f32 to vector<16xf32>
      %mul3A_717 = arith.mulf %gather3A_714, %mul3A_716 : vector<16xf32>
      %broadcast_in_dim3A_718 = arith.constant 15 : i32
      %broadcast_in_dim3A_719 = vector.broadcast %broadcast_in_dim3A_718 : i32 to vector<16x1xi32>
      %gather3A_720 = vector.shape_cast %broadcast_in_dim3A_719 : vector<16x1xi32> to vector<16xi32>
      %gather3A_721 = tpu.dynamic_gather %get3A_258[%gather3A_720] in [0] : vector<16xf32>, vector<16xi32> -> vector<16xf32>
      %mul3A_722 = arith.constant -2.000000e+00 : f32
      %mul3A_723 = vector.broadcast %mul3A_722 : f32 to vector<16xf32>
      %mul3A_724 = arith.mulf %gather3A_721, %mul3A_723 : vector<16xf32>
      %broadcast_in_dim3A_725 = arith.constant 15 : i32
      %broadcast_in_dim3A_726 = vector.broadcast %broadcast_in_dim3A_725 : i32 to vector<16x1xi32>
      %gather3A_727 = vector.shape_cast %broadcast_in_dim3A_726 : vector<16x1xi32> to vector<16xi32>
      %gather3A_728 = tpu.dynamic_gather %get3A_261[%gather3A_727] in [0] : vector<16xf32>, vector<16xi32> -> vector<16xf32>
      %mul3A_729 = arith.constant -2.000000e+00 : f32
      %mul3A_730 = vector.broadcast %mul3A_729 : f32 to vector<16xf32>
      %mul3A_731 = arith.mulf %gather3A_728, %mul3A_730 : vector<16xf32>
      %broadcast_in_dim3A_732 = arith.constant 3.000000e+38 : f32
      %broadcast_in_dim3A_733 = vector.broadcast %broadcast_in_dim3A_732 : f32 to vector<16xf32>
      %broadcast_in_dim3A_734 = arith.constant 3.000000e+38 : f32
      %broadcast_in_dim3A_735 = vector.broadcast %broadcast_in_dim3A_734 : f32 to vector<16xf32>
      %broadcast_in_dim3A_736 = arith.constant 3.000000e+38 : f32
      %broadcast_in_dim3A_737 = vector.broadcast %broadcast_in_dim3A_736 : f32 to vector<16xf32>
      %broadcast_in_dim3A_738 = arith.constant 3.000000e+38 : f32
      %broadcast_in_dim3A_739 = vector.broadcast %broadcast_in_dim3A_738 : f32 to vector<16xf32>
      %broadcast_in_dim3A_740 = arith.constant 3.000000e+38 : f32
      %broadcast_in_dim3A_741 = vector.broadcast %broadcast_in_dim3A_740 : f32 to vector<16xf32>
      %broadcast_in_dim3A_742 = arith.constant 3.000000e+38 : f32
      %broadcast_in_dim3A_743 = vector.broadcast %broadcast_in_dim3A_742 : f32 to vector<16xf32>
      %broadcast_in_dim3A_744 = arith.constant 3.000000e+38 : f32
      %broadcast_in_dim3A_745 = vector.broadcast %broadcast_in_dim3A_744 : f32 to vector<16xf32>
      %broadcast_in_dim3A_746 = arith.constant 3.000000e+38 : f32
      %broadcast_in_dim3A_747 = vector.broadcast %broadcast_in_dim3A_746 : f32 to vector<16xf32>
      %scan3A_748 = arith.constant 0 : i32
      %scan3A_749 = arith.constant 256 : i32
      %scan3A_750 = arith.addi %scan3A_748, %scan3A_749 : i32
      %scan3A_751 = arith.constant 1 : i32
      %scan3A_752:8 = scf.for %scan3A_873 = %scan3A_748 to %scan3A_750 step %scan3A_751 iter_args(%scan3A_874 = %broadcast_in_dim3A_733, %scan3A_875 = %broadcast_in_dim3A_735, %scan3A_876 = %broadcast_in_dim3A_737, %scan3A_877 = %broadcast_in_dim3A_739, %scan3A_878 = %broadcast_in_dim3A_741, %scan3A_879 = %broadcast_in_dim3A_743, %scan3A_880 = %broadcast_in_dim3A_745, %scan3A_881 = %broadcast_in_dim3A_747) -> (vector<16xf32>, vector<16xf32>, vector<16xf32>, vector<16xf32>, vector<16xf32>, vector<16xf32>, vector<16xf32>, vector<16xf32>)  : i32 {
        %mul3A_882 = arith.constant 16 : i32
        %mul3A_883 = arith.muli %scan3A_873, %mul3A_882 : i32
        %get3A_884 = arith.index_cast %mul3A_883 : i32 to index
        %get3A_885 = tpu.vector_load %arg18[%get3A_884] {strides = array<i32>} : memref<4096xf32, #tpu.memory_space<vmem>>, vector<16xf32>,
        %get3A_886 = vector.shape_cast %get3A_885 : vector<16xf32> to vector<16xf32>
        %get3A_887 = arith.index_cast %mul3A_883 : i32 to index
        %get3A_888 = tpu.vector_load %arg19[%get3A_887] {strides = array<i32>} : memref<4096xf32, #tpu.memory_space<vmem>>, vector<16xf32>,
        %get3A_889 = vector.shape_cast %get3A_888 : vector<16xf32> to vector<16xf32>
        %get3A_890 = arith.index_cast %mul3A_883 : i32 to index
        %get3A_891 = tpu.vector_load %arg20[%get3A_890] {strides = array<i32>} : memref<4096xf32, #tpu.memory_space<vmem>>, vector<16xf32>,
        %get3A_892 = vector.shape_cast %get3A_891 : vector<16xf32> to vector<16xf32>
        %get3A_893 = arith.index_cast %mul3A_883 : i32 to index
        %get3A_894 = tpu.vector_load %arg22[%get3A_893] {strides = array<i32>} : memref<4096xf32, #tpu.memory_space<vmem>>, vector<16xf32>,
        %get3A_895 = vector.shape_cast %get3A_894 : vector<16xf32> to vector<16xf32>
        %mul3A_896 = arith.mulf %mul3A_570, %get3A_886 : vector<16xf32>
        %add3A_897 = arith.addf %get3A_895, %mul3A_896 : vector<16xf32>
        %mul3A_898 = arith.mulf %mul3A_577, %get3A_889 : vector<16xf32>
        %add3A_899 = arith.addf %add3A_897, %mul3A_898 : vector<16xf32>
        %mul3A_900 = arith.mulf %mul3A_584, %get3A_892 : vector<16xf32>
        %add3A_901 = arith.addf %add3A_899, %mul3A_900 : vector<16xf32>
        %min3A_902 = arith.minimumf %scan3A_874, %add3A_901 : vector<16xf32>
        %mul3A_903 = arith.mulf %mul3A_591, %get3A_886 : vector<16xf32>
        %add3A_904 = arith.addf %get3A_895, %mul3A_903 : vector<16xf32>
        %mul3A_905 = arith.mulf %mul3A_598, %get3A_889 : vector<16xf32>
        %add3A_906 = arith.addf %add3A_904, %mul3A_905 : vector<16xf32>
        %mul3A_907 = arith.mulf %mul3A_605, %get3A_892 : vector<16xf32>
        %add3A_908 = arith.addf %add3A_906, %mul3A_907 : vector<16xf32>
        %min3A_909 = arith.minimumf %scan3A_875, %add3A_908 : vector<16xf32>
        %mul3A_910 = arith.mulf %mul3A_612, %get3A_886 : vector<16xf32>
        %add3A_911 = arith.addf %get3A_895, %mul3A_910 : vector<16xf32>
        %mul3A_912 = arith.mulf %mul3A_619, %get3A_889 : vector<16xf32>
        %add3A_913 = arith.addf %add3A_911, %mul3A_912 : vector<16xf32>
        %mul3A_914 = arith.mulf %mul3A_626, %get3A_892 : vector<16xf32>
        %add3A_915 = arith.addf %add3A_913, %mul3A_914 : vector<16xf32>
        %min3A_916 = arith.minimumf %scan3A_876, %add3A_915 : vector<16xf32>
        %mul3A_917 = arith.mulf %mul3A_633, %get3A_886 : vector<16xf32>
        %add3A_918 = arith.addf %get3A_895, %mul3A_917 : vector<16xf32>
        %mul3A_919 = arith.mulf %mul3A_640, %get3A_889 : vector<16xf32>
        %add3A_920 = arith.addf %add3A_918, %mul3A_919 : vector<16xf32>
        %mul3A_921 = arith.mulf %mul3A_647, %get3A_892 : vector<16xf32>
        %add3A_922 = arith.addf %add3A_920, %mul3A_921 : vector<16xf32>
        %min3A_923 = arith.minimumf %scan3A_877, %add3A_922 : vector<16xf32>
        %mul3A_924 = arith.mulf %mul3A_654, %get3A_886 : vector<16xf32>
        %add3A_925 = arith.addf %get3A_895, %mul3A_924 : vector<16xf32>
        %mul3A_926 = arith.mulf %mul3A_661, %get3A_889 : vector<16xf32>
        %add3A_927 = arith.addf %add3A_925, %mul3A_926 : vector<16xf32>
        %mul3A_928 = arith.mulf %mul3A_668, %get3A_892 : vector<16xf32>
        %add3A_929 = arith.addf %add3A_927, %mul3A_928 : vector<16xf32>
        %min3A_930 = arith.minimumf %scan3A_878, %add3A_929 : vector<16xf32>
        %mul3A_931 = arith.mulf %mul3A_675, %get3A_886 : vector<16xf32>
        %add3A_932 = arith.addf %get3A_895, %mul3A_931 : vector<16xf32>
        %mul3A_933 = arith.mulf %mul3A_682, %get3A_889 : vector<16xf32>
        %add3A_934 = arith.addf %add3A_932, %mul3A_933 : vector<16xf32>
        %mul3A_935 = arith.mulf %mul3A_689, %get3A_892 : vector<16xf32>
        %add3A_936 = arith.addf %add3A_934, %mul3A_935 : vector<16xf32>
        %min3A_937 = arith.minimumf %scan3A_879, %add3A_936 : vector<16xf32>
        %mul3A_938 = arith.mulf %mul3A_696, %get3A_886 : vector<16xf32>
        %add3A_939 = arith.addf %get3A_895, %mul3A_938 : vector<16xf32>
        %mul3A_940 = arith.mulf %mul3A_703, %get3A_889 : vector<16xf32>
        %add3A_941 = arith.addf %add3A_939, %mul3A_940 : vector<16xf32>
        %mul3A_942 = arith.mulf %mul3A_710, %get3A_892 : vector<16xf32>
        %add3A_943 = arith.addf %add3A_941, %mul3A_942 : vector<16xf32>
        %min3A_944 = arith.minimumf %scan3A_880, %add3A_943 : vector<16xf32>
        %mul3A_945 = arith.mulf %mul3A_717, %get3A_886 : vector<16xf32>
        %add3A_946 = arith.addf %get3A_895, %mul3A_945 : vector<16xf32>
        %mul3A_947 = arith.mulf %mul3A_724, %get3A_889 : vector<16xf32>
        %add3A_948 = arith.addf %add3A_946, %mul3A_947 : vector<16xf32>
        %mul3A_949 = arith.mulf %mul3A_731, %get3A_892 : vector<16xf32>
        %add3A_950 = arith.addf %add3A_948, %mul3A_949 : vector<16xf32>
        %min3A_951 = arith.minimumf %scan3A_881, %add3A_950 : vector<16xf32>
        scf.yield %min3A_902, %min3A_909, %min3A_916, %min3A_923, %min3A_930, %min3A_937, %min3A_944, %min3A_951 : vector<16xf32>, vector<16xf32>, vector<16xf32>, vector<16xf32>, vector<16xf32>, vector<16xf32>, vector<16xf32>, vector<16xf32>
      }
      %scan3A_753 = arith.constant 256 : i32
      %gather3A_754 = vector.shape_cast %reshape3A : vector<16x1xi32> to vector<16xi32>
      %gather3A_755 = tpu.dynamic_gather %scan3A_752#0[%gather3A_754] in [0] : vector<16xf32>, vector<16xi32> -> vector<16xf32>
      %min3A_756 = arith.minimumf %scan3A_752#0, %gather3A_755 : vector<16xf32>
      %gather3A_757 = vector.shape_cast %reshape3A_54 : vector<16x1xi32> to vector<16xi32>
      %gather3A_758 = tpu.dynamic_gather %min3A_756[%gather3A_757] in [0] : vector<16xf32>, vector<16xi32> -> vector<16xf32>
      %min3A_759 = arith.minimumf %min3A_756, %gather3A_758 : vector<16xf32>
      %gather3A_760 = vector.shape_cast %reshape3A_61 : vector<16x1xi32> to vector<16xi32>
      %gather3A_761 = tpu.dynamic_gather %min3A_759[%gather3A_760] in [0] : vector<16xf32>, vector<16xi32> -> vector<16xf32>
      %min3A_762 = arith.minimumf %min3A_759, %gather3A_761 : vector<16xf32>
      %gather3A_763 = vector.shape_cast %reshape3A_68 : vector<16x1xi32> to vector<16xi32>
      %gather3A_764 = tpu.dynamic_gather %min3A_762[%gather3A_763] in [0] : vector<16xf32>, vector<16xi32> -> vector<16xf32>
      %min3A_765 = arith.minimumf %min3A_762, %gather3A_764 : vector<16xf32>
      %mul3A_766 = arith.mulf %min3A_765, %select_n3A_108 : vector<16xf32>
      %add3A_767 = arith.addf %add3A_563, %mul3A_766 : vector<16xf32>
      %gather3A_768 = vector.shape_cast %reshape3A : vector<16x1xi32> to vector<16xi32>
      %gather3A_769 = tpu.dynamic_gather %scan3A_752#1[%gather3A_768] in [0] : vector<16xf32>, vector<16xi32> -> vector<16xf32>
      %min3A_770 = arith.minimumf %scan3A_752#1, %gather3A_769 : vector<16xf32>
      %gather3A_771 = vector.shape_cast %reshape3A_54 : vector<16x1xi32> to vector<16xi32>
      %gather3A_772 = tpu.dynamic_gather %min3A_770[%gather3A_771] in [0] : vector<16xf32>, vector<16xi32> -> vector<16xf32>
      %min3A_773 = arith.minimumf %min3A_770, %gather3A_772 : vector<16xf32>
      %gather3A_774 = vector.shape_cast %reshape3A_61 : vector<16x1xi32> to vector<16xi32>
      %gather3A_775 = tpu.dynamic_gather %min3A_773[%gather3A_774] in [0] : vector<16xf32>, vector<16xi32> -> vector<16xf32>
      %min3A_776 = arith.minimumf %min3A_773, %gather3A_775 : vector<16xf32>
      %gather3A_777 = vector.shape_cast %reshape3A_68 : vector<16x1xi32> to vector<16xi32>
      %gather3A_778 = tpu.dynamic_gather %min3A_776[%gather3A_777] in [0] : vector<16xf32>, vector<16xi32> -> vector<16xf32>
      %min3A_779 = arith.minimumf %min3A_776, %gather3A_778 : vector<16xf32>
      %mul3A_780 = arith.mulf %min3A_779, %select_n3A_112 : vector<16xf32>
      %add3A_781 = arith.addf %add3A_767, %mul3A_780 : vector<16xf32>
      %gather3A_782 = vector.shape_cast %reshape3A : vector<16x1xi32> to vector<16xi32>
      %gather3A_783 = tpu.dynamic_gather %scan3A_752#2[%gather3A_782] in [0] : vector<16xf32>, vector<16xi32> -> vector<16xf32>
      %min3A_784 = arith.minimumf %scan3A_752#2, %gather3A_783 : vector<16xf32>
      %gather3A_785 = vector.shape_cast %reshape3A_54 : vector<16x1xi32> to vector<16xi32>
      %gather3A_786 = tpu.dynamic_gather %min3A_784[%gather3A_785] in [0] : vector<16xf32>, vector<16xi32> -> vector<16xf32>
      %min3A_787 = arith.minimumf %min3A_784, %gather3A_786 : vector<16xf32>
      %gather3A_788 = vector.shape_cast %reshape3A_61 : vector<16x1xi32> to vector<16xi32>
      %gather3A_789 = tpu.dynamic_gather %min3A_787[%gather3A_788] in [0] : vector<16xf32>, vector<16xi32> -> vector<16xf32>
      %min3A_790 = arith.minimumf %min3A_787, %gather3A_789 : vector<16xf32>
      %gather3A_791 = vector.shape_cast %reshape3A_68 : vector<16x1xi32> to vector<16xi32>
      %gather3A_792 = tpu.dynamic_gather %min3A_790[%gather3A_791] in [0] : vector<16xf32>, vector<16xi32> -> vector<16xf32>
      %min3A_793 = arith.minimumf %min3A_790, %gather3A_792 : vector<16xf32>
      %mul3A_794 = arith.mulf %min3A_793, %select_n3A_116 : vector<16xf32>
      %add3A_795 = arith.addf %add3A_781, %mul3A_794 : vector<16xf32>
      %gather3A_796 = vector.shape_cast %reshape3A : vector<16x1xi32> to vector<16xi32>
      %gather3A_797 = tpu.dynamic_gather %scan3A_752#3[%gather3A_796] in [0] : vector<16xf32>, vector<16xi32> -> vector<16xf32>
      %min3A_798 = arith.minimumf %scan3A_752#3, %gather3A_797 : vector<16xf32>
      %gather3A_799 = vector.shape_cast %reshape3A_54 : vector<16x1xi32> to vector<16xi32>
      %gather3A_800 = tpu.dynamic_gather %min3A_798[%gather3A_799] in [0] : vector<16xf32>, vector<16xi32> -> vector<16xf32>
      %min3A_801 = arith.minimumf %min3A_798, %gather3A_800 : vector<16xf32>
      %gather3A_802 = vector.shape_cast %reshape3A_61 : vector<16x1xi32> to vector<16xi32>
      %gather3A_803 = tpu.dynamic_gather %min3A_801[%gather3A_802] in [0] : vector<16xf32>, vector<16xi32> -> vector<16xf32>
      %min3A_804 = arith.minimumf %min3A_801, %gather3A_803 : vector<16xf32>
      %gather3A_805 = vector.shape_cast %reshape3A_68 : vector<16x1xi32> to vector<16xi32>
      %gather3A_806 = tpu.dynamic_gather %min3A_804[%gather3A_805] in [0] : vector<16xf32>, vector<16xi32> -> vector<16xf32>
      %min3A_807 = arith.minimumf %min3A_804, %gather3A_806 : vector<16xf32>
      %mul3A_808 = arith.mulf %min3A_807, %select_n3A_120 : vector<16xf32>
      %add3A_809 = arith.addf %add3A_795, %mul3A_808 : vector<16xf32>
      %gather3A_810 = vector.shape_cast %reshape3A : vector<16x1xi32> to vector<16xi32>
      %gather3A_811 = tpu.dynamic_gather %scan3A_752#4[%gather3A_810] in [0] : vector<16xf32>, vector<16xi32> -> vector<16xf32>
      %min3A_812 = arith.minimumf %scan3A_752#4, %gather3A_811 : vector<16xf32>
      %gather3A_813 = vector.shape_cast %reshape3A_54 : vector<16x1xi32> to vector<16xi32>
      %gather3A_814 = tpu.dynamic_gather %min3A_812[%gather3A_813] in [0] : vector<16xf32>, vector<16xi32> -> vector<16xf32>
      %min3A_815 = arith.minimumf %min3A_812, %gather3A_814 : vector<16xf32>
      %gather3A_816 = vector.shape_cast %reshape3A_61 : vector<16x1xi32> to vector<16xi32>
      %gather3A_817 = tpu.dynamic_gather %min3A_815[%gather3A_816] in [0] : vector<16xf32>, vector<16xi32> -> vector<16xf32>
      %min3A_818 = arith.minimumf %min3A_815, %gather3A_817 : vector<16xf32>
      %gather3A_819 = vector.shape_cast %reshape3A_68 : vector<16x1xi32> to vector<16xi32>
      %gather3A_820 = tpu.dynamic_gather %min3A_818[%gather3A_819] in [0] : vector<16xf32>, vector<16xi32> -> vector<16xf32>
      %min3A_821 = arith.minimumf %min3A_818, %gather3A_820 : vector<16xf32>
      %mul3A_822 = arith.mulf %min3A_821, %select_n3A_124 : vector<16xf32>
      %add3A_823 = arith.addf %add3A_809, %mul3A_822 : vector<16xf32>
      %gather3A_824 = vector.shape_cast %reshape3A : vector<16x1xi32> to vector<16xi32>
      %gather3A_825 = tpu.dynamic_gather %scan3A_752#5[%gather3A_824] in [0] : vector<16xf32>, vector<16xi32> -> vector<16xf32>
      %min3A_826 = arith.minimumf %scan3A_752#5, %gather3A_825 : vector<16xf32>
      %gather3A_827 = vector.shape_cast %reshape3A_54 : vector<16x1xi32> to vector<16xi32>
      %gather3A_828 = tpu.dynamic_gather %min3A_826[%gather3A_827] in [0] : vector<16xf32>, vector<16xi32> -> vector<16xf32>
      %min3A_829 = arith.minimumf %min3A_826, %gather3A_828 : vector<16xf32>
      %gather3A_830 = vector.shape_cast %reshape3A_61 : vector<16x1xi32> to vector<16xi32>
      %gather3A_831 = tpu.dynamic_gather %min3A_829[%gather3A_830] in [0] : vector<16xf32>, vector<16xi32> -> vector<16xf32>
      %min3A_832 = arith.minimumf %min3A_829, %gather3A_831 : vector<16xf32>
      %gather3A_833 = vector.shape_cast %reshape3A_68 : vector<16x1xi32> to vector<16xi32>
      %gather3A_834 = tpu.dynamic_gather %min3A_832[%gather3A_833] in [0] : vector<16xf32>, vector<16xi32> -> vector<16xf32>
      %min3A_835 = arith.minimumf %min3A_832, %gather3A_834 : vector<16xf32>
      %mul3A_836 = arith.mulf %min3A_835, %select_n3A_128 : vector<16xf32>
      %add3A_837 = arith.addf %add3A_823, %mul3A_836 : vector<16xf32>
      %gather3A_838 = vector.shape_cast %reshape3A : vector<16x1xi32> to vector<16xi32>
      %gather3A_839 = tpu.dynamic_gather %scan3A_752#6[%gather3A_838] in [0] : vector<16xf32>, vector<16xi32> -> vector<16xf32>
      %min3A_840 = arith.minimumf %scan3A_752#6, %gather3A_839 : vector<16xf32>
      %gather3A_841 = vector.shape_cast %reshape3A_54 : vector<16x1xi32> to vector<16xi32>
      %gather3A_842 = tpu.dynamic_gather %min3A_840[%gather3A_841] in [0] : vector<16xf32>, vector<16xi32> -> vector<16xf32>
      %min3A_843 = arith.minimumf %min3A_840, %gather3A_842 : vector<16xf32>
      %gather3A_844 = vector.shape_cast %reshape3A_61 : vector<16x1xi32> to vector<16xi32>
      %gather3A_845 = tpu.dynamic_gather %min3A_843[%gather3A_844] in [0] : vector<16xf32>, vector<16xi32> -> vector<16xf32>
      %min3A_846 = arith.minimumf %min3A_843, %gather3A_845 : vector<16xf32>
      %gather3A_847 = vector.shape_cast %reshape3A_68 : vector<16x1xi32> to vector<16xi32>
      %gather3A_848 = tpu.dynamic_gather %min3A_846[%gather3A_847] in [0] : vector<16xf32>, vector<16xi32> -> vector<16xf32>
      %min3A_849 = arith.minimumf %min3A_846, %gather3A_848 : vector<16xf32>
      %mul3A_850 = arith.mulf %min3A_849, %select_n3A_132 : vector<16xf32>
      %add3A_851 = arith.addf %add3A_837, %mul3A_850 : vector<16xf32>
      %gather3A_852 = vector.shape_cast %reshape3A : vector<16x1xi32> to vector<16xi32>
      %gather3A_853 = tpu.dynamic_gather %scan3A_752#7[%gather3A_852] in [0] : vector<16xf32>, vector<16xi32> -> vector<16xf32>
      %min3A_854 = arith.minimumf %scan3A_752#7, %gather3A_853 : vector<16xf32>
      %gather3A_855 = vector.shape_cast %reshape3A_54 : vector<16x1xi32> to vector<16xi32>
      %gather3A_856 = tpu.dynamic_gather %min3A_854[%gather3A_855] in [0] : vector<16xf32>, vector<16xi32> -> vector<16xf32>
      %min3A_857 = arith.minimumf %min3A_854, %gather3A_856 : vector<16xf32>
      %gather3A_858 = vector.shape_cast %reshape3A_61 : vector<16x1xi32> to vector<16xi32>
      %gather3A_859 = tpu.dynamic_gather %min3A_857[%gather3A_858] in [0] : vector<16xf32>, vector<16xi32> -> vector<16xf32>
      %min3A_860 = arith.minimumf %min3A_857, %gather3A_859 : vector<16xf32>
      %gather3A_861 = vector.shape_cast %reshape3A_68 : vector<16x1xi32> to vector<16xi32>
      %gather3A_862 = tpu.dynamic_gather %min3A_860[%gather3A_861] in [0] : vector<16xf32>, vector<16xi32> -> vector<16xf32>
      %min3A_863 = arith.minimumf %min3A_860, %gather3A_862 : vector<16xf32>
      %mul3A_864 = arith.mulf %min3A_863, %select_n3A_136 : vector<16xf32>
      %add3A_865 = arith.addf %add3A_851, %mul3A_864 : vector<16xf32>
      %get3A_866 = arith.index_cast %add3A_253 : i32 to index
      %get3A_867 = tpu.vector_load %arg21[%get3A_866] {strides = array<i32>} : memref<4096xf32, #tpu.memory_space<vmem>>, vector<16xf32>,
      %get3A_868 = vector.shape_cast %get3A_867 : vector<16xf32> to vector<16xf32>
      %add3A_869 = arith.addf %add3A_865, %get3A_868 : vector<16xf32>
      %max3A = arith.constant 0.000000e+00 : f32
      %max3A_870 = vector.broadcast %max3A : f32 to vector<16xf32>
      %max3A_871 = arith.maximumf %add3A_869, %max3A_870 : vector<16xf32>
      %add3A_872 = arith.addf %scan3A_250, %max3A_871 : vector<16xf32>
      scf.yield %add3A_872 : vector<16xf32>
    }
    %scan3A_142 = arith.constant 32 : i32
    %iota3A_143 = tpu.iota {dimensions = array<i32: 0>} : vector<16xi32>
    %add3A_144 = arith.constant 8 : i32
    %add3A_145 = vector.broadcast %add3A_144 : i32 to vector<16xi32>
    %add3A_146 = arith.addi %iota3A_143, %add3A_145 : vector<16xi32>
    %and3A_147 = arith.constant 15 : i32
    %and3A_148 = vector.broadcast %and3A_147 : i32 to vector<16xi32>
    %and3A_149 = arith.andi %add3A_146, %and3A_148 : vector<16xi32>
    %reshape3A_150 = vector.shape_cast %and3A_149 : vector<16xi32> to vector<16x1xi32>
    %add3A_151 = arith.constant 4 : i32
    %add3A_152 = vector.broadcast %add3A_151 : i32 to vector<16xi32>
    %add3A_153 = arith.addi %iota3A_143, %add3A_152 : vector<16xi32>
    %and3A_154 = arith.constant 15 : i32
    %and3A_155 = vector.broadcast %and3A_154 : i32 to vector<16xi32>
    %and3A_156 = arith.andi %add3A_153, %and3A_155 : vector<16xi32>
    %reshape3A_157 = vector.shape_cast %and3A_156 : vector<16xi32> to vector<16x1xi32>
    %add3A_158 = arith.constant 2 : i32
    %add3A_159 = vector.broadcast %add3A_158 : i32 to vector<16xi32>
    %add3A_160 = arith.addi %iota3A_143, %add3A_159 : vector<16xi32>
    %and3A_161 = arith.constant 15 : i32
    %and3A_162 = vector.broadcast %and3A_161 : i32 to vector<16xi32>
    %and3A_163 = arith.andi %add3A_160, %and3A_162 : vector<16xi32>
    %reshape3A_164 = vector.shape_cast %and3A_163 : vector<16xi32> to vector<16x1xi32>
    %add3A_165 = arith.constant 1 : i32
    %add3A_166 = vector.broadcast %add3A_165 : i32 to vector<16xi32>
    %add3A_167 = arith.addi %iota3A_143, %add3A_166 : vector<16xi32>
    %and3A_168 = arith.constant 15 : i32
    %and3A_169 = vector.broadcast %and3A_168 : i32 to vector<16xi32>
    %and3A_170 = arith.andi %add3A_167, %and3A_169 : vector<16xi32>
    %reshape3A_171 = vector.shape_cast %and3A_170 : vector<16xi32> to vector<16x1xi32>
    %broadcast_in_dim3A_172 = arith.constant 1.000000e+00 : f32
    %broadcast_in_dim3A_173 = vector.broadcast %broadcast_in_dim3A_172 : f32 to vector<16xf32>
    %broadcast_in_dim3A_174 = arith.constant 0.000000e+00 : f32
    %broadcast_in_dim3A_175 = vector.broadcast %broadcast_in_dim3A_174 : f32 to vector<16xf32>
    %eq3A_176 = arith.constant 0 : i32
    %eq3A_177 = vector.broadcast %eq3A_176 : i32 to vector<16xi32>
    %eq3A_178 = arith.cmpi eq, %iota3A_143, %eq3A_177 : vector<16xi32>
    %select_n3A_179 = arith.select %eq3A_178, %broadcast_in_dim3A_173, %broadcast_in_dim3A_175 : vector<16xi1>, vector<16xf32>
    %eq3A_180 = arith.constant 1 : i32
    %eq3A_181 = vector.broadcast %eq3A_180 : i32 to vector<16xi32>
    %eq3A_182 = arith.cmpi eq, %iota3A_143, %eq3A_181 : vector<16xi32>
    %select_n3A_183 = arith.select %eq3A_182, %broadcast_in_dim3A_173, %broadcast_in_dim3A_175 : vector<16xi1>, vector<16xf32>
    %eq3A_184 = arith.constant 2 : i32
    %eq3A_185 = vector.broadcast %eq3A_184 : i32 to vector<16xi32>
    %eq3A_186 = arith.cmpi eq, %iota3A_143, %eq3A_185 : vector<16xi32>
    %select_n3A_187 = arith.select %eq3A_186, %broadcast_in_dim3A_173, %broadcast_in_dim3A_175 : vector<16xi1>, vector<16xf32>
    %eq3A_188 = arith.constant 3 : i32
    %eq3A_189 = vector.broadcast %eq3A_188 : i32 to vector<16xi32>
    %eq3A_190 = arith.cmpi eq, %iota3A_143, %eq3A_189 : vector<16xi32>
    %select_n3A_191 = arith.select %eq3A_190, %broadcast_in_dim3A_173, %broadcast_in_dim3A_175 : vector<16xi1>, vector<16xf32>
    %eq3A_192 = arith.constant 4 : i32
    %eq3A_193 = vector.broadcast %eq3A_192 : i32 to vector<16xi32>
    %eq3A_194 = arith.cmpi eq, %iota3A_143, %eq3A_193 : vector<16xi32>
    %select_n3A_195 = arith.select %eq3A_194, %broadcast_in_dim3A_173, %broadcast_in_dim3A_175 : vector<16xi1>, vector<16xf32>
    %eq3A_196 = arith.constant 5 : i32
    %eq3A_197 = vector.broadcast %eq3A_196 : i32 to vector<16xi32>
    %eq3A_198 = arith.cmpi eq, %iota3A_143, %eq3A_197 : vector<16xi32>
    %select_n3A_199 = arith.select %eq3A_198, %broadcast_in_dim3A_173, %broadcast_in_dim3A_175 : vector<16xi1>, vector<16xf32>
    %eq3A_200 = arith.constant 6 : i32
    %eq3A_201 = vector.broadcast %eq3A_200 : i32 to vector<16xi32>
    %eq3A_202 = arith.cmpi eq, %iota3A_143, %eq3A_201 : vector<16xi32>
    %select_n3A_203 = arith.select %eq3A_202, %broadcast_in_dim3A_173, %broadcast_in_dim3A_175 : vector<16xi1>, vector<16xf32>
    %eq3A_204 = arith.constant 7 : i32
    %eq3A_205 = vector.broadcast %eq3A_204 : i32 to vector<16xi32>
    %eq3A_206 = arith.cmpi eq, %iota3A_143, %eq3A_205 : vector<16xi32>
    %select_n3A_207 = arith.select %eq3A_206, %broadcast_in_dim3A_173, %broadcast_in_dim3A_175 : vector<16xi1>, vector<16xf32>
    %eq3A_208 = arith.constant 8 : i32
    %eq3A_209 = vector.broadcast %eq3A_208 : i32 to vector<16xi32>
    %eq3A_210 = arith.cmpi eq, %iota3A_143, %eq3A_209 : vector<16xi32>
    %select_n3A_211 = arith.select %eq3A_210, %broadcast_in_dim3A_173, %broadcast_in_dim3A_175 : vector<16xi1>, vector<16xf32>
    %eq3A_212 = arith.constant 9 : i32
    %eq3A_213 = vector.broadcast %eq3A_212 : i32 to vector<16xi32>
    %eq3A_214 = arith.cmpi eq, %iota3A_143, %eq3A_213 : vector<16xi32>
    %select_n3A_215 = arith.select %eq3A_214, %broadcast_in_dim3A_173, %broadcast_in_dim3A_175 : vector<16xi1>, vector<16xf32>
    %eq3A_216 = arith.constant 10 : i32
    %eq3A_217 = vector.broadcast %eq3A_216 : i32 to vector<16xi32>
    %eq3A_218 = arith.cmpi eq, %iota3A_143, %eq3A_217 : vector<16xi32>
    %select_n3A_219 = arith.select %eq3A_218, %broadcast_in_dim3A_173, %broadcast_in_dim3A_175 : vector<16xi1>, vector<16xf32>
    %eq3A_220 = arith.constant 11 : i32
    %eq3A_221 = vector.broadcast %eq3A_220 : i32 to vector<16xi32>
    %eq3A_222 = arith.cmpi eq, %iota3A_143, %eq3A_221 : vector<16xi32>
    %select_n3A_223 = arith.select %eq3A_222, %broadcast_in_dim3A_173, %broadcast_in_dim3A_175 : vector<16xi1>, vector<16xf32>
    %eq3A_224 = arith.constant 12 : i32
    %eq3A_225 = vector.broadcast %eq3A_224 : i32 to vector<16xi32>
    %eq3A_226 = arith.cmpi eq, %iota3A_143, %eq3A_225 : vector<16xi32>
    %select_n3A_227 = arith.select %eq3A_226, %broadcast_in_dim3A_173, %broadcast_in_dim3A_175 : vector<16xi1>, vector<16xf32>
    %eq3A_228 = arith.constant 13 : i32
    %eq3A_229 = vector.broadcast %eq3A_228 : i32 to vector<16xi32>
    %eq3A_230 = arith.cmpi eq, %iota3A_143, %eq3A_229 : vector<16xi32>
    %select_n3A_231 = arith.select %eq3A_230, %broadcast_in_dim3A_173, %broadcast_in_dim3A_175 : vector<16xi1>, vector<16xf32>
    %eq3A_232 = arith.constant 14 : i32
    %eq3A_233 = vector.broadcast %eq3A_232 : i32 to vector<16xi32>
    %eq3A_234 = arith.cmpi eq, %iota3A_143, %eq3A_233 : vector<16xi32>
    %select_n3A_235 = arith.select %eq3A_234, %broadcast_in_dim3A_173, %broadcast_in_dim3A_175 : vector<16xi1>, vector<16xf32>
    %eq3A_236 = arith.constant 15 : i32
    %eq3A_237 = vector.broadcast %eq3A_236 : i32 to vector<16xi32>
    %eq3A_238 = arith.cmpi eq, %iota3A_143, %eq3A_237 : vector<16xi32>
    %select_n3A_239 = arith.select %eq3A_238, %broadcast_in_dim3A_173, %broadcast_in_dim3A_175 : vector<16xi1>, vector<16xf32>
    %scan3A_240 = arith.constant 0 : i32
    %scan3A_241 = arith.constant 32 : i32
    %scan3A_242 = arith.addi %scan3A_240, %scan3A_241 : i32
    %scan3A_243 = arith.constant 1 : i32
    %scan3A_244 = scf.for %scan3A_249 = %scan3A_240 to %scan3A_242 step %scan3A_243 iter_args(%scan3A_250 = %scan3A_141) -> (vector<16xf32>)  : i32 {
      %mul3A_251 = arith.constant 16 : i32
      %mul3A_252 = arith.muli %scan3A_249, %mul3A_251 : i32
      %add3A_253 = arith.addi %mul3A_34, %mul3A_252 : i32
      %get3A = arith.index_cast %add3A_253 : i32 to index
      %get3A_254 = tpu.vector_load %arg18[%get3A] {strides = array<i32>} : memref<4096xf32, #tpu.memory_space<vmem>>, vector<16xf32>,
      %get3A_255 = vector.shape_cast %get3A_254 : vector<16xf32> to vector<16xf32>
      %get3A_256 = arith.index_cast %add3A_253 : i32 to index
      %get3A_257 = tpu.vector_load %arg19[%get3A_256] {strides = array<i32>} : memref<4096xf32, #tpu.memory_space<vmem>>, vector<16xf32>,
      %get3A_258 = vector.shape_cast %get3A_257 : vector<16xf32> to vector<16xf32>
      %get3A_259 = arith.index_cast %add3A_253 : i32 to index
      %get3A_260 = tpu.vector_load %arg20[%get3A_259] {strides = array<i32>} : memref<4096xf32, #tpu.memory_space<vmem>>, vector<16xf32>,
      %get3A_261 = vector.shape_cast %get3A_260 : vector<16xf32> to vector<16xf32>
      %broadcast_in_dim3A_262 = arith.constant 0.000000e+00 : f32
      %broadcast_in_dim3A_263 = vector.broadcast %broadcast_in_dim3A_262 : f32 to vector<16xf32>
      %broadcast_in_dim3A_264 = arith.constant 0 : i32
      %broadcast_in_dim3A_265 = vector.broadcast %broadcast_in_dim3A_264 : i32 to vector<16x1xi32>
      %gather3A = vector.shape_cast %broadcast_in_dim3A_265 : vector<16x1xi32> to vector<16xi32>
      %gather3A_266 = tpu.dynamic_gather %get3A_255[%gather3A] in [0] : vector<16xf32>, vector<16xi32> -> vector<16xf32>
      %mul3A_267 = arith.constant -2.000000e+00 : f32
      %mul3A_268 = vector.broadcast %mul3A_267 : f32 to vector<16xf32>
      %mul3A_269 = arith.mulf %gather3A_266, %mul3A_268 : vector<16xf32>
      %broadcast_in_dim3A_270 = arith.constant 0 : i32
      %broadcast_in_dim3A_271 = vector.broadcast %broadcast_in_dim3A_270 : i32 to vector<16x1xi32>
      %gather3A_272 = vector.shape_cast %broadcast_in_dim3A_271 : vector<16x1xi32> to vector<16xi32>
      %gather3A_273 = tpu.dynamic_gather %get3A_258[%gather3A_272] in [0] : vector<16xf32>, vector<16xi32> -> vector<16xf32>
      %mul3A_274 = arith.constant -2.000000e+00 : f32
      %mul3A_275 = vector.broadcast %mul3A_274 : f32 to vector<16xf32>
      %mul3A_276 = arith.mulf %gather3A_273, %mul3A_275 : vector<16xf32>
      %broadcast_in_dim3A_277 = arith.constant 0 : i32
      %broadcast_in_dim3A_278 = vector.broadcast %broadcast_in_dim3A_277 : i32 to vector<16x1xi32>
      %gather3A_279 = vector.shape_cast %broadcast_in_dim3A_278 : vector<16x1xi32> to vector<16xi32>
      %gather3A_280 = tpu.dynamic_gather %get3A_261[%gather3A_279] in [0] : vector<16xf32>, vector<16xi32> -> vector<16xf32>
      %mul3A_281 = arith.constant -2.000000e+00 : f32
      %mul3A_282 = vector.broadcast %mul3A_281 : f32 to vector<16xf32>
      %mul3A_283 = arith.mulf %gather3A_280, %mul3A_282 : vector<16xf32>
      %broadcast_in_dim3A_284 = arith.constant 1 : i32
      %broadcast_in_dim3A_285 = vector.broadcast %broadcast_in_dim3A_284 : i32 to vector<16x1xi32>
      %gather3A_286 = vector.shape_cast %broadcast_in_dim3A_285 : vector<16x1xi32> to vector<16xi32>
      %gather3A_287 = tpu.dynamic_gather %get3A_255[%gather3A_286] in [0] : vector<16xf32>, vector<16xi32> -> vector<16xf32>
      %mul3A_288 = arith.constant -2.000000e+00 : f32
      %mul3A_289 = vector.broadcast %mul3A_288 : f32 to vector<16xf32>
      %mul3A_290 = arith.mulf %gather3A_287, %mul3A_289 : vector<16xf32>
      %broadcast_in_dim3A_291 = arith.constant 1 : i32
      %broadcast_in_dim3A_292 = vector.broadcast %broadcast_in_dim3A_291 : i32 to vector<16x1xi32>
      %gather3A_293 = vector.shape_cast %broadcast_in_dim3A_292 : vector<16x1xi32> to vector<16xi32>
      %gather3A_294 = tpu.dynamic_gather %get3A_258[%gather3A_293] in [0] : vector<16xf32>, vector<16xi32> -> vector<16xf32>
      %mul3A_295 = arith.constant -2.000000e+00 : f32
      %mul3A_296 = vector.broadcast %mul3A_295 : f32 to vector<16xf32>
      %mul3A_297 = arith.mulf %gather3A_294, %mul3A_296 : vector<16xf32>
      %broadcast_in_dim3A_298 = arith.constant 1 : i32
      %broadcast_in_dim3A_299 = vector.broadcast %broadcast_in_dim3A_298 : i32 to vector<16x1xi32>
      %gather3A_300 = vector.shape_cast %broadcast_in_dim3A_299 : vector<16x1xi32> to vector<16xi32>
      %gather3A_301 = tpu.dynamic_gather %get3A_261[%gather3A_300] in [0] : vector<16xf32>, vector<16xi32> -> vector<16xf32>
      %mul3A_302 = arith.constant -2.000000e+00 : f32
      %mul3A_303 = vector.broadcast %mul3A_302 : f32 to vector<16xf32>
      %mul3A_304 = arith.mulf %gather3A_301, %mul3A_303 : vector<16xf32>
      %broadcast_in_dim3A_305 = arith.constant 2 : i32
      %broadcast_in_dim3A_306 = vector.broadcast %broadcast_in_dim3A_305 : i32 to vector<16x1xi32>
      %gather3A_307 = vector.shape_cast %broadcast_in_dim3A_306 : vector<16x1xi32> to vector<16xi32>
      %gather3A_308 = tpu.dynamic_gather %get3A_255[%gather3A_307] in [0] : vector<16xf32>, vector<16xi32> -> vector<16xf32>
      %mul3A_309 = arith.constant -2.000000e+00 : f32
      %mul3A_310 = vector.broadcast %mul3A_309 : f32 to vector<16xf32>
      %mul3A_311 = arith.mulf %gather3A_308, %mul3A_310 : vector<16xf32>
      %broadcast_in_dim3A_312 = arith.constant 2 : i32
      %broadcast_in_dim3A_313 = vector.broadcast %broadcast_in_dim3A_312 : i32 to vector<16x1xi32>
      %gather3A_314 = vector.shape_cast %broadcast_in_dim3A_313 : vector<16x1xi32> to vector<16xi32>
      %gather3A_315 = tpu.dynamic_gather %get3A_258[%gather3A_314] in [0] : vector<16xf32>, vector<16xi32> -> vector<16xf32>
      %mul3A_316 = arith.constant -2.000000e+00 : f32
      %mul3A_317 = vector.broadcast %mul3A_316 : f32 to vector<16xf32>
      %mul3A_318 = arith.mulf %gather3A_315, %mul3A_317 : vector<16xf32>
      %broadcast_in_dim3A_319 = arith.constant 2 : i32
      %broadcast_in_dim3A_320 = vector.broadcast %broadcast_in_dim3A_319 : i32 to vector<16x1xi32>
      %gather3A_321 = vector.shape_cast %broadcast_in_dim3A_320 : vector<16x1xi32> to vector<16xi32>
      %gather3A_322 = tpu.dynamic_gather %get3A_261[%gather3A_321] in [0] : vector<16xf32>, vector<16xi32> -> vector<16xf32>
      %mul3A_323 = arith.constant -2.000000e+00 : f32
      %mul3A_324 = vector.broadcast %mul3A_323 : f32 to vector<16xf32>
      %mul3A_325 = arith.mulf %gather3A_322, %mul3A_324 : vector<16xf32>
      %broadcast_in_dim3A_326 = arith.constant 3 : i32
      %broadcast_in_dim3A_327 = vector.broadcast %broadcast_in_dim3A_326 : i32 to vector<16x1xi32>
      %gather3A_328 = vector.shape_cast %broadcast_in_dim3A_327 : vector<16x1xi32> to vector<16xi32>
      %gather3A_329 = tpu.dynamic_gather %get3A_255[%gather3A_328] in [0] : vector<16xf32>, vector<16xi32> -> vector<16xf32>
      %mul3A_330 = arith.constant -2.000000e+00 : f32
      %mul3A_331 = vector.broadcast %mul3A_330 : f32 to vector<16xf32>
      %mul3A_332 = arith.mulf %gather3A_329, %mul3A_331 : vector<16xf32>
      %broadcast_in_dim3A_333 = arith.constant 3 : i32
      %broadcast_in_dim3A_334 = vector.broadcast %broadcast_in_dim3A_333 : i32 to vector<16x1xi32>
      %gather3A_335 = vector.shape_cast %broadcast_in_dim3A_334 : vector<16x1xi32> to vector<16xi32>
      %gather3A_336 = tpu.dynamic_gather %get3A_258[%gather3A_335] in [0] : vector<16xf32>, vector<16xi32> -> vector<16xf32>
      %mul3A_337 = arith.constant -2.000000e+00 : f32
      %mul3A_338 = vector.broadcast %mul3A_337 : f32 to vector<16xf32>
      %mul3A_339 = arith.mulf %gather3A_336, %mul3A_338 : vector<16xf32>
      %broadcast_in_dim3A_340 = arith.constant 3 : i32
      %broadcast_in_dim3A_341 = vector.broadcast %broadcast_in_dim3A_340 : i32 to vector<16x1xi32>
      %gather3A_342 = vector.shape_cast %broadcast_in_dim3A_341 : vector<16x1xi32> to vector<16xi32>
      %gather3A_343 = tpu.dynamic_gather %get3A_261[%gather3A_342] in [0] : vector<16xf32>, vector<16xi32> -> vector<16xf32>
      %mul3A_344 = arith.constant -2.000000e+00 : f32
      %mul3A_345 = vector.broadcast %mul3A_344 : f32 to vector<16xf32>
      %mul3A_346 = arith.mulf %gather3A_343, %mul3A_345 : vector<16xf32>
      %broadcast_in_dim3A_347 = arith.constant 4 : i32
      %broadcast_in_dim3A_348 = vector.broadcast %broadcast_in_dim3A_347 : i32 to vector<16x1xi32>
      %gather3A_349 = vector.shape_cast %broadcast_in_dim3A_348 : vector<16x1xi32> to vector<16xi32>
      %gather3A_350 = tpu.dynamic_gather %get3A_255[%gather3A_349] in [0] : vector<16xf32>, vector<16xi32> -> vector<16xf32>
      %mul3A_351 = arith.constant -2.000000e+00 : f32
      %mul3A_352 = vector.broadcast %mul3A_351 : f32 to vector<16xf32>
      %mul3A_353 = arith.mulf %gather3A_350, %mul3A_352 : vector<16xf32>
      %broadcast_in_dim3A_354 = arith.constant 4 : i32
      %broadcast_in_dim3A_355 = vector.broadcast %broadcast_in_dim3A_354 : i32 to vector<16x1xi32>
      %gather3A_356 = vector.shape_cast %broadcast_in_dim3A_355 : vector<16x1xi32> to vector<16xi32>
      %gather3A_357 = tpu.dynamic_gather %get3A_258[%gather3A_356] in [0] : vector<16xf32>, vector<16xi32> -> vector<16xf32>
      %mul3A_358 = arith.constant -2.000000e+00 : f32
      %mul3A_359 = vector.broadcast %mul3A_358 : f32 to vector<16xf32>
      %mul3A_360 = arith.mulf %gather3A_357, %mul3A_359 : vector<16xf32>
      %broadcast_in_dim3A_361 = arith.constant 4 : i32
      %broadcast_in_dim3A_362 = vector.broadcast %broadcast_in_dim3A_361 : i32 to vector<16x1xi32>
      %gather3A_363 = vector.shape_cast %broadcast_in_dim3A_362 : vector<16x1xi32> to vector<16xi32>
      %gather3A_364 = tpu.dynamic_gather %get3A_261[%gather3A_363] in [0] : vector<16xf32>, vector<16xi32> -> vector<16xf32>
      %mul3A_365 = arith.constant -2.000000e+00 : f32
      %mul3A_366 = vector.broadcast %mul3A_365 : f32 to vector<16xf32>
      %mul3A_367 = arith.mulf %gather3A_364, %mul3A_366 : vector<16xf32>
      %broadcast_in_dim3A_368 = arith.constant 5 : i32
      %broadcast_in_dim3A_369 = vector.broadcast %broadcast_in_dim3A_368 : i32 to vector<16x1xi32>
      %gather3A_370 = vector.shape_cast %broadcast_in_dim3A_369 : vector<16x1xi32> to vector<16xi32>
      %gather3A_371 = tpu.dynamic_gather %get3A_255[%gather3A_370] in [0] : vector<16xf32>, vector<16xi32> -> vector<16xf32>
      %mul3A_372 = arith.constant -2.000000e+00 : f32
      %mul3A_373 = vector.broadcast %mul3A_372 : f32 to vector<16xf32>
      %mul3A_374 = arith.mulf %gather3A_371, %mul3A_373 : vector<16xf32>
      %broadcast_in_dim3A_375 = arith.constant 5 : i32
      %broadcast_in_dim3A_376 = vector.broadcast %broadcast_in_dim3A_375 : i32 to vector<16x1xi32>
      %gather3A_377 = vector.shape_cast %broadcast_in_dim3A_376 : vector<16x1xi32> to vector<16xi32>
      %gather3A_378 = tpu.dynamic_gather %get3A_258[%gather3A_377] in [0] : vector<16xf32>, vector<16xi32> -> vector<16xf32>
      %mul3A_379 = arith.constant -2.000000e+00 : f32
      %mul3A_380 = vector.broadcast %mul3A_379 : f32 to vector<16xf32>
      %mul3A_381 = arith.mulf %gather3A_378, %mul3A_380 : vector<16xf32>
      %broadcast_in_dim3A_382 = arith.constant 5 : i32
      %broadcast_in_dim3A_383 = vector.broadcast %broadcast_in_dim3A_382 : i32 to vector<16x1xi32>
      %gather3A_384 = vector.shape_cast %broadcast_in_dim3A_383 : vector<16x1xi32> to vector<16xi32>
      %gather3A_385 = tpu.dynamic_gather %get3A_261[%gather3A_384] in [0] : vector<16xf32>, vector<16xi32> -> vector<16xf32>
      %mul3A_386 = arith.constant -2.000000e+00 : f32
      %mul3A_387 = vector.broadcast %mul3A_386 : f32 to vector<16xf32>
      %mul3A_388 = arith.mulf %gather3A_385, %mul3A_387 : vector<16xf32>
      %broadcast_in_dim3A_389 = arith.constant 6 : i32
      %broadcast_in_dim3A_390 = vector.broadcast %broadcast_in_dim3A_389 : i32 to vector<16x1xi32>
      %gather3A_391 = vector.shape_cast %broadcast_in_dim3A_390 : vector<16x1xi32> to vector<16xi32>
      %gather3A_392 = tpu.dynamic_gather %get3A_255[%gather3A_391] in [0] : vector<16xf32>, vector<16xi32> -> vector<16xf32>
      %mul3A_393 = arith.constant -2.000000e+00 : f32
      %mul3A_394 = vector.broadcast %mul3A_393 : f32 to vector<16xf32>
      %mul3A_395 = arith.mulf %gather3A_392, %mul3A_394 : vector<16xf32>
      %broadcast_in_dim3A_396 = arith.constant 6 : i32
      %broadcast_in_dim3A_397 = vector.broadcast %broadcast_in_dim3A_396 : i32 to vector<16x1xi32>
      %gather3A_398 = vector.shape_cast %broadcast_in_dim3A_397 : vector<16x1xi32> to vector<16xi32>
      %gather3A_399 = tpu.dynamic_gather %get3A_258[%gather3A_398] in [0] : vector<16xf32>, vector<16xi32> -> vector<16xf32>
      %mul3A_400 = arith.constant -2.000000e+00 : f32
      %mul3A_401 = vector.broadcast %mul3A_400 : f32 to vector<16xf32>
      %mul3A_402 = arith.mulf %gather3A_399, %mul3A_401 : vector<16xf32>
      %broadcast_in_dim3A_403 = arith.constant 6 : i32
      %broadcast_in_dim3A_404 = vector.broadcast %broadcast_in_dim3A_403 : i32 to vector<16x1xi32>
      %gather3A_405 = vector.shape_cast %broadcast_in_dim3A_404 : vector<16x1xi32> to vector<16xi32>
      %gather3A_406 = tpu.dynamic_gather %get3A_261[%gather3A_405] in [0] : vector<16xf32>, vector<16xi32> -> vector<16xf32>
      %mul3A_407 = arith.constant -2.000000e+00 : f32
      %mul3A_408 = vector.broadcast %mul3A_407 : f32 to vector<16xf32>
      %mul3A_409 = arith.mulf %gather3A_406, %mul3A_408 : vector<16xf32>
      %broadcast_in_dim3A_410 = arith.constant 7 : i32
      %broadcast_in_dim3A_411 = vector.broadcast %broadcast_in_dim3A_410 : i32 to vector<16x1xi32>
      %gather3A_412 = vector.shape_cast %broadcast_in_dim3A_411 : vector<16x1xi32> to vector<16xi32>
      %gather3A_413 = tpu.dynamic_gather %get3A_255[%gather3A_412] in [0] : vector<16xf32>, vector<16xi32> -> vector<16xf32>
      %mul3A_414 = arith.constant -2.000000e+00 : f32
      %mul3A_415 = vector.broadcast %mul3A_414 : f32 to vector<16xf32>
      %mul3A_416 = arith.mulf %gather3A_413, %mul3A_415 : vector<16xf32>
      %broadcast_in_dim3A_417 = arith.constant 7 : i32
      %broadcast_in_dim3A_418 = vector.broadcast %broadcast_in_dim3A_417 : i32 to vector<16x1xi32>
      %gather3A_419 = vector.shape_cast %broadcast_in_dim3A_418 : vector<16x1xi32> to vector<16xi32>
      %gather3A_420 = tpu.dynamic_gather %get3A_258[%gather3A_419] in [0] : vector<16xf32>, vector<16xi32> -> vector<16xf32>
      %mul3A_421 = arith.constant -2.000000e+00 : f32
      %mul3A_422 = vector.broadcast %mul3A_421 : f32 to vector<16xf32>
      %mul3A_423 = arith.mulf %gather3A_420, %mul3A_422 : vector<16xf32>
      %broadcast_in_dim3A_424 = arith.constant 7 : i32
      %broadcast_in_dim3A_425 = vector.broadcast %broadcast_in_dim3A_424 : i32 to vector<16x1xi32>
      %gather3A_426 = vector.shape_cast %broadcast_in_dim3A_425 : vector<16x1xi32> to vector<16xi32>
      %gather3A_427 = tpu.dynamic_gather %get3A_261[%gather3A_426] in [0] : vector<16xf32>, vector<16xi32> -> vector<16xf32>
      %mul3A_428 = arith.constant -2.000000e+00 : f32
      %mul3A_429 = vector.broadcast %mul3A_428 : f32 to vector<16xf32>
      %mul3A_430 = arith.mulf %gather3A_427, %mul3A_429 : vector<16xf32>
      %broadcast_in_dim3A_431 = arith.constant 3.000000e+38 : f32
      %broadcast_in_dim3A_432 = vector.broadcast %broadcast_in_dim3A_431 : f32 to vector<16xf32>
      %broadcast_in_dim3A_433 = arith.constant 3.000000e+38 : f32
      %broadcast_in_dim3A_434 = vector.broadcast %broadcast_in_dim3A_433 : f32 to vector<16xf32>
      %broadcast_in_dim3A_435 = arith.constant 3.000000e+38 : f32
      %broadcast_in_dim3A_436 = vector.broadcast %broadcast_in_dim3A_435 : f32 to vector<16xf32>
      %broadcast_in_dim3A_437 = arith.constant 3.000000e+38 : f32
      %broadcast_in_dim3A_438 = vector.broadcast %broadcast_in_dim3A_437 : f32 to vector<16xf32>
      %broadcast_in_dim3A_439 = arith.constant 3.000000e+38 : f32
      %broadcast_in_dim3A_440 = vector.broadcast %broadcast_in_dim3A_439 : f32 to vector<16xf32>
      %broadcast_in_dim3A_441 = arith.constant 3.000000e+38 : f32
      %broadcast_in_dim3A_442 = vector.broadcast %broadcast_in_dim3A_441 : f32 to vector<16xf32>
      %broadcast_in_dim3A_443 = arith.constant 3.000000e+38 : f32
      %broadcast_in_dim3A_444 = vector.broadcast %broadcast_in_dim3A_443 : f32 to vector<16xf32>
      %broadcast_in_dim3A_445 = arith.constant 3.000000e+38 : f32
      %broadcast_in_dim3A_446 = vector.broadcast %broadcast_in_dim3A_445 : f32 to vector<16xf32>
      %scan3A_447 = arith.constant 0 : i32
      %scan3A_448 = arith.constant 256 : i32
      %scan3A_449 = arith.addi %scan3A_447, %scan3A_448 : i32
      %scan3A_450 = arith.constant 1 : i32
      %scan3A_451:8 = scf.for %scan3A_873 = %scan3A_447 to %scan3A_449 step %scan3A_450 iter_args(%scan3A_874 = %broadcast_in_dim3A_432, %scan3A_875 = %broadcast_in_dim3A_434, %scan3A_876 = %broadcast_in_dim3A_436, %scan3A_877 = %broadcast_in_dim3A_438, %scan3A_878 = %broadcast_in_dim3A_440, %scan3A_879 = %broadcast_in_dim3A_442, %scan3A_880 = %broadcast_in_dim3A_444, %scan3A_881 = %broadcast_in_dim3A_446) -> (vector<16xf32>, vector<16xf32>, vector<16xf32>, vector<16xf32>, vector<16xf32>, vector<16xf32>, vector<16xf32>, vector<16xf32>)  : i32 {
        %mul3A_882 = arith.constant 16 : i32
        %mul3A_883 = arith.muli %scan3A_873, %mul3A_882 : i32
        %get3A_884 = arith.index_cast %mul3A_883 : i32 to index
        %get3A_885 = tpu.vector_load %arg15[%get3A_884] {strides = array<i32>} : memref<4096xf32, #tpu.memory_space<vmem>>, vector<16xf32>,
        %get3A_886 = vector.shape_cast %get3A_885 : vector<16xf32> to vector<16xf32>
        %get3A_887 = arith.index_cast %mul3A_883 : i32 to index
        %get3A_888 = tpu.vector_load %arg16[%get3A_887] {strides = array<i32>} : memref<4096xf32, #tpu.memory_space<vmem>>, vector<16xf32>,
        %get3A_889 = vector.shape_cast %get3A_888 : vector<16xf32> to vector<16xf32>
        %get3A_890 = arith.index_cast %mul3A_883 : i32 to index
        %get3A_891 = tpu.vector_load %arg17[%get3A_890] {strides = array<i32>} : memref<4096xf32, #tpu.memory_space<vmem>>, vector<16xf32>,
        %get3A_892 = vector.shape_cast %get3A_891 : vector<16xf32> to vector<16xf32>
        %get3A_893 = arith.index_cast %mul3A_883 : i32 to index
        %get3A_894 = tpu.vector_load %arg21[%get3A_893] {strides = array<i32>} : memref<4096xf32, #tpu.memory_space<vmem>>, vector<16xf32>,
        %get3A_895 = vector.shape_cast %get3A_894 : vector<16xf32> to vector<16xf32>
        %mul3A_896 = arith.mulf %mul3A_269, %get3A_886 : vector<16xf32>
        %add3A_897 = arith.addf %get3A_895, %mul3A_896 : vector<16xf32>
        %mul3A_898 = arith.mulf %mul3A_276, %get3A_889 : vector<16xf32>
        %add3A_899 = arith.addf %add3A_897, %mul3A_898 : vector<16xf32>
        %mul3A_900 = arith.mulf %mul3A_283, %get3A_892 : vector<16xf32>
        %add3A_901 = arith.addf %add3A_899, %mul3A_900 : vector<16xf32>
        %min3A_902 = arith.minimumf %scan3A_874, %add3A_901 : vector<16xf32>
        %mul3A_903 = arith.mulf %mul3A_290, %get3A_886 : vector<16xf32>
        %add3A_904 = arith.addf %get3A_895, %mul3A_903 : vector<16xf32>
        %mul3A_905 = arith.mulf %mul3A_297, %get3A_889 : vector<16xf32>
        %add3A_906 = arith.addf %add3A_904, %mul3A_905 : vector<16xf32>
        %mul3A_907 = arith.mulf %mul3A_304, %get3A_892 : vector<16xf32>
        %add3A_908 = arith.addf %add3A_906, %mul3A_907 : vector<16xf32>
        %min3A_909 = arith.minimumf %scan3A_875, %add3A_908 : vector<16xf32>
        %mul3A_910 = arith.mulf %mul3A_311, %get3A_886 : vector<16xf32>
        %add3A_911 = arith.addf %get3A_895, %mul3A_910 : vector<16xf32>
        %mul3A_912 = arith.mulf %mul3A_318, %get3A_889 : vector<16xf32>
        %add3A_913 = arith.addf %add3A_911, %mul3A_912 : vector<16xf32>
        %mul3A_914 = arith.mulf %mul3A_325, %get3A_892 : vector<16xf32>
        %add3A_915 = arith.addf %add3A_913, %mul3A_914 : vector<16xf32>
        %min3A_916 = arith.minimumf %scan3A_876, %add3A_915 : vector<16xf32>
        %mul3A_917 = arith.mulf %mul3A_332, %get3A_886 : vector<16xf32>
        %add3A_918 = arith.addf %get3A_895, %mul3A_917 : vector<16xf32>
        %mul3A_919 = arith.mulf %mul3A_339, %get3A_889 : vector<16xf32>
        %add3A_920 = arith.addf %add3A_918, %mul3A_919 : vector<16xf32>
        %mul3A_921 = arith.mulf %mul3A_346, %get3A_892 : vector<16xf32>
        %add3A_922 = arith.addf %add3A_920, %mul3A_921 : vector<16xf32>
        %min3A_923 = arith.minimumf %scan3A_877, %add3A_922 : vector<16xf32>
        %mul3A_924 = arith.mulf %mul3A_353, %get3A_886 : vector<16xf32>
        %add3A_925 = arith.addf %get3A_895, %mul3A_924 : vector<16xf32>
        %mul3A_926 = arith.mulf %mul3A_360, %get3A_889 : vector<16xf32>
        %add3A_927 = arith.addf %add3A_925, %mul3A_926 : vector<16xf32>
        %mul3A_928 = arith.mulf %mul3A_367, %get3A_892 : vector<16xf32>
        %add3A_929 = arith.addf %add3A_927, %mul3A_928 : vector<16xf32>
        %min3A_930 = arith.minimumf %scan3A_878, %add3A_929 : vector<16xf32>
        %mul3A_931 = arith.mulf %mul3A_374, %get3A_886 : vector<16xf32>
        %add3A_932 = arith.addf %get3A_895, %mul3A_931 : vector<16xf32>
        %mul3A_933 = arith.mulf %mul3A_381, %get3A_889 : vector<16xf32>
        %add3A_934 = arith.addf %add3A_932, %mul3A_933 : vector<16xf32>
        %mul3A_935 = arith.mulf %mul3A_388, %get3A_892 : vector<16xf32>
        %add3A_936 = arith.addf %add3A_934, %mul3A_935 : vector<16xf32>
        %min3A_937 = arith.minimumf %scan3A_879, %add3A_936 : vector<16xf32>
        %mul3A_938 = arith.mulf %mul3A_395, %get3A_886 : vector<16xf32>
        %add3A_939 = arith.addf %get3A_895, %mul3A_938 : vector<16xf32>
        %mul3A_940 = arith.mulf %mul3A_402, %get3A_889 : vector<16xf32>
        %add3A_941 = arith.addf %add3A_939, %mul3A_940 : vector<16xf32>
        %mul3A_942 = arith.mulf %mul3A_409, %get3A_892 : vector<16xf32>
        %add3A_943 = arith.addf %add3A_941, %mul3A_942 : vector<16xf32>
        %min3A_944 = arith.minimumf %scan3A_880, %add3A_943 : vector<16xf32>
        %mul3A_945 = arith.mulf %mul3A_416, %get3A_886 : vector<16xf32>
        %add3A_946 = arith.addf %get3A_895, %mul3A_945 : vector<16xf32>
        %mul3A_947 = arith.mulf %mul3A_423, %get3A_889 : vector<16xf32>
        %add3A_948 = arith.addf %add3A_946, %mul3A_947 : vector<16xf32>
        %mul3A_949 = arith.mulf %mul3A_430, %get3A_892 : vector<16xf32>
        %add3A_950 = arith.addf %add3A_948, %mul3A_949 : vector<16xf32>
        %min3A_951 = arith.minimumf %scan3A_881, %add3A_950 : vector<16xf32>
        scf.yield %min3A_902, %min3A_909, %min3A_916, %min3A_923, %min3A_930, %min3A_937, %min3A_944, %min3A_951 : vector<16xf32>, vector<16xf32>, vector<16xf32>, vector<16xf32>, vector<16xf32>, vector<16xf32>, vector<16xf32>, vector<16xf32>
      }
      %scan3A_452 = arith.constant 256 : i32
      %gather3A_453 = vector.shape_cast %reshape3A_150 : vector<16x1xi32> to vector<16xi32>
      %gather3A_454 = tpu.dynamic_gather %scan3A_451#0[%gather3A_453] in [0] : vector<16xf32>, vector<16xi32> -> vector<16xf32>
      %min3A = arith.minimumf %scan3A_451#0, %gather3A_454 : vector<16xf32>
      %gather3A_455 = vector.shape_cast %reshape3A_157 : vector<16x1xi32> to vector<16xi32>
      %gather3A_456 = tpu.dynamic_gather %min3A[%gather3A_455] in [0] : vector<16xf32>, vector<16xi32> -> vector<16xf32>
      %min3A_457 = arith.minimumf %min3A, %gather3A_456 : vector<16xf32>
      %gather3A_458 = vector.shape_cast %reshape3A_164 : vector<16x1xi32> to vector<16xi32>
      %gather3A_459 = tpu.dynamic_gather %min3A_457[%gather3A_458] in [0] : vector<16xf32>, vector<16xi32> -> vector<16xf32>
      %min3A_460 = arith.minimumf %min3A_457, %gather3A_459 : vector<16xf32>
      %gather3A_461 = vector.shape_cast %reshape3A_171 : vector<16x1xi32> to vector<16xi32>
      %gather3A_462 = tpu.dynamic_gather %min3A_460[%gather3A_461] in [0] : vector<16xf32>, vector<16xi32> -> vector<16xf32>
      %min3A_463 = arith.minimumf %min3A_460, %gather3A_462 : vector<16xf32>
      %mul3A_464 = arith.mulf %min3A_463, %select_n3A_179 : vector<16xf32>
      %add3A_465 = arith.addf %broadcast_in_dim3A_263, %mul3A_464 : vector<16xf32>
      %gather3A_466 = vector.shape_cast %reshape3A_150 : vector<16x1xi32> to vector<16xi32>
      %gather3A_467 = tpu.dynamic_gather %scan3A_451#1[%gather3A_466] in [0] : vector<16xf32>, vector<16xi32> -> vector<16xf32>
      %min3A_468 = arith.minimumf %scan3A_451#1, %gather3A_467 : vector<16xf32>
      %gather3A_469 = vector.shape_cast %reshape3A_157 : vector<16x1xi32> to vector<16xi32>
      %gather3A_470 = tpu.dynamic_gather %min3A_468[%gather3A_469] in [0] : vector<16xf32>, vector<16xi32> -> vector<16xf32>
      %min3A_471 = arith.minimumf %min3A_468, %gather3A_470 : vector<16xf32>
      %gather3A_472 = vector.shape_cast %reshape3A_164 : vector<16x1xi32> to vector<16xi32>
      %gather3A_473 = tpu.dynamic_gather %min3A_471[%gather3A_472] in [0] : vector<16xf32>, vector<16xi32> -> vector<16xf32>
      %min3A_474 = arith.minimumf %min3A_471, %gather3A_473 : vector<16xf32>
      %gather3A_475 = vector.shape_cast %reshape3A_171 : vector<16x1xi32> to vector<16xi32>
      %gather3A_476 = tpu.dynamic_gather %min3A_474[%gather3A_475] in [0] : vector<16xf32>, vector<16xi32> -> vector<16xf32>
      %min3A_477 = arith.minimumf %min3A_474, %gather3A_476 : vector<16xf32>
      %mul3A_478 = arith.mulf %min3A_477, %select_n3A_183 : vector<16xf32>
      %add3A_479 = arith.addf %add3A_465, %mul3A_478 : vector<16xf32>
      %gather3A_480 = vector.shape_cast %reshape3A_150 : vector<16x1xi32> to vector<16xi32>
      %gather3A_481 = tpu.dynamic_gather %scan3A_451#2[%gather3A_480] in [0] : vector<16xf32>, vector<16xi32> -> vector<16xf32>
      %min3A_482 = arith.minimumf %scan3A_451#2, %gather3A_481 : vector<16xf32>
      %gather3A_483 = vector.shape_cast %reshape3A_157 : vector<16x1xi32> to vector<16xi32>
      %gather3A_484 = tpu.dynamic_gather %min3A_482[%gather3A_483] in [0] : vector<16xf32>, vector<16xi32> -> vector<16xf32>
      %min3A_485 = arith.minimumf %min3A_482, %gather3A_484 : vector<16xf32>
      %gather3A_486 = vector.shape_cast %reshape3A_164 : vector<16x1xi32> to vector<16xi32>
      %gather3A_487 = tpu.dynamic_gather %min3A_485[%gather3A_486] in [0] : vector<16xf32>, vector<16xi32> -> vector<16xf32>
      %min3A_488 = arith.minimumf %min3A_485, %gather3A_487 : vector<16xf32>
      %gather3A_489 = vector.shape_cast %reshape3A_171 : vector<16x1xi32> to vector<16xi32>
      %gather3A_490 = tpu.dynamic_gather %min3A_488[%gather3A_489] in [0] : vector<16xf32>, vector<16xi32> -> vector<16xf32>
      %min3A_491 = arith.minimumf %min3A_488, %gather3A_490 : vector<16xf32>
      %mul3A_492 = arith.mulf %min3A_491, %select_n3A_187 : vector<16xf32>
      %add3A_493 = arith.addf %add3A_479, %mul3A_492 : vector<16xf32>
      %gather3A_494 = vector.shape_cast %reshape3A_150 : vector<16x1xi32> to vector<16xi32>
      %gather3A_495 = tpu.dynamic_gather %scan3A_451#3[%gather3A_494] in [0] : vector<16xf32>, vector<16xi32> -> vector<16xf32>
      %min3A_496 = arith.minimumf %scan3A_451#3, %gather3A_495 : vector<16xf32>
      %gather3A_497 = vector.shape_cast %reshape3A_157 : vector<16x1xi32> to vector<16xi32>
      %gather3A_498 = tpu.dynamic_gather %min3A_496[%gather3A_497] in [0] : vector<16xf32>, vector<16xi32> -> vector<16xf32>
      %min3A_499 = arith.minimumf %min3A_496, %gather3A_498 : vector<16xf32>
      %gather3A_500 = vector.shape_cast %reshape3A_164 : vector<16x1xi32> to vector<16xi32>
      %gather3A_501 = tpu.dynamic_gather %min3A_499[%gather3A_500] in [0] : vector<16xf32>, vector<16xi32> -> vector<16xf32>
      %min3A_502 = arith.minimumf %min3A_499, %gather3A_501 : vector<16xf32>
      %gather3A_503 = vector.shape_cast %reshape3A_171 : vector<16x1xi32> to vector<16xi32>
      %gather3A_504 = tpu.dynamic_gather %min3A_502[%gather3A_503] in [0] : vector<16xf32>, vector<16xi32> -> vector<16xf32>
      %min3A_505 = arith.minimumf %min3A_502, %gather3A_504 : vector<16xf32>
      %mul3A_506 = arith.mulf %min3A_505, %select_n3A_191 : vector<16xf32>
      %add3A_507 = arith.addf %add3A_493, %mul3A_506 : vector<16xf32>
      %gather3A_508 = vector.shape_cast %reshape3A_150 : vector<16x1xi32> to vector<16xi32>
      %gather3A_509 = tpu.dynamic_gather %scan3A_451#4[%gather3A_508] in [0] : vector<16xf32>, vector<16xi32> -> vector<16xf32>
      %min3A_510 = arith.minimumf %scan3A_451#4, %gather3A_509 : vector<16xf32>
      %gather3A_511 = vector.shape_cast %reshape3A_157 : vector<16x1xi32> to vector<16xi32>
      %gather3A_512 = tpu.dynamic_gather %min3A_510[%gather3A_511] in [0] : vector<16xf32>, vector<16xi32> -> vector<16xf32>
      %min3A_513 = arith.minimumf %min3A_510, %gather3A_512 : vector<16xf32>
      %gather3A_514 = vector.shape_cast %reshape3A_164 : vector<16x1xi32> to vector<16xi32>
      %gather3A_515 = tpu.dynamic_gather %min3A_513[%gather3A_514] in [0] : vector<16xf32>, vector<16xi32> -> vector<16xf32>
      %min3A_516 = arith.minimumf %min3A_513, %gather3A_515 : vector<16xf32>
      %gather3A_517 = vector.shape_cast %reshape3A_171 : vector<16x1xi32> to vector<16xi32>
      %gather3A_518 = tpu.dynamic_gather %min3A_516[%gather3A_517] in [0] : vector<16xf32>, vector<16xi32> -> vector<16xf32>
      %min3A_519 = arith.minimumf %min3A_516, %gather3A_518 : vector<16xf32>
      %mul3A_520 = arith.mulf %min3A_519, %select_n3A_195 : vector<16xf32>
      %add3A_521 = arith.addf %add3A_507, %mul3A_520 : vector<16xf32>
      %gather3A_522 = vector.shape_cast %reshape3A_150 : vector<16x1xi32> to vector<16xi32>
      %gather3A_523 = tpu.dynamic_gather %scan3A_451#5[%gather3A_522] in [0] : vector<16xf32>, vector<16xi32> -> vector<16xf32>
      %min3A_524 = arith.minimumf %scan3A_451#5, %gather3A_523 : vector<16xf32>
      %gather3A_525 = vector.shape_cast %reshape3A_157 : vector<16x1xi32> to vector<16xi32>
      %gather3A_526 = tpu.dynamic_gather %min3A_524[%gather3A_525] in [0] : vector<16xf32>, vector<16xi32> -> vector<16xf32>
      %min3A_527 = arith.minimumf %min3A_524, %gather3A_526 : vector<16xf32>
      %gather3A_528 = vector.shape_cast %reshape3A_164 : vector<16x1xi32> to vector<16xi32>
      %gather3A_529 = tpu.dynamic_gather %min3A_527[%gather3A_528] in [0] : vector<16xf32>, vector<16xi32> -> vector<16xf32>
      %min3A_530 = arith.minimumf %min3A_527, %gather3A_529 : vector<16xf32>
      %gather3A_531 = vector.shape_cast %reshape3A_171 : vector<16x1xi32> to vector<16xi32>
      %gather3A_532 = tpu.dynamic_gather %min3A_530[%gather3A_531] in [0] : vector<16xf32>, vector<16xi32> -> vector<16xf32>
      %min3A_533 = arith.minimumf %min3A_530, %gather3A_532 : vector<16xf32>
      %mul3A_534 = arith.mulf %min3A_533, %select_n3A_199 : vector<16xf32>
      %add3A_535 = arith.addf %add3A_521, %mul3A_534 : vector<16xf32>
      %gather3A_536 = vector.shape_cast %reshape3A_150 : vector<16x1xi32> to vector<16xi32>
      %gather3A_537 = tpu.dynamic_gather %scan3A_451#6[%gather3A_536] in [0] : vector<16xf32>, vector<16xi32> -> vector<16xf32>
      %min3A_538 = arith.minimumf %scan3A_451#6, %gather3A_537 : vector<16xf32>
      %gather3A_539 = vector.shape_cast %reshape3A_157 : vector<16x1xi32> to vector<16xi32>
      %gather3A_540 = tpu.dynamic_gather %min3A_538[%gather3A_539] in [0] : vector<16xf32>, vector<16xi32> -> vector<16xf32>
      %min3A_541 = arith.minimumf %min3A_538, %gather3A_540 : vector<16xf32>
      %gather3A_542 = vector.shape_cast %reshape3A_164 : vector<16x1xi32> to vector<16xi32>
      %gather3A_543 = tpu.dynamic_gather %min3A_541[%gather3A_542] in [0] : vector<16xf32>, vector<16xi32> -> vector<16xf32>
      %min3A_544 = arith.minimumf %min3A_541, %gather3A_543 : vector<16xf32>
      %gather3A_545 = vector.shape_cast %reshape3A_171 : vector<16x1xi32> to vector<16xi32>
      %gather3A_546 = tpu.dynamic_gather %min3A_544[%gather3A_545] in [0] : vector<16xf32>, vector<16xi32> -> vector<16xf32>
      %min3A_547 = arith.minimumf %min3A_544, %gather3A_546 : vector<16xf32>
      %mul3A_548 = arith.mulf %min3A_547, %select_n3A_203 : vector<16xf32>
      %add3A_549 = arith.addf %add3A_535, %mul3A_548 : vector<16xf32>
      %gather3A_550 = vector.shape_cast %reshape3A_150 : vector<16x1xi32> to vector<16xi32>
      %gather3A_551 = tpu.dynamic_gather %scan3A_451#7[%gather3A_550] in [0] : vector<16xf32>, vector<16xi32> -> vector<16xf32>
      %min3A_552 = arith.minimumf %scan3A_451#7, %gather3A_551 : vector<16xf32>
      %gather3A_553 = vector.shape_cast %reshape3A_157 : vector<16x1xi32> to vector<16xi32>
      %gather3A_554 = tpu.dynamic_gather %min3A_552[%gather3A_553] in [0] : vector<16xf32>, vector<16xi32> -> vector<16xf32>
      %min3A_555 = arith.minimumf %min3A_552, %gather3A_554 : vector<16xf32>
      %gather3A_556 = vector.shape_cast %reshape3A_164 : vector<16x1xi32> to vector<16xi32>
      %gather3A_557 = tpu.dynamic_gather %min3A_555[%gather3A_556] in [0] : vector<16xf32>, vector<16xi32> -> vector<16xf32>
      %min3A_558 = arith.minimumf %min3A_555, %gather3A_557 : vector<16xf32>
      %gather3A_559 = vector.shape_cast %reshape3A_171 : vector<16x1xi32> to vector<16xi32>
      %gather3A_560 = tpu.dynamic_gather %min3A_558[%gather3A_559] in [0] : vector<16xf32>, vector<16xi32> -> vector<16xf32>
      %min3A_561 = arith.minimumf %min3A_558, %gather3A_560 : vector<16xf32>
      %mul3A_562 = arith.mulf %min3A_561, %select_n3A_207 : vector<16xf32>
      %add3A_563 = arith.addf %add3A_549, %mul3A_562 : vector<16xf32>
      %broadcast_in_dim3A_564 = arith.constant 8 : i32
      %broadcast_in_dim3A_565 = vector.broadcast %broadcast_in_dim3A_564 : i32 to vector<16x1xi32>
      %gather3A_566 = vector.shape_cast %broadcast_in_dim3A_565 : vector<16x1xi32> to vector<16xi32>
      %gather3A_567 = tpu.dynamic_gather %get3A_255[%gather3A_566] in [0] : vector<16xf32>, vector<16xi32> -> vector<16xf32>
      %mul3A_568 = arith.constant -2.000000e+00 : f32
      %mul3A_569 = vector.broadcast %mul3A_568 : f32 to vector<16xf32>
      %mul3A_570 = arith.mulf %gather3A_567, %mul3A_569 : vector<16xf32>
      %broadcast_in_dim3A_571 = arith.constant 8 : i32
      %broadcast_in_dim3A_572 = vector.broadcast %broadcast_in_dim3A_571 : i32 to vector<16x1xi32>
      %gather3A_573 = vector.shape_cast %broadcast_in_dim3A_572 : vector<16x1xi32> to vector<16xi32>
      %gather3A_574 = tpu.dynamic_gather %get3A_258[%gather3A_573] in [0] : vector<16xf32>, vector<16xi32> -> vector<16xf32>
      %mul3A_575 = arith.constant -2.000000e+00 : f32
      %mul3A_576 = vector.broadcast %mul3A_575 : f32 to vector<16xf32>
      %mul3A_577 = arith.mulf %gather3A_574, %mul3A_576 : vector<16xf32>
      %broadcast_in_dim3A_578 = arith.constant 8 : i32
      %broadcast_in_dim3A_579 = vector.broadcast %broadcast_in_dim3A_578 : i32 to vector<16x1xi32>
      %gather3A_580 = vector.shape_cast %broadcast_in_dim3A_579 : vector<16x1xi32> to vector<16xi32>
      %gather3A_581 = tpu.dynamic_gather %get3A_261[%gather3A_580] in [0] : vector<16xf32>, vector<16xi32> -> vector<16xf32>
      %mul3A_582 = arith.constant -2.000000e+00 : f32
      %mul3A_583 = vector.broadcast %mul3A_582 : f32 to vector<16xf32>
      %mul3A_584 = arith.mulf %gather3A_581, %mul3A_583 : vector<16xf32>
      %broadcast_in_dim3A_585 = arith.constant 9 : i32
      %broadcast_in_dim3A_586 = vector.broadcast %broadcast_in_dim3A_585 : i32 to vector<16x1xi32>
      %gather3A_587 = vector.shape_cast %broadcast_in_dim3A_586 : vector<16x1xi32> to vector<16xi32>
      %gather3A_588 = tpu.dynamic_gather %get3A_255[%gather3A_587] in [0] : vector<16xf32>, vector<16xi32> -> vector<16xf32>
      %mul3A_589 = arith.constant -2.000000e+00 : f32
      %mul3A_590 = vector.broadcast %mul3A_589 : f32 to vector<16xf32>
      %mul3A_591 = arith.mulf %gather3A_588, %mul3A_590 : vector<16xf32>
      %broadcast_in_dim3A_592 = arith.constant 9 : i32
      %broadcast_in_dim3A_593 = vector.broadcast %broadcast_in_dim3A_592 : i32 to vector<16x1xi32>
      %gather3A_594 = vector.shape_cast %broadcast_in_dim3A_593 : vector<16x1xi32> to vector<16xi32>
      %gather3A_595 = tpu.dynamic_gather %get3A_258[%gather3A_594] in [0] : vector<16xf32>, vector<16xi32> -> vector<16xf32>
      %mul3A_596 = arith.constant -2.000000e+00 : f32
      %mul3A_597 = vector.broadcast %mul3A_596 : f32 to vector<16xf32>
      %mul3A_598 = arith.mulf %gather3A_595, %mul3A_597 : vector<16xf32>
      %broadcast_in_dim3A_599 = arith.constant 9 : i32
      %broadcast_in_dim3A_600 = vector.broadcast %broadcast_in_dim3A_599 : i32 to vector<16x1xi32>
      %gather3A_601 = vector.shape_cast %broadcast_in_dim3A_600 : vector<16x1xi32> to vector<16xi32>
      %gather3A_602 = tpu.dynamic_gather %get3A_261[%gather3A_601] in [0] : vector<16xf32>, vector<16xi32> -> vector<16xf32>
      %mul3A_603 = arith.constant -2.000000e+00 : f32
      %mul3A_604 = vector.broadcast %mul3A_603 : f32 to vector<16xf32>
      %mul3A_605 = arith.mulf %gather3A_602, %mul3A_604 : vector<16xf32>
      %broadcast_in_dim3A_606 = arith.constant 10 : i32
      %broadcast_in_dim3A_607 = vector.broadcast %broadcast_in_dim3A_606 : i32 to vector<16x1xi32>
      %gather3A_608 = vector.shape_cast %broadcast_in_dim3A_607 : vector<16x1xi32> to vector<16xi32>
      %gather3A_609 = tpu.dynamic_gather %get3A_255[%gather3A_608] in [0] : vector<16xf32>, vector<16xi32> -> vector<16xf32>
      %mul3A_610 = arith.constant -2.000000e+00 : f32
      %mul3A_611 = vector.broadcast %mul3A_610 : f32 to vector<16xf32>
      %mul3A_612 = arith.mulf %gather3A_609, %mul3A_611 : vector<16xf32>
      %broadcast_in_dim3A_613 = arith.constant 10 : i32
      %broadcast_in_dim3A_614 = vector.broadcast %broadcast_in_dim3A_613 : i32 to vector<16x1xi32>
      %gather3A_615 = vector.shape_cast %broadcast_in_dim3A_614 : vector<16x1xi32> to vector<16xi32>
      %gather3A_616 = tpu.dynamic_gather %get3A_258[%gather3A_615] in [0] : vector<16xf32>, vector<16xi32> -> vector<16xf32>
      %mul3A_617 = arith.constant -2.000000e+00 : f32
      %mul3A_618 = vector.broadcast %mul3A_617 : f32 to vector<16xf32>
      %mul3A_619 = arith.mulf %gather3A_616, %mul3A_618 : vector<16xf32>
      %broadcast_in_dim3A_620 = arith.constant 10 : i32
      %broadcast_in_dim3A_621 = vector.broadcast %broadcast_in_dim3A_620 : i32 to vector<16x1xi32>
      %gather3A_622 = vector.shape_cast %broadcast_in_dim3A_621 : vector<16x1xi32> to vector<16xi32>
      %gather3A_623 = tpu.dynamic_gather %get3A_261[%gather3A_622] in [0] : vector<16xf32>, vector<16xi32> -> vector<16xf32>
      %mul3A_624 = arith.constant -2.000000e+00 : f32
      %mul3A_625 = vector.broadcast %mul3A_624 : f32 to vector<16xf32>
      %mul3A_626 = arith.mulf %gather3A_623, %mul3A_625 : vector<16xf32>
      %broadcast_in_dim3A_627 = arith.constant 11 : i32
      %broadcast_in_dim3A_628 = vector.broadcast %broadcast_in_dim3A_627 : i32 to vector<16x1xi32>
      %gather3A_629 = vector.shape_cast %broadcast_in_dim3A_628 : vector<16x1xi32> to vector<16xi32>
      %gather3A_630 = tpu.dynamic_gather %get3A_255[%gather3A_629] in [0] : vector<16xf32>, vector<16xi32> -> vector<16xf32>
      %mul3A_631 = arith.constant -2.000000e+00 : f32
      %mul3A_632 = vector.broadcast %mul3A_631 : f32 to vector<16xf32>
      %mul3A_633 = arith.mulf %gather3A_630, %mul3A_632 : vector<16xf32>
      %broadcast_in_dim3A_634 = arith.constant 11 : i32
      %broadcast_in_dim3A_635 = vector.broadcast %broadcast_in_dim3A_634 : i32 to vector<16x1xi32>
      %gather3A_636 = vector.shape_cast %broadcast_in_dim3A_635 : vector<16x1xi32> to vector<16xi32>
      %gather3A_637 = tpu.dynamic_gather %get3A_258[%gather3A_636] in [0] : vector<16xf32>, vector<16xi32> -> vector<16xf32>
      %mul3A_638 = arith.constant -2.000000e+00 : f32
      %mul3A_639 = vector.broadcast %mul3A_638 : f32 to vector<16xf32>
      %mul3A_640 = arith.mulf %gather3A_637, %mul3A_639 : vector<16xf32>
      %broadcast_in_dim3A_641 = arith.constant 11 : i32
      %broadcast_in_dim3A_642 = vector.broadcast %broadcast_in_dim3A_641 : i32 to vector<16x1xi32>
      %gather3A_643 = vector.shape_cast %broadcast_in_dim3A_642 : vector<16x1xi32> to vector<16xi32>
      %gather3A_644 = tpu.dynamic_gather %get3A_261[%gather3A_643] in [0] : vector<16xf32>, vector<16xi32> -> vector<16xf32>
      %mul3A_645 = arith.constant -2.000000e+00 : f32
      %mul3A_646 = vector.broadcast %mul3A_645 : f32 to vector<16xf32>
      %mul3A_647 = arith.mulf %gather3A_644, %mul3A_646 : vector<16xf32>
      %broadcast_in_dim3A_648 = arith.constant 12 : i32
      %broadcast_in_dim3A_649 = vector.broadcast %broadcast_in_dim3A_648 : i32 to vector<16x1xi32>
      %gather3A_650 = vector.shape_cast %broadcast_in_dim3A_649 : vector<16x1xi32> to vector<16xi32>
      %gather3A_651 = tpu.dynamic_gather %get3A_255[%gather3A_650] in [0] : vector<16xf32>, vector<16xi32> -> vector<16xf32>
      %mul3A_652 = arith.constant -2.000000e+00 : f32
      %mul3A_653 = vector.broadcast %mul3A_652 : f32 to vector<16xf32>
      %mul3A_654 = arith.mulf %gather3A_651, %mul3A_653 : vector<16xf32>
      %broadcast_in_dim3A_655 = arith.constant 12 : i32
      %broadcast_in_dim3A_656 = vector.broadcast %broadcast_in_dim3A_655 : i32 to vector<16x1xi32>
      %gather3A_657 = vector.shape_cast %broadcast_in_dim3A_656 : vector<16x1xi32> to vector<16xi32>
      %gather3A_658 = tpu.dynamic_gather %get3A_258[%gather3A_657] in [0] : vector<16xf32>, vector<16xi32> -> vector<16xf32>
      %mul3A_659 = arith.constant -2.000000e+00 : f32
      %mul3A_660 = vector.broadcast %mul3A_659 : f32 to vector<16xf32>
      %mul3A_661 = arith.mulf %gather3A_658, %mul3A_660 : vector<16xf32>
      %broadcast_in_dim3A_662 = arith.constant 12 : i32
      %broadcast_in_dim3A_663 = vector.broadcast %broadcast_in_dim3A_662 : i32 to vector<16x1xi32>
      %gather3A_664 = vector.shape_cast %broadcast_in_dim3A_663 : vector<16x1xi32> to vector<16xi32>
      %gather3A_665 = tpu.dynamic_gather %get3A_261[%gather3A_664] in [0] : vector<16xf32>, vector<16xi32> -> vector<16xf32>
      %mul3A_666 = arith.constant -2.000000e+00 : f32
      %mul3A_667 = vector.broadcast %mul3A_666 : f32 to vector<16xf32>
      %mul3A_668 = arith.mulf %gather3A_665, %mul3A_667 : vector<16xf32>
      %broadcast_in_dim3A_669 = arith.constant 13 : i32
      %broadcast_in_dim3A_670 = vector.broadcast %broadcast_in_dim3A_669 : i32 to vector<16x1xi32>
      %gather3A_671 = vector.shape_cast %broadcast_in_dim3A_670 : vector<16x1xi32> to vector<16xi32>
      %gather3A_672 = tpu.dynamic_gather %get3A_255[%gather3A_671] in [0] : vector<16xf32>, vector<16xi32> -> vector<16xf32>
      %mul3A_673 = arith.constant -2.000000e+00 : f32
      %mul3A_674 = vector.broadcast %mul3A_673 : f32 to vector<16xf32>
      %mul3A_675 = arith.mulf %gather3A_672, %mul3A_674 : vector<16xf32>
      %broadcast_in_dim3A_676 = arith.constant 13 : i32
      %broadcast_in_dim3A_677 = vector.broadcast %broadcast_in_dim3A_676 : i32 to vector<16x1xi32>
      %gather3A_678 = vector.shape_cast %broadcast_in_dim3A_677 : vector<16x1xi32> to vector<16xi32>
      %gather3A_679 = tpu.dynamic_gather %get3A_258[%gather3A_678] in [0] : vector<16xf32>, vector<16xi32> -> vector<16xf32>
      %mul3A_680 = arith.constant -2.000000e+00 : f32
      %mul3A_681 = vector.broadcast %mul3A_680 : f32 to vector<16xf32>
      %mul3A_682 = arith.mulf %gather3A_679, %mul3A_681 : vector<16xf32>
      %broadcast_in_dim3A_683 = arith.constant 13 : i32
      %broadcast_in_dim3A_684 = vector.broadcast %broadcast_in_dim3A_683 : i32 to vector<16x1xi32>
      %gather3A_685 = vector.shape_cast %broadcast_in_dim3A_684 : vector<16x1xi32> to vector<16xi32>
      %gather3A_686 = tpu.dynamic_gather %get3A_261[%gather3A_685] in [0] : vector<16xf32>, vector<16xi32> -> vector<16xf32>
      %mul3A_687 = arith.constant -2.000000e+00 : f32
      %mul3A_688 = vector.broadcast %mul3A_687 : f32 to vector<16xf32>
      %mul3A_689 = arith.mulf %gather3A_686, %mul3A_688 : vector<16xf32>
      %broadcast_in_dim3A_690 = arith.constant 14 : i32
      %broadcast_in_dim3A_691 = vector.broadcast %broadcast_in_dim3A_690 : i32 to vector<16x1xi32>
      %gather3A_692 = vector.shape_cast %broadcast_in_dim3A_691 : vector<16x1xi32> to vector<16xi32>
      %gather3A_693 = tpu.dynamic_gather %get3A_255[%gather3A_692] in [0] : vector<16xf32>, vector<16xi32> -> vector<16xf32>
      %mul3A_694 = arith.constant -2.000000e+00 : f32
      %mul3A_695 = vector.broadcast %mul3A_694 : f32 to vector<16xf32>
      %mul3A_696 = arith.mulf %gather3A_693, %mul3A_695 : vector<16xf32>
      %broadcast_in_dim3A_697 = arith.constant 14 : i32
      %broadcast_in_dim3A_698 = vector.broadcast %broadcast_in_dim3A_697 : i32 to vector<16x1xi32>
      %gather3A_699 = vector.shape_cast %broadcast_in_dim3A_698 : vector<16x1xi32> to vector<16xi32>
      %gather3A_700 = tpu.dynamic_gather %get3A_258[%gather3A_699] in [0] : vector<16xf32>, vector<16xi32> -> vector<16xf32>
      %mul3A_701 = arith.constant -2.000000e+00 : f32
      %mul3A_702 = vector.broadcast %mul3A_701 : f32 to vector<16xf32>
      %mul3A_703 = arith.mulf %gather3A_700, %mul3A_702 : vector<16xf32>
      %broadcast_in_dim3A_704 = arith.constant 14 : i32
      %broadcast_in_dim3A_705 = vector.broadcast %broadcast_in_dim3A_704 : i32 to vector<16x1xi32>
      %gather3A_706 = vector.shape_cast %broadcast_in_dim3A_705 : vector<16x1xi32> to vector<16xi32>
      %gather3A_707 = tpu.dynamic_gather %get3A_261[%gather3A_706] in [0] : vector<16xf32>, vector<16xi32> -> vector<16xf32>
      %mul3A_708 = arith.constant -2.000000e+00 : f32
      %mul3A_709 = vector.broadcast %mul3A_708 : f32 to vector<16xf32>
      %mul3A_710 = arith.mulf %gather3A_707, %mul3A_709 : vector<16xf32>
      %broadcast_in_dim3A_711 = arith.constant 15 : i32
      %broadcast_in_dim3A_712 = vector.broadcast %broadcast_in_dim3A_711 : i32 to vector<16x1xi32>
      %gather3A_713 = vector.shape_cast %broadcast_in_dim3A_712 : vector<16x1xi32> to vector<16xi32>
      %gather3A_714 = tpu.dynamic_gather %get3A_255[%gather3A_713] in [0] : vector<16xf32>, vector<16xi32> -> vector<16xf32>
      %mul3A_715 = arith.constant -2.000000e+00 : f32
      %mul3A_716 = vector.broadcast %mul3A_715 : f32 to vector<16xf32>
      %mul3A_717 = arith.mulf %gather3A_714, %mul3A_716 : vector<16xf32>
      %broadcast_in_dim3A_718 = arith.constant 15 : i32
      %broadcast_in_dim3A_719 = vector.broadcast %broadcast_in_dim3A_718 : i32 to vector<16x1xi32>
      %gather3A_720 = vector.shape_cast %broadcast_in_dim3A_719 : vector<16x1xi32> to vector<16xi32>
      %gather3A_721 = tpu.dynamic_gather %get3A_258[%gather3A_720] in [0] : vector<16xf32>, vector<16xi32> -> vector<16xf32>
      %mul3A_722 = arith.constant -2.000000e+00 : f32
      %mul3A_723 = vector.broadcast %mul3A_722 : f32 to vector<16xf32>
      %mul3A_724 = arith.mulf %gather3A_721, %mul3A_723 : vector<16xf32>
      %broadcast_in_dim3A_725 = arith.constant 15 : i32
      %broadcast_in_dim3A_726 = vector.broadcast %broadcast_in_dim3A_725 : i32 to vector<16x1xi32>
      %gather3A_727 = vector.shape_cast %broadcast_in_dim3A_726 : vector<16x1xi32> to vector<16xi32>
      %gather3A_728 = tpu.dynamic_gather %get3A_261[%gather3A_727] in [0] : vector<16xf32>, vector<16xi32> -> vector<16xf32>
      %mul3A_729 = arith.constant -2.000000e+00 : f32
      %mul3A_730 = vector.broadcast %mul3A_729 : f32 to vector<16xf32>
      %mul3A_731 = arith.mulf %gather3A_728, %mul3A_730 : vector<16xf32>
      %broadcast_in_dim3A_732 = arith.constant 3.000000e+38 : f32
      %broadcast_in_dim3A_733 = vector.broadcast %broadcast_in_dim3A_732 : f32 to vector<16xf32>
      %broadcast_in_dim3A_734 = arith.constant 3.000000e+38 : f32
      %broadcast_in_dim3A_735 = vector.broadcast %broadcast_in_dim3A_734 : f32 to vector<16xf32>
      %broadcast_in_dim3A_736 = arith.constant 3.000000e+38 : f32
      %broadcast_in_dim3A_737 = vector.broadcast %broadcast_in_dim3A_736 : f32 to vector<16xf32>
      %broadcast_in_dim3A_738 = arith.constant 3.000000e+38 : f32
      %broadcast_in_dim3A_739 = vector.broadcast %broadcast_in_dim3A_738 : f32 to vector<16xf32>
      %broadcast_in_dim3A_740 = arith.constant 3.000000e+38 : f32
      %broadcast_in_dim3A_741 = vector.broadcast %broadcast_in_dim3A_740 : f32 to vector<16xf32>
      %broadcast_in_dim3A_742 = arith.constant 3.000000e+38 : f32
      %broadcast_in_dim3A_743 = vector.broadcast %broadcast_in_dim3A_742 : f32 to vector<16xf32>
      %broadcast_in_dim3A_744 = arith.constant 3.000000e+38 : f32
      %broadcast_in_dim3A_745 = vector.broadcast %broadcast_in_dim3A_744 : f32 to vector<16xf32>
      %broadcast_in_dim3A_746 = arith.constant 3.000000e+38 : f32
      %broadcast_in_dim3A_747 = vector.broadcast %broadcast_in_dim3A_746 : f32 to vector<16xf32>
      %scan3A_748 = arith.constant 0 : i32
      %scan3A_749 = arith.constant 256 : i32
      %scan3A_750 = arith.addi %scan3A_748, %scan3A_749 : i32
      %scan3A_751 = arith.constant 1 : i32
      %scan3A_752:8 = scf.for %scan3A_873 = %scan3A_748 to %scan3A_750 step %scan3A_751 iter_args(%scan3A_874 = %broadcast_in_dim3A_733, %scan3A_875 = %broadcast_in_dim3A_735, %scan3A_876 = %broadcast_in_dim3A_737, %scan3A_877 = %broadcast_in_dim3A_739, %scan3A_878 = %broadcast_in_dim3A_741, %scan3A_879 = %broadcast_in_dim3A_743, %scan3A_880 = %broadcast_in_dim3A_745, %scan3A_881 = %broadcast_in_dim3A_747) -> (vector<16xf32>, vector<16xf32>, vector<16xf32>, vector<16xf32>, vector<16xf32>, vector<16xf32>, vector<16xf32>, vector<16xf32>)  : i32 {
        %mul3A_882 = arith.constant 16 : i32
        %mul3A_883 = arith.muli %scan3A_873, %mul3A_882 : i32
        %get3A_884 = arith.index_cast %mul3A_883 : i32 to index
        %get3A_885 = tpu.vector_load %arg15[%get3A_884] {strides = array<i32>} : memref<4096xf32, #tpu.memory_space<vmem>>, vector<16xf32>,
        %get3A_886 = vector.shape_cast %get3A_885 : vector<16xf32> to vector<16xf32>
        %get3A_887 = arith.index_cast %mul3A_883 : i32 to index
        %get3A_888 = tpu.vector_load %arg16[%get3A_887] {strides = array<i32>} : memref<4096xf32, #tpu.memory_space<vmem>>, vector<16xf32>,
        %get3A_889 = vector.shape_cast %get3A_888 : vector<16xf32> to vector<16xf32>
        %get3A_890 = arith.index_cast %mul3A_883 : i32 to index
        %get3A_891 = tpu.vector_load %arg17[%get3A_890] {strides = array<i32>} : memref<4096xf32, #tpu.memory_space<vmem>>, vector<16xf32>,
        %get3A_892 = vector.shape_cast %get3A_891 : vector<16xf32> to vector<16xf32>
        %get3A_893 = arith.index_cast %mul3A_883 : i32 to index
        %get3A_894 = tpu.vector_load %arg21[%get3A_893] {strides = array<i32>} : memref<4096xf32, #tpu.memory_space<vmem>>, vector<16xf32>,
        %get3A_895 = vector.shape_cast %get3A_894 : vector<16xf32> to vector<16xf32>
        %mul3A_896 = arith.mulf %mul3A_570, %get3A_886 : vector<16xf32>
        %add3A_897 = arith.addf %get3A_895, %mul3A_896 : vector<16xf32>
        %mul3A_898 = arith.mulf %mul3A_577, %get3A_889 : vector<16xf32>
        %add3A_899 = arith.addf %add3A_897, %mul3A_898 : vector<16xf32>
        %mul3A_900 = arith.mulf %mul3A_584, %get3A_892 : vector<16xf32>
        %add3A_901 = arith.addf %add3A_899, %mul3A_900 : vector<16xf32>
        %min3A_902 = arith.minimumf %scan3A_874, %add3A_901 : vector<16xf32>
        %mul3A_903 = arith.mulf %mul3A_591, %get3A_886 : vector<16xf32>
        %add3A_904 = arith.addf %get3A_895, %mul3A_903 : vector<16xf32>
        %mul3A_905 = arith.mulf %mul3A_598, %get3A_889 : vector<16xf32>
        %add3A_906 = arith.addf %add3A_904, %mul3A_905 : vector<16xf32>
        %mul3A_907 = arith.mulf %mul3A_605, %get3A_892 : vector<16xf32>
        %add3A_908 = arith.addf %add3A_906, %mul3A_907 : vector<16xf32>
        %min3A_909 = arith.minimumf %scan3A_875, %add3A_908 : vector<16xf32>
        %mul3A_910 = arith.mulf %mul3A_612, %get3A_886 : vector<16xf32>
        %add3A_911 = arith.addf %get3A_895, %mul3A_910 : vector<16xf32>
        %mul3A_912 = arith.mulf %mul3A_619, %get3A_889 : vector<16xf32>
        %add3A_913 = arith.addf %add3A_911, %mul3A_912 : vector<16xf32>
        %mul3A_914 = arith.mulf %mul3A_626, %get3A_892 : vector<16xf32>
        %add3A_915 = arith.addf %add3A_913, %mul3A_914 : vector<16xf32>
        %min3A_916 = arith.minimumf %scan3A_876, %add3A_915 : vector<16xf32>
        %mul3A_917 = arith.mulf %mul3A_633, %get3A_886 : vector<16xf32>
        %add3A_918 = arith.addf %get3A_895, %mul3A_917 : vector<16xf32>
        %mul3A_919 = arith.mulf %mul3A_640, %get3A_889 : vector<16xf32>
        %add3A_920 = arith.addf %add3A_918, %mul3A_919 : vector<16xf32>
        %mul3A_921 = arith.mulf %mul3A_647, %get3A_892 : vector<16xf32>
        %add3A_922 = arith.addf %add3A_920, %mul3A_921 : vector<16xf32>
        %min3A_923 = arith.minimumf %scan3A_877, %add3A_922 : vector<16xf32>
        %mul3A_924 = arith.mulf %mul3A_654, %get3A_886 : vector<16xf32>
        %add3A_925 = arith.addf %get3A_895, %mul3A_924 : vector<16xf32>
        %mul3A_926 = arith.mulf %mul3A_661, %get3A_889 : vector<16xf32>
        %add3A_927 = arith.addf %add3A_925, %mul3A_926 : vector<16xf32>
        %mul3A_928 = arith.mulf %mul3A_668, %get3A_892 : vector<16xf32>
        %add3A_929 = arith.addf %add3A_927, %mul3A_928 : vector<16xf32>
        %min3A_930 = arith.minimumf %scan3A_878, %add3A_929 : vector<16xf32>
        %mul3A_931 = arith.mulf %mul3A_675, %get3A_886 : vector<16xf32>
        %add3A_932 = arith.addf %get3A_895, %mul3A_931 : vector<16xf32>
        %mul3A_933 = arith.mulf %mul3A_682, %get3A_889 : vector<16xf32>
        %add3A_934 = arith.addf %add3A_932, %mul3A_933 : vector<16xf32>
        %mul3A_935 = arith.mulf %mul3A_689, %get3A_892 : vector<16xf32>
        %add3A_936 = arith.addf %add3A_934, %mul3A_935 : vector<16xf32>
        %min3A_937 = arith.minimumf %scan3A_879, %add3A_936 : vector<16xf32>
        %mul3A_938 = arith.mulf %mul3A_696, %get3A_886 : vector<16xf32>
        %add3A_939 = arith.addf %get3A_895, %mul3A_938 : vector<16xf32>
        %mul3A_940 = arith.mulf %mul3A_703, %get3A_889 : vector<16xf32>
        %add3A_941 = arith.addf %add3A_939, %mul3A_940 : vector<16xf32>
        %mul3A_942 = arith.mulf %mul3A_710, %get3A_892 : vector<16xf32>
        %add3A_943 = arith.addf %add3A_941, %mul3A_942 : vector<16xf32>
        %min3A_944 = arith.minimumf %scan3A_880, %add3A_943 : vector<16xf32>
        %mul3A_945 = arith.mulf %mul3A_717, %get3A_886 : vector<16xf32>
        %add3A_946 = arith.addf %get3A_895, %mul3A_945 : vector<16xf32>
        %mul3A_947 = arith.mulf %mul3A_724, %get3A_889 : vector<16xf32>
        %add3A_948 = arith.addf %add3A_946, %mul3A_947 : vector<16xf32>
        %mul3A_949 = arith.mulf %mul3A_731, %get3A_892 : vector<16xf32>
        %add3A_950 = arith.addf %add3A_948, %mul3A_949 : vector<16xf32>
        %min3A_951 = arith.minimumf %scan3A_881, %add3A_950 : vector<16xf32>
        scf.yield %min3A_902, %min3A_909, %min3A_916, %min3A_923, %min3A_930, %min3A_937, %min3A_944, %min3A_951 : vector<16xf32>, vector<16xf32>, vector<16xf32>, vector<16xf32>, vector<16xf32>, vector<16xf32>, vector<16xf32>, vector<16xf32>
      }
      %scan3A_753 = arith.constant 256 : i32
      %gather3A_754 = vector.shape_cast %reshape3A_150 : vector<16x1xi32> to vector<16xi32>
      %gather3A_755 = tpu.dynamic_gather %scan3A_752#0[%gather3A_754] in [0] : vector<16xf32>, vector<16xi32> -> vector<16xf32>
      %min3A_756 = arith.minimumf %scan3A_752#0, %gather3A_755 : vector<16xf32>
      %gather3A_757 = vector.shape_cast %reshape3A_157 : vector<16x1xi32> to vector<16xi32>
      %gather3A_758 = tpu.dynamic_gather %min3A_756[%gather3A_757] in [0] : vector<16xf32>, vector<16xi32> -> vector<16xf32>
      %min3A_759 = arith.minimumf %min3A_756, %gather3A_758 : vector<16xf32>
      %gather3A_760 = vector.shape_cast %reshape3A_164 : vector<16x1xi32> to vector<16xi32>
      %gather3A_761 = tpu.dynamic_gather %min3A_759[%gather3A_760] in [0] : vector<16xf32>, vector<16xi32> -> vector<16xf32>
      %min3A_762 = arith.minimumf %min3A_759, %gather3A_761 : vector<16xf32>
      %gather3A_763 = vector.shape_cast %reshape3A_171 : vector<16x1xi32> to vector<16xi32>
      %gather3A_764 = tpu.dynamic_gather %min3A_762[%gather3A_763] in [0] : vector<16xf32>, vector<16xi32> -> vector<16xf32>
      %min3A_765 = arith.minimumf %min3A_762, %gather3A_764 : vector<16xf32>
      %mul3A_766 = arith.mulf %min3A_765, %select_n3A_211 : vector<16xf32>
      %add3A_767 = arith.addf %add3A_563, %mul3A_766 : vector<16xf32>
      %gather3A_768 = vector.shape_cast %reshape3A_150 : vector<16x1xi32> to vector<16xi32>
      %gather3A_769 = tpu.dynamic_gather %scan3A_752#1[%gather3A_768] in [0] : vector<16xf32>, vector<16xi32> -> vector<16xf32>
      %min3A_770 = arith.minimumf %scan3A_752#1, %gather3A_769 : vector<16xf32>
      %gather3A_771 = vector.shape_cast %reshape3A_157 : vector<16x1xi32> to vector<16xi32>
      %gather3A_772 = tpu.dynamic_gather %min3A_770[%gather3A_771] in [0] : vector<16xf32>, vector<16xi32> -> vector<16xf32>
      %min3A_773 = arith.minimumf %min3A_770, %gather3A_772 : vector<16xf32>
      %gather3A_774 = vector.shape_cast %reshape3A_164 : vector<16x1xi32> to vector<16xi32>
      %gather3A_775 = tpu.dynamic_gather %min3A_773[%gather3A_774] in [0] : vector<16xf32>, vector<16xi32> -> vector<16xf32>
      %min3A_776 = arith.minimumf %min3A_773, %gather3A_775 : vector<16xf32>
      %gather3A_777 = vector.shape_cast %reshape3A_171 : vector<16x1xi32> to vector<16xi32>
      %gather3A_778 = tpu.dynamic_gather %min3A_776[%gather3A_777] in [0] : vector<16xf32>, vector<16xi32> -> vector<16xf32>
      %min3A_779 = arith.minimumf %min3A_776, %gather3A_778 : vector<16xf32>
      %mul3A_780 = arith.mulf %min3A_779, %select_n3A_215 : vector<16xf32>
      %add3A_781 = arith.addf %add3A_767, %mul3A_780 : vector<16xf32>
      %gather3A_782 = vector.shape_cast %reshape3A_150 : vector<16x1xi32> to vector<16xi32>
      %gather3A_783 = tpu.dynamic_gather %scan3A_752#2[%gather3A_782] in [0] : vector<16xf32>, vector<16xi32> -> vector<16xf32>
      %min3A_784 = arith.minimumf %scan3A_752#2, %gather3A_783 : vector<16xf32>
      %gather3A_785 = vector.shape_cast %reshape3A_157 : vector<16x1xi32> to vector<16xi32>
      %gather3A_786 = tpu.dynamic_gather %min3A_784[%gather3A_785] in [0] : vector<16xf32>, vector<16xi32> -> vector<16xf32>
      %min3A_787 = arith.minimumf %min3A_784, %gather3A_786 : vector<16xf32>
      %gather3A_788 = vector.shape_cast %reshape3A_164 : vector<16x1xi32> to vector<16xi32>
      %gather3A_789 = tpu.dynamic_gather %min3A_787[%gather3A_788] in [0] : vector<16xf32>, vector<16xi32> -> vector<16xf32>
      %min3A_790 = arith.minimumf %min3A_787, %gather3A_789 : vector<16xf32>
      %gather3A_791 = vector.shape_cast %reshape3A_171 : vector<16x1xi32> to vector<16xi32>
      %gather3A_792 = tpu.dynamic_gather %min3A_790[%gather3A_791] in [0] : vector<16xf32>, vector<16xi32> -> vector<16xf32>
      %min3A_793 = arith.minimumf %min3A_790, %gather3A_792 : vector<16xf32>
      %mul3A_794 = arith.mulf %min3A_793, %select_n3A_219 : vector<16xf32>
      %add3A_795 = arith.addf %add3A_781, %mul3A_794 : vector<16xf32>
      %gather3A_796 = vector.shape_cast %reshape3A_150 : vector<16x1xi32> to vector<16xi32>
      %gather3A_797 = tpu.dynamic_gather %scan3A_752#3[%gather3A_796] in [0] : vector<16xf32>, vector<16xi32> -> vector<16xf32>
      %min3A_798 = arith.minimumf %scan3A_752#3, %gather3A_797 : vector<16xf32>
      %gather3A_799 = vector.shape_cast %reshape3A_157 : vector<16x1xi32> to vector<16xi32>
      %gather3A_800 = tpu.dynamic_gather %min3A_798[%gather3A_799] in [0] : vector<16xf32>, vector<16xi32> -> vector<16xf32>
      %min3A_801 = arith.minimumf %min3A_798, %gather3A_800 : vector<16xf32>
      %gather3A_802 = vector.shape_cast %reshape3A_164 : vector<16x1xi32> to vector<16xi32>
      %gather3A_803 = tpu.dynamic_gather %min3A_801[%gather3A_802] in [0] : vector<16xf32>, vector<16xi32> -> vector<16xf32>
      %min3A_804 = arith.minimumf %min3A_801, %gather3A_803 : vector<16xf32>
      %gather3A_805 = vector.shape_cast %reshape3A_171 : vector<16x1xi32> to vector<16xi32>
      %gather3A_806 = tpu.dynamic_gather %min3A_804[%gather3A_805] in [0] : vector<16xf32>, vector<16xi32> -> vector<16xf32>
      %min3A_807 = arith.minimumf %min3A_804, %gather3A_806 : vector<16xf32>
      %mul3A_808 = arith.mulf %min3A_807, %select_n3A_223 : vector<16xf32>
      %add3A_809 = arith.addf %add3A_795, %mul3A_808 : vector<16xf32>
      %gather3A_810 = vector.shape_cast %reshape3A_150 : vector<16x1xi32> to vector<16xi32>
      %gather3A_811 = tpu.dynamic_gather %scan3A_752#4[%gather3A_810] in [0] : vector<16xf32>, vector<16xi32> -> vector<16xf32>
      %min3A_812 = arith.minimumf %scan3A_752#4, %gather3A_811 : vector<16xf32>
      %gather3A_813 = vector.shape_cast %reshape3A_157 : vector<16x1xi32> to vector<16xi32>
      %gather3A_814 = tpu.dynamic_gather %min3A_812[%gather3A_813] in [0] : vector<16xf32>, vector<16xi32> -> vector<16xf32>
      %min3A_815 = arith.minimumf %min3A_812, %gather3A_814 : vector<16xf32>
      %gather3A_816 = vector.shape_cast %reshape3A_164 : vector<16x1xi32> to vector<16xi32>
      %gather3A_817 = tpu.dynamic_gather %min3A_815[%gather3A_816] in [0] : vector<16xf32>, vector<16xi32> -> vector<16xf32>
      %min3A_818 = arith.minimumf %min3A_815, %gather3A_817 : vector<16xf32>
      %gather3A_819 = vector.shape_cast %reshape3A_171 : vector<16x1xi32> to vector<16xi32>
      %gather3A_820 = tpu.dynamic_gather %min3A_818[%gather3A_819] in [0] : vector<16xf32>, vector<16xi32> -> vector<16xf32>
      %min3A_821 = arith.minimumf %min3A_818, %gather3A_820 : vector<16xf32>
      %mul3A_822 = arith.mulf %min3A_821, %select_n3A_227 : vector<16xf32>
      %add3A_823 = arith.addf %add3A_809, %mul3A_822 : vector<16xf32>
      %gather3A_824 = vector.shape_cast %reshape3A_150 : vector<16x1xi32> to vector<16xi32>
      %gather3A_825 = tpu.dynamic_gather %scan3A_752#5[%gather3A_824] in [0] : vector<16xf32>, vector<16xi32> -> vector<16xf32>
      %min3A_826 = arith.minimumf %scan3A_752#5, %gather3A_825 : vector<16xf32>
      %gather3A_827 = vector.shape_cast %reshape3A_157 : vector<16x1xi32> to vector<16xi32>
      %gather3A_828 = tpu.dynamic_gather %min3A_826[%gather3A_827] in [0] : vector<16xf32>, vector<16xi32> -> vector<16xf32>
      %min3A_829 = arith.minimumf %min3A_826, %gather3A_828 : vector<16xf32>
      %gather3A_830 = vector.shape_cast %reshape3A_164 : vector<16x1xi32> to vector<16xi32>
      %gather3A_831 = tpu.dynamic_gather %min3A_829[%gather3A_830] in [0] : vector<16xf32>, vector<16xi32> -> vector<16xf32>
      %min3A_832 = arith.minimumf %min3A_829, %gather3A_831 : vector<16xf32>
      %gather3A_833 = vector.shape_cast %reshape3A_171 : vector<16x1xi32> to vector<16xi32>
      %gather3A_834 = tpu.dynamic_gather %min3A_832[%gather3A_833] in [0] : vector<16xf32>, vector<16xi32> -> vector<16xf32>
      %min3A_835 = arith.minimumf %min3A_832, %gather3A_834 : vector<16xf32>
      %mul3A_836 = arith.mulf %min3A_835, %select_n3A_231 : vector<16xf32>
      %add3A_837 = arith.addf %add3A_823, %mul3A_836 : vector<16xf32>
      %gather3A_838 = vector.shape_cast %reshape3A_150 : vector<16x1xi32> to vector<16xi32>
      %gather3A_839 = tpu.dynamic_gather %scan3A_752#6[%gather3A_838] in [0] : vector<16xf32>, vector<16xi32> -> vector<16xf32>
      %min3A_840 = arith.minimumf %scan3A_752#6, %gather3A_839 : vector<16xf32>
      %gather3A_841 = vector.shape_cast %reshape3A_157 : vector<16x1xi32> to vector<16xi32>
      %gather3A_842 = tpu.dynamic_gather %min3A_840[%gather3A_841] in [0] : vector<16xf32>, vector<16xi32> -> vector<16xf32>
      %min3A_843 = arith.minimumf %min3A_840, %gather3A_842 : vector<16xf32>
      %gather3A_844 = vector.shape_cast %reshape3A_164 : vector<16x1xi32> to vector<16xi32>
      %gather3A_845 = tpu.dynamic_gather %min3A_843[%gather3A_844] in [0] : vector<16xf32>, vector<16xi32> -> vector<16xf32>
      %min3A_846 = arith.minimumf %min3A_843, %gather3A_845 : vector<16xf32>
      %gather3A_847 = vector.shape_cast %reshape3A_171 : vector<16x1xi32> to vector<16xi32>
      %gather3A_848 = tpu.dynamic_gather %min3A_846[%gather3A_847] in [0] : vector<16xf32>, vector<16xi32> -> vector<16xf32>
      %min3A_849 = arith.minimumf %min3A_846, %gather3A_848 : vector<16xf32>
      %mul3A_850 = arith.mulf %min3A_849, %select_n3A_235 : vector<16xf32>
      %add3A_851 = arith.addf %add3A_837, %mul3A_850 : vector<16xf32>
      %gather3A_852 = vector.shape_cast %reshape3A_150 : vector<16x1xi32> to vector<16xi32>
      %gather3A_853 = tpu.dynamic_gather %scan3A_752#7[%gather3A_852] in [0] : vector<16xf32>, vector<16xi32> -> vector<16xf32>
      %min3A_854 = arith.minimumf %scan3A_752#7, %gather3A_853 : vector<16xf32>
      %gather3A_855 = vector.shape_cast %reshape3A_157 : vector<16x1xi32> to vector<16xi32>
      %gather3A_856 = tpu.dynamic_gather %min3A_854[%gather3A_855] in [0] : vector<16xf32>, vector<16xi32> -> vector<16xf32>
      %min3A_857 = arith.minimumf %min3A_854, %gather3A_856 : vector<16xf32>
      %gather3A_858 = vector.shape_cast %reshape3A_164 : vector<16x1xi32> to vector<16xi32>
      %gather3A_859 = tpu.dynamic_gather %min3A_857[%gather3A_858] in [0] : vector<16xf32>, vector<16xi32> -> vector<16xf32>
      %min3A_860 = arith.minimumf %min3A_857, %gather3A_859 : vector<16xf32>
      %gather3A_861 = vector.shape_cast %reshape3A_171 : vector<16x1xi32> to vector<16xi32>
      %gather3A_862 = tpu.dynamic_gather %min3A_860[%gather3A_861] in [0] : vector<16xf32>, vector<16xi32> -> vector<16xf32>
      %min3A_863 = arith.minimumf %min3A_860, %gather3A_862 : vector<16xf32>
      %mul3A_864 = arith.mulf %min3A_863, %select_n3A_239 : vector<16xf32>
      %add3A_865 = arith.addf %add3A_851, %mul3A_864 : vector<16xf32>
      %get3A_866 = arith.index_cast %add3A_253 : i32 to index
      %get3A_867 = tpu.vector_load %arg22[%get3A_866] {strides = array<i32>} : memref<4096xf32, #tpu.memory_space<vmem>>, vector<16xf32>,
      %get3A_868 = vector.shape_cast %get3A_867 : vector<16xf32> to vector<16xf32>
      %add3A_869 = arith.addf %add3A_865, %get3A_868 : vector<16xf32>
      %max3A = arith.constant 0.000000e+00 : f32
      %max3A_870 = vector.broadcast %max3A : f32 to vector<16xf32>
      %max3A_871 = arith.maximumf %add3A_869, %max3A_870 : vector<16xf32>
      %add3A_872 = arith.addf %scan3A_250, %max3A_871 : vector<16xf32>
      scf.yield %add3A_872 : vector<16xf32>
    }
    %scan3A_245 = arith.constant 32 : i32
    %swap3A = arith.constant 0 : index
    %swap3A_246 = tpu.vector_load %arg23[%swap3A] {strides = array<i32>} : memref<16xf32, #tpu.memory_space<vmem>>, vector<16xf32>,
    %swap3A_247 = vector.shape_cast %swap3A_246 : vector<16xf32> to vector<16xf32>
    %swap3A_248 = vector.shape_cast %scan3A_244 : vector<16xf32> to vector<16xf32>
    tpu.vector_store %arg23[%swap3A], %swap3A_248 {strides = array<i32>} : memref<16xf32, #tpu.memory_space<vmem>>, vector<16xf32>,
    "tpu.region"() ({
      %run_scoped3A = tpu.sem_alloc : memref<!tpu.dma_semaphore, #tpu.memory_space<semaphore_mem>>
      %dma_start3A = arith.constant 0 : i32
      %dma_start3A_249 = tpu.memref_slice %arg14[%add3A, %dma_start3A] : memref<32x16xf32, #tpu.memory_space<hbm>> -> memref<1x16xf32, #tpu.memory_space<hbm>>
      %dma_start3A_250 = tpu.memref_squeeze %dma_start3A_249 : memref<1x16xf32, #tpu.memory_space<hbm>> -> memref<16xf32, #tpu.memory_space<hbm>>
      %dma_start3A_251 = arith.constant 0 : i32
      %dma_start3A_252 = tpu.memref_slice %arg14[%add3A, %dma_start3A_251] : memref<32x16xf32, #tpu.memory_space<hbm>> -> memref<1x16xf32, #tpu.memory_space<hbm>>
      %dma_start3A_253 = tpu.memref_squeeze %dma_start3A_252 : memref<1x16xf32, #tpu.memory_space<hbm>> -> memref<16xf32, #tpu.memory_space<hbm>>
      tpu.enqueue_dma source(%arg23 : memref<16xf32, #tpu.memory_space<vmem>>) target(%dma_start3A_253 : memref<16xf32, #tpu.memory_space<hbm>>) target_semaphore(%run_scoped3A : memref<!tpu.dma_semaphore, #tpu.memory_space<semaphore_mem>>)
      %dma_wait3A = arith.constant 0 : i32
      %dma_wait3A_254 = tpu.memref_slice %arg14[%add3A, %dma_wait3A] : memref<32x16xf32, #tpu.memory_space<hbm>> -> memref<1x16xf32, #tpu.memory_space<hbm>>
      %dma_wait3A_255 = tpu.memref_squeeze %dma_wait3A_254 : memref<1x16xf32, #tpu.memory_space<hbm>> -> memref<16xf32, #tpu.memory_space<hbm>>
      %dma_wait3A_256 = arith.constant 0 : i32
      %dma_wait3A_257 = tpu.memref_slice %arg14[%add3A, %dma_wait3A_256] : memref<32x16xf32, #tpu.memory_space<hbm>> -> memref<1x16xf32, #tpu.memory_space<hbm>>
      %dma_wait3A_258 = tpu.memref_squeeze %dma_wait3A_257 : memref<1x16xf32, #tpu.memory_space<hbm>> -> memref<16xf32, #tpu.memory_space<hbm>>
      tpu.wait_dma2 semaphore(%run_scoped3A : memref<!tpu.dma_semaphore, #tpu.memory_space<semaphore_mem>>) src(%arg23 : memref<16xf32, #tpu.memory_space<vmem>>) dst(%dma_wait3A_258 : memref<16xf32, #tpu.memory_space<hbm>>)
      tpu.yield
    }) : () -> ()
    return
  }
}

</mosaic_0001>

<sc_bundles>
// kernel: kernel.3.cloned.1.call-start
scs
__scs_entry_jumppad:
0x0: {  	(pc) =	sbr.rel $0x88, $3  }
0x1: {  	(tag) =	ssettag $0x0;
	lr =	simm.s32 $0x1  }
0x2: {  	[smem:$0x3F9F] =	sst lr;
	_ =	strace $0xD0000000  }
0x3: {  	_ = 	snop  }
0x4: {  	_ = 	snop  }
0x5: {  	_ = 	snop  }
0x6: {  	_ = 	snop  }
0x7: {  	_ = 	snop  }
__scs_overlays_trampoline_lowered:
0x8: {  	[smem:$0x3FAE] =	sst s0  }
0x9: {  	[smem:$0x3FAF] =	sst s1  }
0xa: {  	[smem:$0x3FB0] =	sst s2  }
0xb: {  	[smem:$0x3FB1] =	sst s3  }
0xc: {  	[smem:$0x3FB2] =	sst s4  }
0xd: {  	[smem:$0x3FB3] =	sst s5  }
0xe: {  	[smem:$0x3FB4] =	sst s6  }
0xf: {  	[smem:$0x3FB5] =	sst s7  }
0x10: {  	[smem:$0x3FB6] =	sst s8  }
0x11: {  	[smem:$0x3FB7] =	sst s9;
	s0 =	simm.s32 @!p0 $0x0  }
0x12: {  	s1 =	sld [smem:$0x3F9D];
	s0 =	simm.s32 @p0 $0x1  }
0x13: {  	[smem:$0x3FB8] =	sst s0;
	s0 =	simm.s32 @!p1 $0x0  }
0x14: {  	s2 =	sld [smem:$0x3F9C];
	s0 =	simm.s32 @p1 $0x1  }
0x15: {  	[smem:$0x3FB9] =	sst s0;
	s0 =	simm.s32 @!p2 $0x0  }
0x16: {  	s3 =	sld [smem:$0x3FDB];
	s0 =	simm.s32 @p2 $0x1  }
0x17: {  	s4 =	simm.s32 $0x1BF5;
	[smem:$0x3FBB] =	sst s0  }
0x18: {  	s0 =	sld [smem:$0x3F9E];
	_ =	swait.ge [sflag:s4], $0x0  }
0x19: {  	s7 =	sld [smem:$0x3F9F]  }
0x1a: {  	s8 =	sadd.s32 $0xFFFFE003, lr  }
0x1b: {  	s9 =	sadd.s32 $0xFFFFFEF7, lr;
	s5 =	simm.s32 $0xFFFFFFFF;
	p2 =	slt.u32 s8, $0xFFFFF086  }
0x1c: {  	p1 =	slt.u32 s9, $0xF7A;
	s5 =	simm.s32 @!p2 $0x0  }
0x1d: {  	s5 =	simm.s32 @p1 $0x1;
	p0 =	seq.s32 s7, s2  }
0x1e: {  	s7 =	smul.u32 @!p0 $0xF7A, s2;
	p2 =	seq.s32 @!p0 s5, $0x0  }
0x1f: {  	s9 =	smul.u32 $0xF7A, s1;
	s8 =	simm.s32 @!p0 $0x1BF5;
	p2 =	por !p2, p0  }
0x20: {  	[sflag:s8] =	ssyncset.s32 @!p0 $0xFFFFF086;
	s6 =	sadd.s32 @!p0 s3, s7;
	s7 =	simm.s32 @!p0 $0x108  }
0x21: {  	s3 =	sadd.s32 s3, s9;
	s6 =	sadd.s32 @!p0 $0x88, s6;
	s7 =	simm.s32 @p2 $0x1082  }
0x22: {  	[simem:s7], [sflag:s8] =	dma.local @!p0 [hbm:s6], $0xF7A  }
0x23: {  	s9 =	sor.u32 $0xD0000000, s2;
	s6 =	simm.s32 $0x108;
	_ =	swait.ge @!p0 [sflag:s8], $0x0  }
0x24: {  	s3 =	sadd.s32 $0x88, s3;
	s6 =	simm.s32 @!p1 $0x1082;
	[sflag:s4] =	ssyncset.s32 $0xFFFFF086  }
0x25: {  	[simem:s6], [sflag:s4] =	dma.local [hbm:s3], $0xF7A  }
0x26: {  	[smem:$0x3F9F] =	sst s1;
	(tag) =	ssettag s2;
	_ =	strace s9  }
0x27: {  	s1 =	sld [smem:$0x3FAF]  }
0x28: {  	s2 =	sld [smem:$0x3FB0]  }
0x29: {  	s4 =	sld [smem:$0x3FB2]  }
0x2a: {  	p0 =	seq.s32 s5, $0x0;
	s5 =	sld [smem:$0x3FB3]  }
0x2b: {  	s6 =	sld [smem:$0x3FB4]  }
0x2c: {  	s7 =	sld [smem:$0x3FB5]  }
0x2d: {  	s3 =	simm.s32 $0x108;
	s8 =	sld [smem:$0x3FB6]  }
0x2e: {  	s3 =	simm.s32 @!p0 $0x1082;
	s9 =	sld [smem:$0x3FB7]  }
0x2f: {  	lr =	sadd.s32 s0, s3;
	s0 =	sld [smem:$0x3FAE]  }
0x30: {  	s3 =	sld [smem:$0x3FB1]  }
0x31: {  	[smem:$0x3FBA] =	sst s10  }
0x32: {  	s10 =	sld [smem:$0x3FB8];
	_ =	sdelay $0x3  }
0x33: {  	p0 =	seq.s32 s10, $0x1;
	s10 =	sld [smem:$0x3FBA];
	_ =	sdelay $0x3  }
0x34: {  	[smem:$0x3FBA] =	sst s10  }
0x35: {  	s10 =	sld [smem:$0x3FB9];
	_ =	sdelay $0x3  }
0x36: {  	p1 =	seq.s32 s10, $0x1;
	s10 =	sld [smem:$0x3FBA];
	_ =	sdelay $0x3  }
0x37: {  	[smem:$0x3FBA] =	sst s10  }
0x38: {  	s10 =	sld [smem:$0x3FBB]  }
0x39: {  	_ = 	snop;
	(pc) =	sbr.ind lr, $3  }
0x3a: {  	_ = 	snop  }
0x3b: {  	_ = 	snop  }
0x3c: {  	p2 =	seq.s32 s10, $0x1;
	s10 =	sld [smem:$0x3FBA]  }
0x3d: {  	_ =	shalt  }
0x3e: {  	_ =	shalt  }
0x3f: {  	_ =	shalt  }
0x40: {  	_ =	shalt  }
0x41: {  	_ =	shalt  }
0x42: {  	_ =	shalt  }
0x43: {  	_ =	shalt  }
0x44: {  	_ =	shalt  }
0x45: {  	_ =	shalt  }
0x46: {  	_ =	shalt  }
0x47: {  	_ =	shalt  }
0x48: {  	_ =	shalt  }
0x49: {  	_ =	shalt  }
0x4a: {  	_ =	shalt  }
0x4b: {  	_ =	shalt  }
0x4c: {  	_ =	shalt  }
0x4d: {  	_ =	shalt  }
0x4e: {  	_ =	shalt  }
0x4f: {  	_ =	shalt  }
0x50: {  	_ =	shalt  }
0x51: {  	_ =	shalt  }
0x52: {  	_ =	shalt  }
0x53: {  	_ =	shalt  }
0x54: {  	_ =	shalt  }
0x55: {  	_ =	shalt  }
0x56: {  	_ =	shalt  }
0x57: {  	_ =	shalt  }
0x58: {  	_ =	shalt  }
0x59: {  	_ =	shalt  }
0x5a: {  	_ =	shalt  }
0x5b: {  	_ =	shalt  }
0x5c: {  	_ =	shalt  }
0x5d: {  	_ =	shalt  }
0x5e: {  	_ =	shalt  }
0x5f: {  	_ =	shalt  }
0x60: {  	_ =	shalt  }
0x61: {  	_ =	shalt  }
0x62: {  	_ =	shalt  }
0x63: {  	_ =	shalt  }
0x64: {  	_ =	shalt  }
0x65: {  	_ =	shalt  }
0x66: {  	_ =	shalt  }
0x67: {  	_ =	shalt  }
0x68: {  	_ =	shalt  }
0x69: {  	_ =	shalt  }
0x6a: {  	_ =	shalt  }
0x6b: {  	_ =	shalt  }
0x6c: {  	_ =	shalt  }
0x6d: {  	_ =	shalt  }
0x6e: {  	_ =	shalt  }
0x6f: {  	_ =	shalt  }
0x70: {  	_ =	shalt  }
0x71: {  	_ =	shalt  }
0x72: {  	_ =	shalt  }
0x73: {  	_ =	shalt  }
0x74: {  	_ =	shalt  }
0x75: {  	_ =	shalt  }
0x76: {  	_ =	shalt  }
0x77: {  	_ =	shalt  }
0x78: {  	_ =	shalt  }
0x79: {  	_ =	shalt  }
0x7a: {  	_ =	shalt  }
0x7b: {  	_ =	shalt  }
0x7c: {  	_ =	shalt  }
0x7d: {  	_ =	shalt  }
0x7e: {  	_ =	shalt  }
0x7f: {  	_ =	shalt  }
0x80: {  	_ =	shalt  }
0x81: {  	_ =	shalt  }
0x82: {  	_ =	shalt  }
0x83: {  	_ =	shalt  }
0x84: {  	_ =	shalt  }
0x85: {  	_ =	shalt  }
0x86: {  	_ =	shalt  }
0x87: {  	_ =	shalt  }
.Lfunc_end0:
.L_simem_size_0:
called_computation_lowered:
.L_overlay_start_0:
0x88: {  	s2 =	sld [smem:$0x3FD9]  }
0x89: {  	s3 =	sld [smem:$0x3FFE];
	_ =	sdelay $0x1  }
0x8a: {  	s1 =	srdreg.scid  }
0x8b: {  	s0 =	sand.u32 $0x1, s1  }
0x8c: {  	s16 =	sshll.u32 s0, $0xA;
	s2 =	sadd.s32 s3, s2  }
0x8d: {  	s2 =	sadd.s32 s2, s16  }
0x8e: {  	[smem:$0x3FC6] =	sst s2  }
0x8f: {  	_ = 	snop  }
0x90: {  	(tm) =	ssettm $0x1  }
0x91: {  	s17 =	sld [smem:$0x3FFB];
	_ =	sdelay $0x3  }
0x92: {  	_ =	strace s17  }
0x93: {  	s2 =	sld [smem:$0x3FFC];
	_ =	sdelay $0x3  }
0x94: {  	_ =	strace s2  }
0x95: {  	s2 =	sld [smem:$0x3FFD];
	_ =	sdelay $0x3  }
0x96: {  	_ =	strace s2  }
0x97: {  	_ =	strace $0x8FFFFFFF  }
0x98: {  	s18 =	sld [smem:$0x3FDB];
	_ =	sdelay $0x1  }
0x99: {  	s19 =	simm.s32 $_scs_section_size  }
0x9a: {  	s4 =	simm.s32 $_size__tile_overlayer_lowered;
	s5 =	simm.s32 $_tile_overlayer_lowered  }
0x9b: {  	s22 =	simm.s32 $0x1BFF;
	s21 =	sshll.u32 s5, $0x1;
	s2 =	sadd.s32 s19, s18  }
0x9c: {  	s6 =	simm.s32 $0x0;
	s20 =	sshll.u32 s4, $0x1;
	s4 =	sadd.s32 s21, s2  }
0x9d: {  	[timem:s6], [sflag:s22] =	dma.local [hbm:s4], s20  }
0x9e: {  	_ =	swait.ge [sflag:s22], s20  }
0x9f: {  	s3 =	ssub.s32 $0x0, s20;
	[sflag:s22] =	ssyncset.done $0x0  }
0xa0: {  	[sflag:s22] =	ssyncadd.s32 s3;
	_ =	sdelay $0x1  }
0xa1: {  	s23 =	simm.s32 $0x1B8B  }
0xa2: {  	_ =	swait.ge [sflag:s23], $0x1  }
0xa3: {  	[sflag:s23] =	ssyncset.done $0x0  }
0xa4: {  	s25 =	simm.s32 $0x1B8E;
	s24 =	sld [smem:$0x3FFE];
	[sflag:s23] =	ssyncadd.s32 $0xFFFFFFFF  }
0xa5: {  	s26 =	simm.s32 $execute0_lowered;
	[smem:$0x3FD2] =	sst s25  }
0xa6: {  	s4 =	sshll.u32 s26, $0x1;
	_ =	strace $0x80000046;
	[dreg:$0x1] =	wrdreg $0xFFFFFFFF  }
0xa7: {  	s28 =	simm.s32 $_size_execute0_lowered;
	s2 =	sadd.s32 s2, s4;
	[dreg:$0x0] =	wrdreg $0x0  }
0xa8: {  	s4 =	sshll.u32 s28, $0x1;
	[dreg:$0x2] =	wrdreg s2  }
0xa9: {  	[dreg:$0x3] =	wrdreg s4  }
0xaa: {  	[dreg:$0x4] =	wrdreg $0xC0  }
0xab: {  	_ =	task [dreg:s6], $0x5FFFF  }
0xac: {  	[dreg:$0x1] =	wrdreg $0xFFFFFFFF  }
0xad: {  	[dreg:$0x0] =	wrdreg $0x60  }
0xae: {  	[dreg:$0x2] =	wrdreg s24  }
0xaf: {  	[dreg:$0x3] =	wrdreg $0x9  }
0xb0: {  	_ =	task.clear_ibuf [dreg:s6], $0x4FFFF;
	_ =	strace $0x90000046  }
0xb1: {  	s29 =	simm.s32 $0x9;
	_ =	strace $0x80000048  }
0xb2: {  	_ =	swait.ge [sflag:s29], $0x1  }
0xb3: {  	[sflag:s29] =	ssyncadd.s32 $0xFFFFFFFF  }
0xb4: {  	_ =	strace $0x90000048  }
0xb5: {  	_ =	sfence  }
0xb6: {  	s30 =	sld [smem:$0x0];
	_ =	sdelay $0x2  }
0xb7: {  	s31 =	sshll.u32 s1, $0xD;
	s1 =	sshrl.u32 s1, $0x2  }
0xb8: {  	s3 =	sand.u32 $0x4000, s31;
	s1 =	sadd.s32 s1, s30  }
0xb9: {  	s0 =	sor.u32 s3, s0;
	s1 =	sshll.u32 s1, $0x11  }
0xba: {  	s0 =	sor.u32 s1, s0  }
0xbb: {  	s0 =	sadd.s32 $0x8F2B, s0  }
0xbc: {  	[sflag:s0] =	ssyncadd.remote.s32 $0x1  }
0xbd: {  	_ =	sfence.sel $0xFFFF  }
0xbe: {  	[dreg:$0x0] =	wrdreg $0xFFFFFFFF;
	(pc) =	sbr.abs _section_cstart, $3  }
0xbf: {  	[dreg:$0x1] =	wrdreg $0xFFFFFFFF  }
0xc0: {  	_ =	task.clear_ibuf [dreg:s6], $0x2FFFF;
	_ =	strace $0x9FFFFFFF  }
0xc1: {  	(tm) =	ssettm $0x7FFFFFFF  }
tec
execute0_lowered:
.L_overlay_start_1:
0x0: {  	(tag) =	ssettag $0x1  }
0x1: {  	v0 =	vimm.s32 $0xFEDCBA98;
	v1 =	vimm.s32 $0x76543210  }
0x2: {  	v2 =	vimm.s32 $0x3210FEDC;
	v3 =	vimm.s32 $0xBA987654;
	v4 =	vimm.s32 $0x10FEDCBA  }
0x3: {  	v5 =	vimm.s32 $0x98765432;
	v6 =	vimm.s32 $0xFEDCBA9;
	v7 =	vimm.s32 $0x87654321;
	s3 =	rddreg [dreg:$0x0]  }
0x4: {  	s0 =	rddreg [dreg:$0x1];
	s1 =	simm.s32 $0x0;
	vm0 =	vcmask $0x300;
	vm1 =	vcmask $0x704;
	vm2 =	vcmask $0xB08  }
0x5: {  	s2 =	stileid.u32;
	s4 =	srdreg.scid;
	vm3 =	vcmask $0xF0C;
	vm4 =	vcmask $0x1310;
	vm5 =	vcmask $0x1714;
	s17 =	simm.s32 $0x1  }
0x6: {  	vm6 =	vcmask $0x1B18;
	vm7 =	vcmask $0x1F1C;
	vm8 =	vcmask $0x2320;
	s18 =	simm.s32 $0x1000;
	s19 =	simm.s32 $0x2000;
	s20 =	simm.s32 $0x3000  }
0x7: {  	vm9 =	vcmask $0x2724;
	vm10 =	vcmask $0x2B28;
	vm11 =	vcmask $0x2F2C;
	s21 =	simm.s32 $0x4000;
	s22 =	simm.s32 $0x5000;
	s24 =	simm.s32 $0x8000  }
0x8: {  	vm12 =	vcmask $0x3330;
	v63 =	vimm.f32 $1.000000000e+00;
	vm15 =	vcmask $0x3B00;
	s25 =	simm.s32 $0x0;
	[smem:$0x7FF] =	sst s1;
	s4 =	sand.u32 $0x1, s4  }
0x9: {  	v0 =	vunpack.c.l.s4.s8 v0;
	v1 =	vunpack.c.l.s4.s8 v1;
	v2 =	vunpack.c.l.s4.s8 v2;
	s5 =	sshll.u32 s2, $0x1;
	s6 =	sshll.u32 s2, $0x7;
	_ =	strace $0x80000047  }
0xa: {  	v3 =	vunpack.c.l.s4.s8 v3;
	v4 =	vunpack.c.l.s4.s8 v4;
	v5 =	vunpack.c.l.s4.s8 v5;
	s5 =	sor.u32 s4, s5;
	s4 =	ssub.s32 $0x2, s4;
	s6 =	sand.u32 $0x600, s6  }
0xb: {  	v6 =	vunpack.c.l.s4.s8 v6;
	v7 =	vunpack.c.l.s4.s8 v7;
	v0 =	vunpack.c.0.s8.s32 v0;
	s7 =	sshll.u32 s5, $0x4;
	s8 =	sshrl.u32 s4, $0x1;
	s14 =	sadd.s32 s6, s3  }
0xc: {  	v2 =	vunpack.c.0.s8.s32 v2;
	v3 =	vunpack.c.0.s8.s32 v3;
	v4 =	vunpack.c.0.s8.s32 v4;
	s23 =	sshll.u32 s5, $0x9;
	s15 =	sadd.s32 s7, s3;
	s16 =	ssub.s32 s4, s8  }
0xd: {  	v5 =	vunpack.c.0.s8.s32 v5;
	v6 =	vunpack.c.0.s8.s32 v6;
	v7 =	vunpack.c.0.s8.s32 v7;
	s3 =	sadd.s32 $0x2800, s14;
	s4 =	sadd.s32 $0x2000, s14;
	s5 =	sadd.s32 $0x1800, s14  }
0xe: {  	vm13 =	vcmask $0x3734;
	v1 =	vunpack.c.0.s8.s32 v1;
	s6 =	sadd.s32 $0x4000, s14;
	s7 =	sadd.s32 $0x3800, s14;
	s8 =	sadd.s32 $0x3000, s14;
	v2 =	vcombine.low v3, v2  }
0xf: {  	s9 =	sadd.s32 $0x5000, s14;
	s10 =	sadd.s32 $0x4800, s14;
	s11 =	sadd.s32 $0x6000, s14;
	v0 =	vand.u32 $0xF, v0;
	v61 =	vcombine.low v5, v4;
	v62 =	vcombine.low v7, v6  }
0x10: {  	vm14 =	vcmask $0x3B38;
	s12 =	sadd.s32 $0x5800, s14;
	s13 =	sadd.s32 $0x7000, s14;
	s14 =	sadd.s32 $0x6800, s14;
	v8 =	vcombine.low v0, v1;
	v0 =	vsel vm15, $0x0, v63  }
0x11: {  	s23 =	sand.u32 $0xF80, s23;
	s15 =	sadd.s32 $0x7800, s15;
	s16 =	smax.u32 s16, $0x1;
	v9 =	vand.u32 $0xF, v2;
	v10 =	vand.u32 $0xF, v61;
	v11 =	vand.u32 $0xF, v62;
	[tilespmem:$0x1FFF0] =	vst v0  }
.LBB2_1:
0x12: {  	[tilespmem:s1], [sflag:$0x1] =	stream.linear.gather [hbm4b:s3+s1], $0x1000, $0x38;
	[tilespmem:$0x8080] =	vst v63  }
0x13: {  	_ =	swait.ge [sflag:s17], $0x1000  }
0x14: {  	[sflag:s17] =	ssyncset.done $0x0  }
0x15: {  	[sflag:s17] =	ssyncadd.s32 $0xFFFFF000  }
0x16: {  	[tilespmem:s18], [sflag:$0x1] =	stream.linear.gather [hbm4b:s4+s1], $0x1000, $0x38;
	[tilespmem:$0x8080] =	vst v63  }
0x17: {  	_ =	swait.ge [sflag:s17], $0x1000  }
0x18: {  	[sflag:s17] =	ssyncset.done $0x0  }
0x19: {  	[sflag:s17] =	ssyncadd.s32 $0xFFFFF000  }
0x1a: {  	[tilespmem:s19], [sflag:$0x1] =	stream.linear.gather [hbm4b:s5+s1], $0x1000, $0x38;
	[tilespmem:$0x8080] =	vst v63  }
0x1b: {  	_ =	swait.ge [sflag:s17], $0x1000  }
0x1c: {  	[sflag:s17] =	ssyncset.done $0x0  }
0x1d: {  	[sflag:s17] =	ssyncadd.s32 $0xFFFFF000  }
0x1e: {  	[tilespmem:s20], [sflag:$0x1] =	stream.linear.gather [hbm4b:s6+s1], $0x1000, $0x38;
	[tilespmem:$0x8080] =	vst v63  }
0x1f: {  	_ =	swait.ge [sflag:s17], $0x1000  }
0x20: {  	[sflag:s17] =	ssyncset.done $0x0  }
0x21: {  	[sflag:s17] =	ssyncadd.s32 $0xFFFFF000  }
0x22: {  	[tilespmem:s21], [sflag:$0x1] =	stream.linear.gather [hbm4b:s7+s1], $0x1000, $0x38;
	[tilespmem:$0x8080] =	vst v63  }
0x23: {  	_ =	swait.ge [sflag:s17], $0x1000  }
0x24: {  	[sflag:s17] =	ssyncset.done $0x0  }
0x25: {  	[sflag:s17] =	ssyncadd.s32 $0xFFFFF000  }
0x26: {  	[tilespmem:s22], [sflag:$0x1] =	stream.linear.gather [hbm4b:s8+s1], $0x1000, $0x38;
	[tilespmem:$0x8080] =	vst v63  }
0x27: {  	_ =	swait.ge [sflag:s17], $0x1000  }
0x28: {  	[sflag:s17] =	ssyncset.done $0x0  }
0x29: {  	s26 =	simm.s32 $0x0;
	[sflag:s17] =	ssyncadd.s32 $0xFFFFF000  }
0x2a: {  	v1 =	vld [tilespmem:s26+$0x3000]  }
0x2b: {  	v2 =	vld [tilespmem:s26+$0x4000]  }
0x2c: {  	v4 =	vld [tilespmem:s26+$0x0]  }
0x2d: {  	v5 =	vld [tilespmem:s26+$0x5000]  }
0x2e: {  	v6 =	vld [tilespmem:s26+$0x1000]  }
0x2f: {  	s28 =	simm.s32 $0x10;
	v7 =	vld [tilespmem:s26+$0x2000]  }
0x30: {  	v0 =	vld [tilespmem:s28+$0x3000];
	v12 =	vmul.f32 v1, v1;
	v2 =	vmul.f32 v2, v2  }
0x31: {  	v3 =	vld [tilespmem:s28+$0x4000]  }
0x32: {  	v1 =	vld [tilespmem:s28+$0x0];
	v14 =	vmul.f32 v5, v5;
	v13 =	vadd.f32 v2, v12  }
0x33: {  	v5 =	vmul.f32 v4, v4;
	v2 =	vld [tilespmem:s28+$0x5000];
	v12 =	vmul.f32 v6, v6  }
0x34: {  	s29 =	simm.s32 $0x80;
	v4 =	vld [tilespmem:s28+$0x1000];
	v6 =	vmul.f32 v7, v7;
	v7 =	vadd.f32 v14, v13  }
.LBB2_2:
0x35: {  	s30 =	sshra.s32 s29, $0x2;
	v13 =	vld [tilespmem:s28+$0x2000];
	v12 =	vadd.f32 v12, v5;
	p0 =	sne.s32 s29, $0x3FC0  }
.Ltmp0:
0x36: {  	s29 =	sadd.s32 $0x40, s29;
	v14 =	vmul.f32 v0, v0;
	v0 =	vld [tilespmem:s30+$0x3000];
	v15 =	vmul.f32 v3, v3;
	[tilespmem:s26+$0x7000] =	vst v7;
	(pc) =	sbr.rel @p0 .LBB2_2-.Ltmp0, $4  }
0x37: {  	v3 =	vld [tilespmem:s30+$0x4000];
	v5 =	vmul.f32 v1, v1;
	v6 =	vadd.f32 v6, v12  }
0x38: {  	v1 =	vld [tilespmem:s30+$0x0];
	v7 =	vadd.f32 v15, v14;
	v14 =	vmul.f32 v2, v2  }
0x39: {  	v2 =	vld [tilespmem:s30+$0x5000];
	v12 =	vmul.f32 v4, v4;
	[tilespmem:s26+$0x6000] =	vst v6;
	s26 =	smov.u32 s28;
	s28 =	smov.u32 s30  }
0x3a: {  	v4 =	vld [tilespmem:s28+$0x1000];
	v6 =	vmul.f32 v13, v13;
	v7 =	vadd.f32 v14, v7  }
0x3b: {  	_ = 	snop  }
0x3c: {  	v13 =	vld [tilespmem:s28+$0x2000];
	_ =	sdelay $0x1  }
0x3d: {  	v0 =	vmul.f32 v0, v0;
	v3 =	vmul.f32 v3, v3  }
0x3e: {  	v5 =	vadd.f32 v12, v5;
	v1 =	vmul.f32 v1, v1;
	v4 =	vmul.f32 v4, v4  }
0x3f: {  	v0 =	vadd.f32 v3, v0;
	v2 =	vmul.f32 v2, v2  }
0x40: {  	v62 =	vadd.f32 v6, v5;
	v63 =	vmul.f32 v13, v13;
	v1 =	vadd.f32 v4, v1  }
0x41: {  	[tilespmem:s26+$0x7000] =	vst v7;
	v0 =	vadd.f32 v2, v0  }
0x42: {  	[tilespmem:s26+$0x6000] =	vst v62;
	v1 =	vadd.f32 v63, v1  }
0x43: {  	[tilespmem:s28+$0x7000] =	vst v0  }
0x44: {  	s26 =	simm.s32 $0x0;
	[tilespmem:s28+$0x6000] =	vst v1  }
0x45: {  	[tilespmem:s26], [sflag:$0x1] =	stream.linear.gather [hbm4b:s9+s26], $0x1000, $0x38;
	[tilespmem:$0x8080] =	vst v63  }
0x46: {  	_ =	swait.ge [sflag:s17], $0x1000  }
0x47: {  	[sflag:s17] =	ssyncset.done $0x0  }
0x48: {  	[sflag:s17] =	ssyncadd.s32 $0xFFFFF000  }
0x49: {  	[tilespmem:s18], [sflag:$0x1] =	stream.linear.gather [hbm4b:s10+s26], $0x1000, $0x38;
	[tilespmem:$0x8080] =	vst v63  }
0x4a: {  	_ =	swait.ge [sflag:s17], $0x1000  }
0x4b: {  	[sflag:s17] =	ssyncset.done $0x0  }
0x4c: {  	[sflag:s17] =	ssyncadd.s32 $0xFFFFF000  }
0x4d: {  	[tilespmem:s19], [sflag:$0x1] =	stream.linear.gather [hbm4b:s11+s26], $0x1000, $0x38;
	[tilespmem:$0x8080] =	vst v63  }
0x4e: {  	_ =	swait.ge [sflag:s17], $0x1000  }
0x4f: {  	[sflag:s17] =	ssyncset.done $0x0  }
0x50: {  	[sflag:s17] =	ssyncadd.s32 $0xFFFFF000  }
0x51: {  	[tilespmem:s20], [sflag:$0x1] =	stream.linear.gather [hbm4b:s12+s26], $0x1000, $0x38;
	[tilespmem:$0x8080] =	vst v63  }
0x52: {  	_ =	swait.ge [sflag:s17], $0x1000  }
0x53: {  	[sflag:s17] =	ssyncset.done $0x0  }
0x54: {  	[sflag:s17] =	ssyncadd.s32 $0xFFFFF000  }
0x55: {  	[tilespmem:s21], [sflag:$0x1] =	stream.linear.gather [hbm4b:s13+s26], $0x1000, $0x38;
	[tilespmem:$0x8080] =	vst v63  }
0x56: {  	_ =	swait.ge [sflag:s17], $0x1000  }
0x57: {  	[sflag:s17] =	ssyncset.done $0x0  }
0x58: {  	[sflag:s17] =	ssyncadd.s32 $0xFFFFF000  }
0x59: {  	[tilespmem:s22], [sflag:$0x1] =	stream.linear.gather [hbm4b:s14+s26], $0x1000, $0x38;
	[tilespmem:$0x8080] =	vst v63  }
0x5a: {  	_ =	swait.ge [sflag:s17], $0x1000  }
0x5b: {  	[sflag:s17] =	ssyncset.done $0x0  }
0x5c: {  	v22 =	vimm.f32 $0.0e+00;
	[sflag:s17] =	ssyncadd.s32 $0xFFFFF000  }
.LBB2_4:
0x5d: {  	s28 =	sshll.u32 s26, $0x4  }
0x5e: {  	s28 =	sand.u32 $0xFF0, s28  }
0x5f: {  	s28 =	sor.u32 s23, s28  }
0x60: {  	v25 =	vld [tilespmem:s28+$0x0]  }
0x61: {  	v24 =	vld [tilespmem:s28+$0x1000]  }
0x62: {  	v23 =	vld [tilespmem:s28+$0x2000];
	_ =	sdelay $0x2  }
0x63: {  	v1 =	vimm.s32 $0x0  }
0x64: {  	v5 =	vimm.s32 $0x1;
	v6 =	vimm.s32 $0x3;
	v0 =	vperm.xlane v25, v1  }
0x65: {  	v12 =	vimm.s32 $0x5;
	v2 =	vperm.xlane v24, v1;
	v3 =	vperm.xlane v23, v1  }
0x66: {  	v16 =	vimm.s32 $0x6;
	v4 =	vperm.xlane v24, v5;
	v7 =	vperm.xlane v24, v6  }
0x67: {  	s29 =	simm.s32 $0x0;
	v34 =	vimm.s32 $0x7;
	v13 =	vperm.xlane v24, v12;
	v14 =	vperm.xlane v23, v12  }
0x68: {  	v17 =	vld [tilespmem:s29+$0x3000];
	v15 =	vperm.xlane v25, v34;
	v19 =	vperm.xlane v24, v34;
	v1 =	vadd.f32 v0, v0  }
0x69: {  	v18 =	vld [tilespmem:s29+$0x4000];
	v0 =	vperm.xlane v25, v5;
	v31 =	vadd.f32 v2, v2;
	v26 =	vadd.f32 v3, v3  }
0x6a: {  	v2 =	vperm.xlane v23, v5;
	v32 =	vadd.f32 v4, v4;
	v38 =	vadd.f32 v15, v15  }
0x6b: {  	v4 =	vimm.s32 $0x2;
	v37 =	vadd.f32 v19, v19;
	v3 =	vadd.f32 v0, v0  }
0x6c: {  	v0 =	vperm.xlane v25, v4;
	v27 =	vadd.f32 v2, v2;
	v2 =	vperm.xlane v24, v4  }
0x6d: {  	v20 =	vld [tilespmem:s29+$0x7000];
	v33 =	vadd.f32 v7, v7;
	v4 =	vperm.xlane v23, v4;
	v19 =	vmul.f32 v17, v38  }
0x6e: {  	v15 =	vimm.f32 $3.000000010e+38;
	v42 =	vmul.f32 v18, v37;
	v45 =	vmul.f32 v18, v31  }
0x6f: {  	v46 =	vmul.f32 v18, v32;
	v48 =	vmul.f32 v18, v33;
	v5 =	vadd.f32 v0, v0  }
0x70: {  	v0 =	vperm.xlane v25, v6;
	v21 =	vadd.f32 v2, v2;
	v28 =	vadd.f32 v4, v4  }
0x71: {  	v2 =	vperm.xlane v23, v6;
	v4 =	vimm.s32 $0x4;
	v39 =	vmul.f32 v17, v3  }
0x72: {  	v19 =	vsub.f32 v20, v19;
	v6 =	vadd.f32 v0, v0;
	v0 =	vperm.xlane v25, v4  }
0x73: {  	v29 =	vadd.f32 v2, v2;
	v2 =	vperm.xlane v24, v4;
	v4 =	vperm.xlane v23, v4  }
0x74: {  	v19 =	vsub.f32 v19, v42;
	v7 =	vadd.f32 v0, v0;
	v0 =	vperm.xlane v25, v12  }
0x75: {  	v40 =	vmul.f32 v17, v5;
	v39 =	vsub.f32 v20, v39;
	v30 =	vadd.f32 v4, v4  }
0x76: {  	v4 =	vadd.f32 v13, v13;
	v13 =	vperm.xlane v25, v16;
	v12 =	vadd.f32 v0, v0  }
0x77: {  	v0 =	vadd.f32 v14, v14;
	v14 =	vperm.xlane v24, v16;
	v16 =	vperm.xlane v23, v16  }
0x78: {  	v62 =	vmul.f32 v18, v21;
	v2 =	vadd.f32 v2, v2;
	v41 =	vmul.f32 v17, v6  }
0x79: {  	v35 =	vadd.f32 v14, v14;
	v14 =	vperm.xlane v23, v34;
	v34 =	vadd.f32 v16, v16;
	v16 =	vld [tilespmem:s29+$0x5000]  }
0x7a: {  	v40 =	vsub.f32 v20, v40;
	v46 =	vsub.f32 v39, v46;
	v44 =	vmul.f32 v17, v12  }
0x7b: {  	v13 =	vadd.f32 v13, v13;
	v36 =	vadd.f32 v14, v14;
	v14 =	vmul.f32 v17, v1  }
0x7c: {  	v39 =	vimm.f32 $3.000000010e+38;
	v49 =	vmul.f32 v18, v4;
	v44 =	vsub.f32 v20, v44  }
0x7d: {  	v43 =	vsub.f32 v20, v14;
	v14 =	vmul.f32 v17, v7;
	v17 =	vmul.f32 v17, v13  }
0x7e: {  	v41 =	vsub.f32 v20, v41;
	v44 =	vsub.f32 v44, v49;
	v61 =	vmul.f32 v16, v36  }
0x7f: {  	v47 =	vsub.f32 v20, v14;
	v17 =	vsub.f32 v20, v17;
	v20 =	vmul.f32 v18, v2  }
0x80: {  	v63 =	vmul.f32 v16, v26;
	v49 =	vmul.f32 v16, v28;
	v19 =	vsub.f32 v19, v61  }
0x81: {  	v50 =	vmul.f32 v16, v29;
	v18 =	vmul.f32 v18, v35;
	v42 =	vsub.f32 v47, v20  }
0x82: {  	v20 =	vimm.f32 $3.000000010e+38;
	v14 =	vmin.f32 v15, v19;
	v19 =	vsub.f32 v43, v45  }
0x83: {  	v43 =	vsub.f32 v40, v62;
	v45 =	vsub.f32 v41, v48;
	v48 =	vmul.f32 v16, v27  }
0x84: {  	v41 =	vsub.f32 v17, v18;
	v17 =	vimm.f32 $3.000000010e+38;
	v40 =	vimm.f32 $3.000000010e+38  }
0x85: {  	s30 =	simm.s32 $0x10;
	s29 =	simm.s32 $0x80;
	v18 =	vimm.f32 $3.000000010e+38;
	v47 =	vsub.f32 v19, v63;
	v19 =	vimm.f32 $3.000000010e+38  }
.LBB2_5:
0x86: {  	p0 =	sne.s32 s29, $0x3FC0;
	v51 =	vld [tilespmem:s30+$0x3000];
	v46 =	vsub.f32 v46, v48;
	v48 =	vmul.f32 v16, v30;
	v52 =	vmul.f32 v16, v0  }
0x87: {  	v16 =	vmul.f32 v16, v34;
	v53 =	vld [tilespmem:s30+$0x4000];
	v43 =	vsub.f32 v43, v49;
	v45 =	vsub.f32 v45, v50  }
0x88: {  	v15 =	vmin.f32 v15, v47;
	v49 =	vld [tilespmem:s30+$0x7000];
	v42 =	vsub.f32 v42, v48;
	v44 =	vsub.f32 v44, v52  }
0x89: {  	v19 =	vmin.f32 v19, v46;
	v41 =	vsub.f32 v41, v16;
	v20 =	vmin.f32 v20, v43  }
0x8a: {  	v17 =	vmin.f32 v17, v45;
	v16 =	vld [tilespmem:s30+$0x5000];
	v39 =	vmin.f32 v39, v42;
	v40 =	vmin.f32 v40, v44  }
0x8b: {  	v18 =	vmin.f32 v18, v41;
	v42 =	vmul.f32 v51, v1;
	v43 =	vmul.f32 v51, v38  }
0x8c: {  	v41 =	vmul.f32 v51, v3;
	v44 =	vmul.f32 v51, v5  }
0x8d: {  	v45 =	vmul.f32 v51, v6;
	v46 =	vmul.f32 v53, v37;
	v43 =	vsub.f32 v49, v43  }
0x8e: {  	v47 =	vmul.f32 v51, v7;
	v48 =	vmul.f32 v51, v12;
	v42 =	vsub.f32 v49, v42  }
0x8f: {  	v50 =	vmul.f32 v51, v13;
	v43 =	vsub.f32 v43, v46;
	v46 =	vmul.f32 v16, v36  }
0x90: {  	v51 =	vmul.f32 v53, v31;
	v41 =	vsub.f32 v49, v41;
	v44 =	vsub.f32 v49, v44  }
0x91: {  	v52 =	vmul.f32 v53, v32;
	v45 =	vsub.f32 v49, v45;
	v43 =	vsub.f32 v43, v46  }
0x92: {  	v54 =	vmul.f32 v53, v21;
	v47 =	vsub.f32 v49, v47;
	v55 =	vsub.f32 v49, v48  }
0x93: {  	v48 =	vmul.f32 v53, v33;
	v49 =	vsub.f32 v49, v50;
	v14 =	vmin.f32 v14, v43  }
.Ltmp1:
0x94: {  	v50 =	vsub.f32 v42, v51;
	v42 =	vmul.f32 v53, v2;
	v51 =	vmul.f32 v53, v4;
	(pc) =	sbr.rel @p0 .LBB2_5-.Ltmp1, $4  }
0x95: {  	v46 =	vsub.f32 v41, v52;
	v41 =	vmul.f32 v53, v35;
	v43 =	vsub.f32 v44, v54  }
0x96: {  	v45 =	vsub.f32 v45, v48;
	v52 =	vmul.f32 v16, v26;
	v42 =	vsub.f32 v47, v42  }
0x97: {  	v48 =	vmul.f32 v16, v27;
	v44 =	vsub.f32 v55, v51;
	v41 =	vsub.f32 v49, v41  }
0x98: {  	s30 =	sshra.s32 s29, $0x2;
	s29 =	sadd.s32 $0x40, s29;
	v47 =	vsub.f32 v50, v52;
	v49 =	vmul.f32 v16, v28;
	v50 =	vmul.f32 v16, v29  }
0x99: {  	v51 =	vld [tilespmem:s30+$0x3000];
	_ =	sdelay $0x1  }
0x9a: {  	v46 =	vsub.f32 v46, v48;
	v58 =	vmul.f32 v16, v30  }
0x9b: {  	v52 =	vmul.f32 v16, v0;
	v53 =	vld [tilespmem:s30+$0x4000];
	v16 =	vmul.f32 v16, v34;
	v43 =	vsub.f32 v43, v49  }
0x9c: {  	v59 =	vld [tilespmem:s30+$0x7000];
	v45 =	vsub.f32 v45, v50;
	v15 =	vmin.f32 v15, v47;
	v42 =	vsub.f32 v42, v58  }
0x9d: {  	v60 =	vld [tilespmem:s30+$0x5000];
	v44 =	vsub.f32 v44, v52;
	v19 =	vmin.f32 v19, v46;
	v1 =	vmul.f32 v51, v1  }
0x9e: {  	v16 =	vsub.f32 v41, v16;
	v38 =	vmul.f32 v51, v38;
	v3 =	vmul.f32 v51, v3  }
0x9f: {  	v20 =	vmin.f32 v20, v43;
	v5 =	vmul.f32 v51, v5;
	v6 =	vmul.f32 v51, v6  }
0xa0: {  	v16 =	vmin.f32 v18, v16;
	v37 =	vmul.f32 v53, v37;
	v7 =	vmul.f32 v51, v7  }
0xa1: {  	v12 =	vmul.f32 v51, v12;
	v13 =	vmul.f32 v51, v13;
	v18 =	vsub.f32 v59, v38  }
0xa2: {  	v17 =	vmin.f32 v17, v45;
	v36 =	vmul.f32 v60, v36;
	v31 =	vmul.f32 v53, v31  }
0xa3: {  	v32 =	vmul.f32 v53, v32;
	v21 =	vmul.f32 v53, v21;
	v18 =	vsub.f32 v18, v37  }
0xa4: {  	v33 =	vmul.f32 v53, v33;
	v1 =	vsub.f32 v59, v1;
	v3 =	vsub.f32 v59, v3  }
0xa5: {  	v2 =	vmul.f32 v53, v2;
	v5 =	vsub.f32 v59, v5;
	v18 =	vsub.f32 v18, v36  }
0xa6: {  	v4 =	vmul.f32 v53, v4;
	v7 =	vsub.f32 v59, v7;
	v12 =	vsub.f32 v59, v12  }
0xa7: {  	v1 =	vsub.f32 v1, v31;
	v14 =	vmin.f32 v14, v18;
	v18 =	vmul.f32 v60, v26  }
0xa8: {  	v3 =	vsub.f32 v3, v32;
	v2 =	vsub.f32 v7, v2;
	v7 =	vmul.f32 v60, v27  }
0xa9: {  	v0 =	vmul.f32 v60, v0;
	v5 =	vsub.f32 v5, v21;
	v1 =	vsub.f32 v1, v18  }
0xaa: {  	v4 =	vsub.f32 v12, v4;
	v12 =	vmul.f32 v60, v28;
	v3 =	vsub.f32 v3, v7  }
0xab: {  	v13 =	vsub.f32 v59, v13;
	v21 =	vmul.f32 v53, v35;
	v1 =	vmin.f32 v15, v1  }
0xac: {  	v5 =	vsub.f32 v5, v12;
	v3 =	vmin.f32 v19, v3;
	v12 =	vperm.xlane v1, v8  }
0xad: {  	v6 =	vsub.f32 v59, v6;
	v7 =	vsub.f32 v13, v21;
	v15 =	vperm.xlane v3, v8  }
0xae: {  	v13 =	vmul.f32 v60, v30;
	v0 =	vsub.f32 v4, v0;
	v1 =	vmin.f32 v1, v12  }
0xaf: {  	v5 =	vmin.f32 v20, v5;
	v3 =	vmin.f32 v3, v15;
	v4 =	vperm.xlane v1, v9  }
0xb0: {  	v2 =	vsub.f32 v2, v13;
	v12 =	vperm.xlane v5, v8;
	v13 =	vperm.xlane v3, v9  }
0xb1: {  	v6 =	vsub.f32 v6, v33;
	v18 =	vmul.f32 v60, v29;
	v1 =	vmin.f32 v1, v4  }
0xb2: {  	v5 =	vmin.f32 v5, v12;
	v3 =	vmin.f32 v3, v13;
	v12 =	vperm.xlane v1, v10  }
0xb3: {  	v39 =	vmin.f32 v39, v42;
	v4 =	vperm.xlane v5, v9;
	v13 =	vperm.xlane v3, v10  }
0xb4: {  	v40 =	vmin.f32 v40, v44;
	v6 =	vsub.f32 v6, v18;
	v32 =	vmin.f32 v1, v12  }
0xb5: {  	v4 =	vmin.f32 v5, v4;
	v27 =	vmin.f32 v3, v13;
	v3 =	vperm.xlane v32, v11  }
0xb6: {  	v18 =	vmul.f32 v60, v34;
	v6 =	vmin.f32 v17, v6;
	v1 =	vperm.xlane v4, v10  }
0xb7: {  	v28 =	vimm.s32 $0xF;
	v5 =	vperm.xlane v6, v8;
	[tilespmem:$0x1FFA0] =	vst v3;
	v3 =	vperm.xlane v27, v11  }
0xb8: {  	v0 =	vmin.f32 v40, v0;
	v2 =	vmin.f32 v39, v2;
	v26 =	vmin.f32 v4, v1  }
0xb9: {  	v7 =	vsub.f32 v7, v18;
	[tilespmem:$0x1FFB0] =	vst v3;
	v3 =	vmin.f32 v6, v5;
	v6 =	vperm.xlane v26, v11  }
0xba: {  	v15 =	vimm.s32 $0xE;
	v4 =	vperm.xlane v2, v8;
	v1 =	vperm.xlane v3, v9  }
0xbb: {  	v17 =	vperm.xlane v24, v28;
	v5 =	vmin.f32 v16, v7;
	[tilespmem:$0x1FFC0] =	vst v6;
	v6 =	vperm.xlane v0, v8  }
0xbc: {  	v2 =	vmin.f32 v2, v4;
	v1 =	vmin.f32 v3, v1;
	v3 =	vperm.xlane v5, v8  }
0xbd: {  	v7 =	vperm.xlane v2, v9;
	v4 =	vperm.xlane v1, v10;
	v0 =	vmin.f32 v0, v6  }
0xbe: {  	v16 =	vperm.xlane v23, v15;
	v6 =	vperm.xlane v0, v9;
	v3 =	vmin.f32 v5, v3  }
0xbf: {  	v5 =	vperm.xlane v14, v8;
	v36 =	vmin.f32 v1, v4;
	v1 =	vmin.f32 v2, v7  }
0xc0: {  	v2 =	vperm.xlane v3, v9;
	v4 =	vperm.xlane v1, v10;
	v0 =	vmin.f32 v0, v6  }
0xc1: {  	v5 =	vmin.f32 v14, v5;
	v40 =	vperm.xlane v36, v11;
	v14 =	vimm.s32 $0xD  }
0xc2: {  	s29 =	simm.s32 $0x0;
	v6 =	vperm.xlane v0, v10;
	v2 =	vmin.f32 v3, v2;
	v3 =	vperm.xlane v5, v9  }
0xc3: {  	v18 =	vld [tilespmem:s29+$0x3000];
	v12 =	vperm.xlane v25, v14;
	v13 =	vperm.xlane v24, v14  }
0xc4: {  	v38 =	vmin.f32 v1, v4;
	v1 =	vperm.xlane v2, v10;
	v4 =	vimm.s32 $0x9  }
0xc5: {  	v39 =	vperm.xlane v38, v11;
	v33 =	vmin.f32 v0, v6;
	v0 =	vmin.f32 v5, v3  }
0xc6: {  	v20 =	vld [tilespmem:s29+$0x7000];
	v12 =	vadd.f32 v12, v12;
	v3 =	vperm.xlane v33, v11;
	v31 =	vmin.f32 v2, v1  }
0xc7: {  	v5 =	vimm.s32 $0xB;
	v1 =	vperm.xlane v0, v10;
	v2 =	vperm.xlane v31, v11  }
0xc8: {  	v6 =	vperm.xlane v24, v5;
	v57 =	vmul.f32 v18, v12;
	[tilespmem:$0x1FFD0] =	vst v3;
	v3 =	vimm.s32 $0x8  }
0xc9: {  	v30 =	vmin.f32 v0, v1;
	[tilespmem:$0x1FFE0] =	vst v2;
	v2 =	vperm.xlane v25, v3;
	v0 =	vperm.xlane v24, v3  }
0xca: {  	v19 =	vld [tilespmem:s29+$0x4000];
	v1 =	vperm.xlane v23, v3;
	v3 =	vperm.xlane v24, v4  }
0xcb: {  	v42 =	vperm.xlane v30, v11;
	v57 =	vsub.f32 v20, v57;
	v51 =	vadd.f32 v2, v2  }
0xcc: {  	v2 =	vperm.xlane v25, v4;
	v48 =	vadd.f32 v0, v0;
	v0 =	vperm.xlane v23, v4  }
0xcd: {  	v43 =	vadd.f32 v1, v1;
	v50 =	vadd.f32 v3, v3;
	v3 =	vimm.s32 $0xA  }
0xce: {  	v1 =	vperm.xlane v25, v3;
	v44 =	vadd.f32 v0, v0;
	v0 =	vperm.xlane v24, v3  }
0xcf: {  	v2 =	vadd.f32 v2, v2;
	v3 =	vperm.xlane v23, v3;
	v58 =	vmul.f32 v19, v48  }
0xd0: {  	v59 =	vmul.f32 v19, v50;
	v4 =	vadd.f32 v1, v1;
	v1 =	vperm.xlane v25, v5  }
0xd1: {  	v21 =	vadd.f32 v0, v0;
	v45 =	vadd.f32 v3, v3;
	v3 =	vperm.xlane v23, v5  }
0xd2: {  	v0 =	vadd.f32 v6, v6;
	v6 =	vimm.s32 $0xC;
	v62 =	vmul.f32 v18, v2  }
0xd3: {  	v5 =	vadd.f32 v1, v1;
	v1 =	vperm.xlane v25, v6;
	v63 =	vmul.f32 v18, v4  }
0xd4: {  	v46 =	vadd.f32 v3, v3;
	v3 =	vperm.xlane v24, v6;
	v6 =	vperm.xlane v23, v6  }
0xd5: {  	v52 =	vsub.f32 v20, v62;
	v35 =	vmul.f32 v19, v21;
	v7 =	vadd.f32 v1, v1  }
0xd6: {  	v54 =	vmul.f32 v18, v5;
	v1 =	vadd.f32 v3, v3;
	v47 =	vadd.f32 v6, v6  }
0xd7: {  	v6 =	vperm.xlane v23, v14;
	v3 =	vadd.f32 v13, v13;
	v13 =	vperm.xlane v25, v15  }
0xd8: {  	v53 =	vsub.f32 v20, v63;
	v14 =	vperm.xlane v25, v28;
	v23 =	vperm.xlane v23, v28  }
0xd9: {  	v25 =	vadd.f32 v16, v16;
	v16 =	vimm.f32 $3.000000010e+38;
	v59 =	vsub.f32 v52, v59  }
0xda: {  	v56 =	vmul.f32 v18, v7;
	v54 =	vsub.f32 v20, v54;
	v49 =	vadd.f32 v6, v6  }
0xdb: {  	v6 =	vperm.xlane v24, v15;
	v13 =	vadd.f32 v13, v13;
	v15 =	vadd.f32 v14, v14  }
0xdc: {  	v52 =	vimm.f32 $3.000000010e+38;
	v14 =	vadd.f32 v17, v17;
	v23 =	vadd.f32 v23, v23  }
0xdd: {  	v17 =	vld [tilespmem:s29+$0x5000];
	v24 =	vmul.f32 v18, v51;
	v62 =	vmul.f32 v19, v3;
	v60 =	vsub.f32 v20, v56  }
0xde: {  	v56 =	vsub.f32 v53, v35;
	v53 =	vimm.f32 $3.000000010e+38;
	v61 =	vmul.f32 v18, v15  }
0xdf: {  	v6 =	vadd.f32 v6, v6;
	v24 =	vsub.f32 v20, v24;
	v18 =	vmul.f32 v18, v13  }
0xe0: {  	v55 =	vmul.f32 v19, v14;
	v41 =	vsub.f32 v20, v61;
	v61 =	vmul.f32 v19, v0  }
0xe1: {  	v18 =	vsub.f32 v20, v18;
	v20 =	vsub.f32 v24, v58;
	v24 =	vmul.f32 v19, v1  }
0xe2: {  	v57 =	vsub.f32 v57, v62;
	v19 =	vmul.f32 v19, v6;
	v34 =	vmul.f32 v17, v23  }
0xe3: {  	v37 =	vmul.f32 v17, v43;
	v62 =	vmul.f32 v17, v45;
	v41 =	vsub.f32 v41, v55  }
0xe4: {  	v63 =	vmul.f32 v17, v46;
	v58 =	vsub.f32 v54, v61;
	v55 =	vsub.f32 v60, v24  }
0xe5: {  	v61 =	vmul.f32 v17, v44;
	v54 =	vsub.f32 v18, v19;
	v41 =	vsub.f32 v41, v34  }
0xe6: {  	v24 =	vimm.f32 $3.000000010e+38;
	v19 =	vimm.f32 $3.000000010e+38;
	v18 =	vimm.f32 $3.000000010e+38  }
0xe7: {  	s30 =	simm.s32 $0x10;
	s29 =	simm.s32 $0x80;
	v60 =	vsub.f32 v20, v37;
	v20 =	vimm.f32 $3.000000010e+38;
	v41 =	vmin.f32 v16, v41  }
.LBB2_7:
0xe8: {  	p0 =	sne.s32 s29, $0x3FC0;
	v28 =	vld [tilespmem:s30+$0x3000];
	v59 =	vsub.f32 v59, v61;
	v61 =	vmul.f32 v17, v47;
	v29 =	vmul.f32 v17, v49  }
0xe9: {  	v17 =	vmul.f32 v17, v25;
	v34 =	vld [tilespmem:s30+$0x4000];
	v56 =	vsub.f32 v56, v62;
	v58 =	vsub.f32 v58, v63  }
0xea: {  	v16 =	vmin.f32 v16, v60;
	v62 =	vld [tilespmem:s30+$0x7000];
	v55 =	vsub.f32 v55, v61;
	v29 =	vsub.f32 v57, v29  }
0xeb: {  	v52 =	vmin.f32 v52, v59;
	v54 =	vsub.f32 v54, v17;
	v24 =	vmin.f32 v24, v56  }
0xec: {  	v19 =	vmin.f32 v19, v58;
	v17 =	vld [tilespmem:s30+$0x5000];
	v53 =	vmin.f32 v53, v55;
	v20 =	vmin.f32 v20, v29  }
0xed: {  	v18 =	vmin.f32 v18, v54;
	v29 =	vmul.f32 v28, v51;
	v55 =	vmul.f32 v28, v15  }
0xee: {  	v54 =	vmul.f32 v28, v2;
	v56 =	vmul.f32 v28, v4  }
0xef: {  	v57 =	vmul.f32 v28, v5;
	v58 =	vmul.f32 v34, v14;
	v55 =	vsub.f32 v62, v55  }
0xf0: {  	v59 =	vmul.f32 v28, v7;
	v60 =	vmul.f32 v28, v12;
	v29 =	vsub.f32 v62, v29  }
0xf1: {  	v28 =	vmul.f32 v28, v13;
	v55 =	vsub.f32 v55, v58;
	v58 =	vmul.f32 v17, v23  }
0xf2: {  	v61 =	vmul.f32 v34, v48;
	v54 =	vsub.f32 v62, v54;
	v56 =	vsub.f32 v62, v56  }
0xf3: {  	v63 =	vmul.f32 v34, v50;
	v57 =	vsub.f32 v62, v57;
	v55 =	vsub.f32 v55, v58  }
0xf4: {  	v35 =	vsub.f32 v62, v59;
	v60 =	vsub.f32 v62, v60;
	v58 =	vmul.f32 v34, v21  }
0xf5: {  	v37 =	vmul.f32 v34, v0;
	v28 =	vsub.f32 v62, v28;
	v41 =	vmin.f32 v41, v55  }
.Ltmp2:
0xf6: {  	v62 =	vmul.f32 v34, v3;
	v29 =	vsub.f32 v29, v61;
	v55 =	vmul.f32 v34, v1;
	(pc) =	sbr.rel @p0 .LBB2_7-.Ltmp2, $4  }
0xf7: {  	v59 =	vsub.f32 v54, v63;
	v56 =	vsub.f32 v56, v58;
	v34 =	vmul.f32 v34, v6  }
0xf8: {  	v63 =	vmul.f32 v17, v43;
	v58 =	vsub.f32 v57, v37;
	v55 =	vsub.f32 v35, v55  }
0xf9: {  	v61 =	vmul.f32 v17, v44;
	v57 =	vsub.f32 v60, v62;
	v54 =	vsub.f32 v28, v34  }
0xfa: {  	s30 =	sshra.s32 s29, $0x2;
	s29 =	sadd.s32 $0x40, s29;
	v60 =	vsub.f32 v29, v63;
	v62 =	vmul.f32 v17, v45;
	v63 =	vmul.f32 v17, v46  }
0xfb: {  	v28 =	vld [tilespmem:s30+$0x3000]  }
0xfc: {  	v29 =	vld [tilespmem:s30+$0x4000]  }
0xfd: {  	v34 =	vsub.f32 v59, v61;
	v35 =	vmul.f32 v17, v47;
	v56 =	vsub.f32 v56, v62  }
0xfe: {  	v61 =	vld [tilespmem:s30+$0x5000];
	v58 =	vsub.f32 v58, v63;
	v63 =	vmul.f32 v17, v49;
	v16 =	vmin.f32 v16, v60  }
0xff: {  	v60 =	vmul.f32 v17, v25;
	v35 =	vsub.f32 v55, v35;
	v34 =	vmin.f32 v52, v34  }
0x100: {  	v57 =	vsub.f32 v57, v63;
	v24 =	vmin.f32 v24, v56;
	v15 =	vmul.f32 v28, v15  }
0x101: {  	v17 =	vsub.f32 v54, v60;
	v14 =	vmul.f32 v29, v14;
	v51 =	vmul.f32 v28, v51  }
0x102: {  	v37 =	vld [tilespmem:s30+$0x7000];
	v19 =	vmin.f32 v19, v58;
	v2 =	vmul.f32 v28, v2;
	v4 =	vmul.f32 v28, v4  }
0x103: {  	v58 =	vmin.f32 v36, v40;
	v62 =	vmul.f32 v61, v23;
	v5 =	vmul.f32 v28, v5  }
0x104: {  	v35 =	vmin.f32 v53, v35;
	v7 =	vmul.f32 v28, v7;
	v12 =	vmul.f32 v28, v12  }
0x105: {  	v20 =	vmin.f32 v20, v57;
	v13 =	vmul.f32 v28, v13;
	v28 =	vmul.f32 v29, v48  }
0x106: {  	v17 =	vmin.f32 v18, v17;
	v23 =	vmul.f32 v29, v50;
	v21 =	vmul.f32 v29, v21  }
0x107: {  	v0 =	vmul.f32 v29, v0;
	v1 =	vmul.f32 v29, v1;
	v15 =	vsub.f32 v37, v15  }
0x108: {  	v3 =	vmul.f32 v29, v3;
	v63 =	vsub.f32 v37, v51;
	v2 =	vsub.f32 v37, v2  }
0x109: {  	v6 =	vmul.f32 v29, v6;
	v4 =	vsub.f32 v37, v4;
	v5 =	vsub.f32 v37, v5  }
0x10a: {  	v48 =	vmul.f32 v61, v43;
	v7 =	vsub.f32 v37, v7;
	v12 =	vsub.f32 v37, v12  }
0x10b: {  	v50 =	vmul.f32 v61, v45;
	v13 =	vsub.f32 v37, v13;
	v14 =	vsub.f32 v15, v14  }
0x10c: {  	v53 =	vmul.f32 v61, v49;
	v15 =	vsub.f32 v63, v28;
	v2 =	vsub.f32 v2, v23  }
0x10d: {  	v55 =	vmul.f32 v61, v25;
	v4 =	vsub.f32 v4, v21;
	v0 =	vsub.f32 v5, v0  }
0x10e: {  	v54 =	vld [tilespmem:$0x1FFB0];
	v1 =	vsub.f32 v7, v1;
	v7 =	vmul.f32 v61, v44;
	v21 =	vimm.f32 $0.0e+00  }
0x10f: {  	v3 =	vsub.f32 v12, v3;
	v6 =	vsub.f32 v13, v6;
	v52 =	vsel vm0, $0x3F800000, v21  }
0x110: {  	v51 =	vld [tilespmem:$0x1FFA0];
	v23 =	vsel vm1, $0x3F800000, v21;
	v59 =	vsel vm3, $0x3F800000, v21;
	v63 =	vsel vm4, $0x3F800000, v21  }
0x111: {  	v29 =	vsel vm6, $0x3F800000, v21;
	v14 =	vsub.f32 v14, v62;
	v5 =	vsub.f32 v15, v48  }
0x112: {  	v56 =	vld [tilespmem:$0x1FFC0];
	v2 =	vsub.f32 v2, v7;
	v7 =	vmul.f32 v61, v46;
	v4 =	vsub.f32 v4, v50  }
0x113: {  	v15 =	vmin.f32 v27, v54;
	v3 =	vsub.f32 v3, v53;
	v60 =	vmul.f32 v59, v58  }
0x114: {  	v62 =	vmin.f32 v38, v39;
	v39 =	vsel vm8, $0x3F800000, v21;
	v6 =	vsub.f32 v6, v55  }
0x115: {  	[tilespmem:$0x1FED0] =	vst v23;
	v12 =	vmin.f32 v32, v51;
	v15 =	vmul.f32 v23, v15;
	v23 =	vsel vm2, $0x3F800000, v21  }
0x116: {  	v0 =	vsub.f32 v0, v7;
	v7 =	vmul.f32 v61, v47;
	v12 =	vmul.f32 v52, v12  }
0x117: {  	v5 =	vmin.f32 v16, v5;
	v16 =	vmin.f32 v26, v56;
	v2 =	vmin.f32 v34, v2  }
0x118: {  	v4 =	vmin.f32 v24, v4;
	v26 =	vsel vm5, $0x3F800000, v21;
	v3 =	vmin.f32 v20, v3  }
0x119: {  	v25 =	vld [tilespmem:$0x1FFD0];
	v48 =	vmin.f32 v41, v14;
	v57 =	vmul.f32 v23, v16;
	v61 =	vperm.xlane v5, v8  }
0x11a: {  	v28 =	vld [tilespmem:$0x1FFE0];
	v16 =	vmul.f32 v63, v62;
	v27 =	vperm.xlane v2, v8;
	v12 =	vadd.f32 $0.0e+00, v12  }
0x11b: {  	[tilespmem:$0x1FEE0] =	vst v23;
	v23 =	vsel vm7, $0x3F800000, v21;
	v36 =	vperm.xlane v4, v8;
	v50 =	vperm.xlane v3, v8  }
0x11c: {  	v1 =	vsub.f32 v1, v7;
	v0 =	vmin.f32 v19, v0;
	v7 =	vadd.f32 v15, v12  }
0x11d: {  	v5 =	vmin.f32 v5, v61;
	v2 =	vmin.f32 v2, v27;
	v4 =	vmin.f32 v4, v36  }
0x11e: {  	v3 =	vmin.f32 v3, v50;
	v13 =	vperm.xlane v5, v9;
	v7 =	vadd.f32 v57, v7  }
0x11f: {  	v12 =	vmin.f32 v33, v25;
	v15 =	vmin.f32 v31, v28;
	v33 =	vmin.f32 v30, v42  }
0x120: {  	v34 =	vperm.xlane v2, v9;
	v40 =	vperm.xlane v4, v9;
	v7 =	vadd.f32 v60, v7  }
0x121: {  	v42 =	vperm.xlane v0, v8;
	v1 =	vmin.f32 v35, v1;
	v5 =	vmin.f32 v5, v13  }
0x122: {  	v12 =	vmul.f32 v26, v12;
	v31 =	vperm.xlane v5, v10;
	v7 =	vadd.f32 v16, v7  }
0x123: {  	v32 =	vmul.f32 v29, v15;
	v2 =	vmin.f32 v2, v34;
	v0 =	vmin.f32 v0, v42  }
0x124: {  	v38 =	vperm.xlane v2, v10;
	v5 =	vmin.f32 v5, v31;
	v7 =	vadd.f32 v12, v7  }
0x125: {  	v4 =	vmin.f32 v4, v40;
	v45 =	vperm.xlane v0, v9;
	v16 =	vperm.xlane v5, v11  }
0x126: {  	v37 =	vmul.f32 v23, v33;
	v44 =	vperm.xlane v4, v10;
	v7 =	vadd.f32 v32, v7  }
0x127: {  	v2 =	vmin.f32 v2, v38;
	v0 =	vmin.f32 v0, v45;
	v5 =	vmin.f32 v5, v16  }
0x128: {  	v43 =	vperm.xlane v2, v11;
	v5 =	vmul.f32 v39, v5;
	v7 =	vadd.f32 v37, v7  }
0x129: {  	v47 =	vperm.xlane v1, v8;
	v4 =	vmin.f32 v4, v44;
	v46 =	vperm.xlane v0, v10  }
0x12a: {  	v2 =	vmin.f32 v2, v43;
	v5 =	vadd.f32 v5, v7;
	v7 =	vsel vm9, $0x3F800000, v21  }
0x12b: {  	v1 =	vmin.f32 v1, v47;
	[tilespmem:$0x1FF50] =	vst v7;
	v2 =	vmul.f32 v7, v2;
	v7 =	vperm.xlane v4, v11  }
0x12c: {  	v6 =	vmin.f32 v17, v6;
	v53 =	vperm.xlane v3, v9;
	v49 =	vperm.xlane v1, v9  }
0x12d: {  	[tilespmem:$0x1FEC0] =	vst v52;
	v0 =	vmin.f32 v0, v46;
	v4 =	vmin.f32 v4, v7;
	v7 =	vsel vm10, $0x3F800000, v21  }
0x12e: {  	v52 =	vsel vm11, $0x3F800000, v21;
	[tilespmem:$0x1FF60] =	vst v7;
	v4 =	vmul.f32 v7, v4;
	v7 =	vperm.xlane v0, v11  }
0x12f: {  	v51 =	vperm.xlane v6, v8;
	v1 =	vmin.f32 v1, v49;
	v2 =	vadd.f32 v2, v5  }
0x130: {  	v3 =	vmin.f32 v3, v53;
	v0 =	vmin.f32 v0, v7;
	v7 =	vperm.xlane v1, v10  }
0x131: {  	v2 =	vadd.f32 v4, v2;
	v4 =	vmin.f32 v6, v51;
	v6 =	vperm.xlane v48, v8  }
0x132: {  	v57 =	vsel vm12, $0x3F800000, v21;
	v1 =	vmin.f32 v1, v7;
	v7 =	vperm.xlane v4, v9  }
0x133: {  	v0 =	vmul.f32 v52, v0;
	v5 =	vmin.f32 v48, v6;
	v6 =	vperm.xlane v3, v10  }
0x134: {  	v54 =	vperm.xlane v1, v11;
	v56 =	vperm.xlane v5, v9;
	v55 =	vmin.f32 v4, v7  }
0x135: {  	v0 =	vadd.f32 v0, v2;
	v3 =	vmin.f32 v3, v6;
	v6 =	vperm.xlane v55, v10  }
0x136: {  	v1 =	vmin.f32 v1, v54;
	v7 =	vperm.xlane v3, v11;
	v4 =	vmin.f32 v5, v56  }
0x137: {  	v1 =	vmul.f32 v57, v1;
	v5 =	vperm.xlane v4, v10;
	v2 =	vmin.f32 v55, v6  }
0x138: {  	[tilespmem:$0x1FF00] =	vst v63;
	v63 =	vld [tilespmem:$0x1FFF0];
	v3 =	vmin.f32 v3, v7;
	v7 =	vsel vm13, $0x3F800000, v21;
	v6 =	vperm.xlane v2, v11  }
0x139: {  	[tilespmem:$0x1FEF0] =	vst v59;
	v0 =	vadd.f32 v1, v0;
	v58 =	vmul.f32 v7, v3;
	v59 =	vmin.f32 v4, v5  }
0x13a: {  	v37 =	vsel vm14, $0x3F800000, v21;
	v4 =	vperm.xlane v59, v11;
	v2 =	vmin.f32 v2, v6  }
0x13b: {  	v0 =	vadd.f32 v58, v0;
	v60 =	vmul.f32 v37, v2  }
0x13c: {  	v62 =	vld [tilespmem:s28+$0x6000];
	v61 =	vmin.f32 v59, v4  }
0x13d: {  	v1 =	vmul.f32 v63, v61;
	v0 =	vadd.f32 v60, v0  }
0x13e: {  	s26 =	sadd.s32 $0x1, s26;
	[tilespmem:$0x1FF20] =	vst v29  }
0x13f: {  	p0 =	sne.s32 s26, $0x20;
	[tilespmem:$0x1FF40] =	vst v39;
	v0 =	vadd.f32 v1, v0  }
.Ltmp3:
0x140: {  	[tilespmem:$0x1FF10] =	vst v26;
	(pc) =	sbr.rel @p0 .LBB2_4-.Ltmp3, $4  }
0x141: {  	[tilespmem:$0x1FF70] =	vst v52;
	v0 =	vadd.f32 v0, v62  }
0x142: {  	[tilespmem:$0x1FF30] =	vst v23  }
0x143: {  	[tilespmem:$0x1FF80] =	vst v57;
	v0 =	vmax.f32 v0, $0.0e+00  }
0x144: {  	s28 =	simm.s32 $0x0;
	[tilespmem:$0x1FF90] =	vst v7;
	v22 =	vadd.f32 v0, v22  }
.LBB2_9:
0x145: {  	s26 =	sshll.u32 s28, $0x4  }
0x146: {  	s26 =	sand.u32 $0xFF0, s26  }
0x147: {  	s26 =	sor.u32 s23, s26  }
0x148: {  	v40 =	vld [tilespmem:s26+$0x3000]  }
0x149: {  	v39 =	vld [tilespmem:s26+$0x4000]  }
0x14a: {  	v38 =	vld [tilespmem:s26+$0x5000];
	_ =	sdelay $0x2  }
0x14b: {  	v1 =	vimm.s32 $0x0  }
0x14c: {  	v5 =	vimm.s32 $0x1;
	v6 =	vimm.s32 $0x3;
	v0 =	vperm.xlane v40, v1  }
0x14d: {  	v12 =	vimm.s32 $0x5;
	v2 =	vperm.xlane v39, v1;
	v3 =	vperm.xlane v38, v1  }
0x14e: {  	v16 =	vimm.s32 $0x6;
	v4 =	vperm.xlane v39, v5;
	v7 =	vperm.xlane v39, v6  }
0x14f: {  	s29 =	simm.s32 $0x0;
	v23 =	vimm.s32 $0x7;
	v13 =	vperm.xlane v39, v12;
	v14 =	vperm.xlane v38, v12  }
0x150: {  	v17 =	vld [tilespmem:s29+$0x0];
	v15 =	vperm.xlane v40, v23;
	v19 =	vperm.xlane v39, v23;
	v1 =	vadd.f32 v0, v0  }
0x151: {  	v18 =	vld [tilespmem:s29+$0x1000];
	v0 =	vperm.xlane v40, v5;
	v46 =	vadd.f32 v2, v2;
	v41 =	vadd.f32 v3, v3  }
0x152: {  	v2 =	vperm.xlane v38, v5;
	v47 =	vadd.f32 v4, v4;
	v53 =	vadd.f32 v15, v15  }
0x153: {  	v4 =	vimm.s32 $0x2;
	v52 =	vadd.f32 v19, v19;
	v3 =	vadd.f32 v0, v0  }
0x154: {  	v0 =	vperm.xlane v40, v4;
	v42 =	vadd.f32 v2, v2;
	v2 =	vperm.xlane v39, v4  }
0x155: {  	v48 =	vadd.f32 v7, v7;
	v4 =	vperm.xlane v38, v4;
	v19 =	vmul.f32 v17, v53  }
0x156: {  	v15 =	vimm.f32 $3.000000010e+38;
	v26 =	vmul.f32 v18, v52;
	v29 =	vmul.f32 v18, v46  }
0x157: {  	v20 =	vld [tilespmem:s29+$0x6000];
	v5 =	vadd.f32 v0, v0;
	v0 =	vperm.xlane v40, v6;
	v21 =	vadd.f32 v2, v2  }
0x158: {  	v43 =	vadd.f32 v4, v4;
	v2 =	vperm.xlane v38, v6;
	v4 =	vimm.s32 $0x4  }
0x159: {  	v30 =	vmul.f32 v18, v47;
	v6 =	vadd.f32 v0, v0;
	v0 =	vperm.xlane v40, v4  }
0x15a: {  	v44 =	vadd.f32 v2, v2;
	v2 =	vperm.xlane v39, v4;
	v4 =	vperm.xlane v38, v4  }
0x15b: {  	v32 =	vmul.f32 v18, v48;
	v7 =	vadd.f32 v0, v0;
	v0 =	vperm.xlane v40, v12  }
0x15c: {  	v19 =	vsub.f32 v20, v19;
	v24 =	vmul.f32 v17, v5;
	v45 =	vadd.f32 v4, v4  }
0x15d: {  	v4 =	vadd.f32 v13, v13;
	v13 =	vperm.xlane v40, v16;
	v12 =	vadd.f32 v0, v0  }
0x15e: {  	v0 =	vadd.f32 v14, v14;
	v14 =	vperm.xlane v39, v16;
	v16 =	vperm.xlane v38, v16  }
0x15f: {  	v19 =	vsub.f32 v19, v26;
	v2 =	vadd.f32 v2, v2;
	v25 =	vmul.f32 v17, v6  }
0x160: {  	v50 =	vadd.f32 v14, v14;
	v14 =	vperm.xlane v38, v23;
	v49 =	vadd.f32 v16, v16;
	v16 =	vld [tilespmem:s29+$0x2000]  }
0x161: {  	v24 =	vsub.f32 v20, v24;
	v13 =	vadd.f32 v13, v13;
	v23 =	vmul.f32 v17, v3  }
0x162: {  	v28 =	vmul.f32 v17, v12;
	v51 =	vadd.f32 v14, v14;
	v14 =	vmul.f32 v17, v1  }
0x163: {  	v25 =	vsub.f32 v20, v25;
	v33 =	vmul.f32 v18, v4;
	v23 =	vsub.f32 v20, v23  }
0x164: {  	v28 =	vsub.f32 v20, v28;
	v27 =	vsub.f32 v20, v14;
	v14 =	vmul.f32 v17, v7  }
0x165: {  	v17 =	vmul.f32 v17, v13;
	v30 =	vsub.f32 v23, v30;
	v26 =	vmul.f32 v16, v51  }
0x166: {  	v28 =	vsub.f32 v28, v33;
	v23 =	vmul.f32 v16, v41;
	v33 =	vmul.f32 v16, v43  }
0x167: {  	v31 =	vsub.f32 v20, v14;
	v19 =	vsub.f32 v19, v26;
	v26 =	vmul.f32 v18, v21  }
0x168: {  	v17 =	vsub.f32 v20, v17;
	v20 =	vmul.f32 v18, v2;
	v18 =	vmul.f32 v18, v50  }
0x169: {  	v14 =	vmin.f32 v15, v19;
	v19 =	vsub.f32 v27, v29;
	v27 =	vsub.f32 v24, v26  }
0x16a: {  	v34 =	vmul.f32 v16, v44;
	v29 =	vsub.f32 v25, v32;
	v26 =	vsub.f32 v31, v20  }
0x16b: {  	v32 =	vmul.f32 v16, v42;
	v25 =	vsub.f32 v17, v18;
	v20 =	vimm.f32 $3.000000010e+38  }
0x16c: {  	v17 =	vimm.f32 $3.000000010e+38;
	v24 =	vimm.f32 $3.000000010e+38;
	v18 =	vimm.f32 $3.000000010e+38  }
0x16d: {  	s30 =	simm.s32 $0x10;
	s29 =	simm.s32 $0x80;
	v31 =	vsub.f32 v19, v23;
	v19 =	vimm.f32 $3.000000010e+38;
	v23 =	vimm.f32 $3.000000010e+38  }
.LBB2_10:
0x16e: {  	p0 =	sne.s32 s29, $0x3FC0;
	v54 =	vld [tilespmem:s30+$0x0];
	v30 =	vsub.f32 v30, v32;
	v32 =	vmul.f32 v16, v45;
	v55 =	vmul.f32 v16, v0  }
0x16f: {  	v16 =	vmul.f32 v16, v49;
	v56 =	vld [tilespmem:s30+$0x1000];
	v27 =	vsub.f32 v27, v33;
	v29 =	vsub.f32 v29, v34  }
0x170: {  	v15 =	vmin.f32 v15, v31;
	v33 =	vld [tilespmem:s30+$0x6000];
	v26 =	vsub.f32 v26, v32;
	v28 =	vsub.f32 v28, v55  }
0x171: {  	v19 =	vmin.f32 v19, v30;
	v25 =	vsub.f32 v25, v16;
	v20 =	vmin.f32 v20, v27  }
0x172: {  	v17 =	vmin.f32 v17, v29;
	v16 =	vld [tilespmem:s30+$0x2000];
	v23 =	vmin.f32 v23, v26;
	v24 =	vmin.f32 v24, v28  }
0x173: {  	v18 =	vmin.f32 v18, v25;
	v26 =	vmul.f32 v54, v1;
	v27 =	vmul.f32 v54, v53  }
0x174: {  	v25 =	vmul.f32 v54, v3;
	v28 =	vmul.f32 v54, v5  }
0x175: {  	v29 =	vmul.f32 v54, v6;
	v30 =	vmul.f32 v56, v52;
	v27 =	vsub.f32 v33, v27  }
0x176: {  	v31 =	vmul.f32 v54, v7;
	v32 =	vmul.f32 v54, v12;
	v26 =	vsub.f32 v33, v26  }
0x177: {  	v34 =	vmul.f32 v54, v13;
	v27 =	vsub.f32 v27, v30;
	v30 =	vmul.f32 v16, v51  }
0x178: {  	v54 =	vmul.f32 v56, v46;
	v25 =	vsub.f32 v33, v25;
	v28 =	vsub.f32 v33, v28  }
0x179: {  	v55 =	vmul.f32 v56, v47;
	v29 =	vsub.f32 v33, v29;
	v27 =	vsub.f32 v27, v30  }
0x17a: {  	v57 =	vmul.f32 v56, v21;
	v31 =	vsub.f32 v33, v31;
	v58 =	vsub.f32 v33, v32  }
0x17b: {  	v32 =	vmul.f32 v56, v48;
	v33 =	vsub.f32 v33, v34;
	v14 =	vmin.f32 v14, v27  }
.Ltmp4:
0x17c: {  	v34 =	vsub.f32 v26, v54;
	v26 =	vmul.f32 v56, v2;
	v54 =	vmul.f32 v56, v4;
	(pc) =	sbr.rel @p0 .LBB2_10-.Ltmp4, $4  }
0x17d: {  	v30 =	vsub.f32 v25, v55;
	v25 =	vmul.f32 v56, v50;
	v27 =	vsub.f32 v28, v57  }
0x17e: {  	v29 =	vsub.f32 v29, v32;
	v55 =	vmul.f32 v16, v41;
	v26 =	vsub.f32 v31, v26  }
0x17f: {  	v32 =	vmul.f32 v16, v42;
	v28 =	vsub.f32 v58, v54;
	v25 =	vsub.f32 v33, v25  }
0x180: {  	s30 =	sshra.s32 s29, $0x2;
	s29 =	sadd.s32 $0x40, s29;
	v31 =	vsub.f32 v34, v55;
	v33 =	vmul.f32 v16, v43;
	v34 =	vmul.f32 v16, v44  }
0x181: {  	v54 =	vld [tilespmem:s30+$0x0]  }
0x182: {  	v30 =	vsub.f32 v30, v32;
	v62 =	vmul.f32 v16, v45  }
0x183: {  	v55 =	vmul.f32 v16, v0;
	v16 =	vmul.f32 v16, v49;
	v27 =	vsub.f32 v27, v33  }
0x184: {  	v56 =	vld [tilespmem:s30+$0x1000];
	v29 =	vsub.f32 v29, v34;
	v15 =	vmin.f32 v15, v31;
	v26 =	vsub.f32 v26, v62  }
0x185: {  	v63 =	vld [tilespmem:s30+$0x6000];
	v28 =	vsub.f32 v28, v55;
	v19 =	vmin.f32 v19, v30;
	v16 =	vsub.f32 v25, v16  }
0x186: {  	v20 =	vmin.f32 v20, v27;
	v17 =	vmin.f32 v17, v29;
	v1 =	vmul.f32 v54, v1  }
0x187: {  	v25 =	vld [tilespmem:s30+$0x2000];
	v23 =	vmin.f32 v23, v26;
	v26 =	vmul.f32 v54, v53;
	v3 =	vmul.f32 v54, v3  }
0x188: {  	v24 =	vmin.f32 v24, v28;
	v5 =	vmul.f32 v54, v5;
	v6 =	vmul.f32 v54, v6  }
0x189: {  	v16 =	vmin.f32 v18, v16;
	v7 =	vmul.f32 v54, v7;
	v12 =	vmul.f32 v54, v12  }
0x18a: {  	v13 =	vmul.f32 v54, v13;
	v18 =	vsub.f32 v63, v26;
	v26 =	vmul.f32 v56, v52  }
0x18b: {  	v27 =	vmul.f32 v56, v46;
	v28 =	vmul.f32 v56, v47;
	v1 =	vsub.f32 v63, v1  }
0x18c: {  	v3 =	vsub.f32 v63, v3;
	v18 =	vsub.f32 v18, v26;
	v26 =	vmul.f32 v25, v51  }
0x18d: {  	v21 =	vmul.f32 v56, v21;
	v5 =	vsub.f32 v63, v5;
	v6 =	vsub.f32 v63, v6  }
0x18e: {  	v2 =	vmul.f32 v56, v2;
	v7 =	vsub.f32 v63, v7;
	v18 =	vsub.f32 v18, v26  }
0x18f: {  	v4 =	vmul.f32 v56, v4;
	v12 =	vsub.f32 v63, v12;
	v13 =	vsub.f32 v63, v13  }
0x190: {  	v1 =	vsub.f32 v1, v27;
	v14 =	vmin.f32 v14, v18;
	v18 =	vmul.f32 v25, v41  }
0x191: {  	v3 =	vsub.f32 v3, v28;
	v2 =	vsub.f32 v7, v2;
	v7 =	vmul.f32 v25, v42  }
0x192: {  	v0 =	vmul.f32 v25, v0;
	v5 =	vsub.f32 v5, v21;
	v1 =	vsub.f32 v1, v18  }
0x193: {  	v4 =	vsub.f32 v12, v4;
	v12 =	vmul.f32 v25, v43;
	v3 =	vsub.f32 v3, v7  }
0x194: {  	v21 =	vmul.f32 v56, v50;
	v26 =	vmul.f32 v56, v48;
	v1 =	vmin.f32 v15, v1  }
0x195: {  	v5 =	vsub.f32 v5, v12;
	v3 =	vmin.f32 v19, v3;
	v12 =	vperm.xlane v1, v8  }
0x196: {  	v7 =	vsub.f32 v13, v21;
	v13 =	vmul.f32 v25, v45;
	v15 =	vperm.xlane v3, v8  }
0x197: {  	v0 =	vsub.f32 v4, v0;
	v6 =	vsub.f32 v6, v26;
	v1 =	vmin.f32 v1, v12  }
0x198: {  	v5 =	vmin.f32 v20, v5;
	v3 =	vmin.f32 v3, v15;
	v4 =	vperm.xlane v1, v9  }
0x199: {  	v2 =	vsub.f32 v2, v13;
	v12 =	vperm.xlane v5, v8;
	v13 =	vperm.xlane v3, v9  }
0x19a: {  	v0 =	vmin.f32 v24, v0;
	v18 =	vmul.f32 v25, v44;
	v1 =	vmin.f32 v1, v4  }
0x19b: {  	v5 =	vmin.f32 v5, v12;
	v3 =	vmin.f32 v3, v13;
	v12 =	vperm.xlane v1, v10  }
0x19c: {  	v24 =	vimm.s32 $0xF;
	v4 =	vperm.xlane v5, v9;
	v13 =	vperm.xlane v3, v10  }
0x19d: {  	v19 =	vperm.xlane v39, v24;
	v6 =	vsub.f32 v6, v18;
	v46 =	vmin.f32 v1, v12  }
0x19e: {  	v4 =	vmin.f32 v5, v4;
	v43 =	vmin.f32 v3, v13;
	v3 =	vperm.xlane v46, v11  }
0x19f: {  	v18 =	vmul.f32 v25, v49;
	v6 =	vmin.f32 v17, v6;
	v1 =	vperm.xlane v4, v10  }
0x1a0: {  	v2 =	vmin.f32 v23, v2;
	v5 =	vperm.xlane v6, v8;
	[tilespmem:$0x1FE60] =	vst v3;
	v3 =	vperm.xlane v43, v11  }
0x1a1: {  	v7 =	vsub.f32 v7, v18;
	v42 =	vmin.f32 v4, v1;
	v4 =	vperm.xlane v2, v8  }
0x1a2: {  	v15 =	vimm.s32 $0xD;
	[tilespmem:$0x1FE70] =	vst v3;
	v3 =	vmin.f32 v6, v5;
	v6 =	vperm.xlane v42, v11  }
0x1a3: {  	v13 =	vperm.xlane v40, v15;
	v2 =	vmin.f32 v2, v4;
	v1 =	vperm.xlane v3, v9  }
0x1a4: {  	v5 =	vmin.f32 v16, v7;
	v7 =	vperm.xlane v2, v9;
	[tilespmem:$0x1FE80] =	vst v6;
	v6 =	vperm.xlane v0, v8  }
0x1a5: {  	v16 =	vimm.s32 $0xE;
	v1 =	vmin.f32 v3, v1;
	v3 =	vperm.xlane v5, v8  }
0x1a6: {  	v18 =	vperm.xlane v38, v16;
	v4 =	vperm.xlane v1, v10;
	v0 =	vmin.f32 v0, v6  }
0x1a7: {  	v6 =	vperm.xlane v0, v9;
	v3 =	vmin.f32 v5, v3;
	v5 =	vperm.xlane v14, v8  }
0x1a8: {  	v50 =	vmin.f32 v1, v4;
	v1 =	vmin.f32 v2, v7;
	v2 =	vperm.xlane v3, v9  }
0x1a9: {  	v4 =	vperm.xlane v1, v10;
	v0 =	vmin.f32 v0, v6;
	v55 =	vperm.xlane v50, v11  }
0x1aa: {  	v5 =	vmin.f32 v14, v5;
	v14 =	vperm.xlane v39, v15;
	v15 =	vperm.xlane v38, v15  }
0x1ab: {  	v6 =	vperm.xlane v0, v10;
	v2 =	vmin.f32 v3, v2;
	v3 =	vperm.xlane v5, v9  }
0x1ac: {  	v52 =	vmin.f32 v1, v4;
	v1 =	vperm.xlane v2, v10;
	v61 =	vadd.f32 v15, v15  }
0x1ad: {  	v15 =	vperm.xlane v40, v24;
	v4 =	vperm.xlane v52, v11;
	v51 =	vmin.f32 v0, v6  }
0x1ae: {  	v0 =	vmin.f32 v5, v3;
	v3 =	vperm.xlane v51, v11;
	v45 =	vmin.f32 v2, v1  }
0x1af: {  	v5 =	vimm.s32 $0x9;
	v6 =	vimm.s32 $0xB;
	[tilespmem:$0x1FE90] =	vst v4;
	v2 =	vperm.xlane v45, v11  }
0x1b0: {  	v1 =	vperm.xlane v0, v10;
	v7 =	vperm.xlane v39, v6;
	[tilespmem:$0x1FEA0] =	vst v3;
	v3 =	vimm.s32 $0x8  }
0x1b1: {  	s29 =	simm.s32 $0x0;
	v4 =	vperm.xlane v39, v5;
	[tilespmem:$0x1FEB0] =	vst v2;
	v2 =	vperm.xlane v40, v3  }
0x1b2: {  	v20 =	vld [tilespmem:s29+$0x1000];
	v41 =	vmin.f32 v0, v1;
	v0 =	vperm.xlane v39, v3;
	v3 =	vperm.xlane v38, v3  }
0x1b3: {  	v63 =	vadd.f32 v4, v4;
	v1 =	vadd.f32 v2, v2;
	v2 =	vperm.xlane v40, v5  }
0x1b4: {  	v4 =	vimm.s32 $0xA;
	v62 =	vadd.f32 v0, v0;
	v0 =	vperm.xlane v38, v5  }
0x1b5: {  	v17 =	vld [tilespmem:s29+$0x0];
	v57 =	vadd.f32 v3, v3;
	v3 =	vadd.f32 v2, v2;
	v2 =	vperm.xlane v40, v4  }
0x1b6: {  	v56 =	vadd.f32 v0, v0;
	v0 =	vperm.xlane v39, v4;
	v4 =	vperm.xlane v38, v4  }
0x1b7: {  	v23 =	vld [tilespmem:s29+$0x6000];
	v48 =	vmul.f32 v20, v63;
	v36 =	vmul.f32 v20, v62;
	v5 =	vadd.f32 v2, v2  }
0x1b8: {  	v2 =	vperm.xlane v40, v6;
	v21 =	vadd.f32 v0, v0;
	v58 =	vadd.f32 v4, v4  }
0x1b9: {  	v4 =	vperm.xlane v38, v6;
	v0 =	vadd.f32 v7, v7;
	v7 =	vimm.s32 $0xC  }
0x1ba: {  	v26 =	vmul.f32 v17, v3;
	v12 =	vperm.xlane v38, v7  }
0x1bb: {  	v6 =	vadd.f32 v2, v2;
	v2 =	vperm.xlane v40, v7;
	v60 =	vadd.f32 v4, v4  }
0x1bc: {  	v4 =	vperm.xlane v39, v7;
	v27 =	vmul.f32 v17, v5;
	v26 =	vsub.f32 v23, v26  }
0x1bd: {  	v53 =	vmul.f32 v20, v0;
	v59 =	vadd.f32 v12, v12;
	v12 =	vadd.f32 v13, v13  }
0x1be: {  	v13 =	vperm.xlane v40, v16;
	v7 =	vadd.f32 v2, v2;
	v2 =	vadd.f32 v4, v4  }
0x1bf: {  	v4 =	vadd.f32 v14, v14;
	v14 =	vperm.xlane v39, v16;
	v16 =	vadd.f32 v15, v15  }
0x1c0: {  	v39 =	vadd.f32 v18, v18;
	v15 =	vadd.f32 v19, v19;
	v18 =	vimm.f32 $3.000000010e+38  }
0x1c1: {  	v28 =	vmul.f32 v17, v6;
	v27 =	vsub.f32 v23, v27;
	v33 =	vsub.f32 v26, v48  }
0x1c2: {  	v31 =	vmul.f32 v17, v12;
	v40 =	vadd.f32 v14, v14;
	v14 =	vperm.xlane v38, v24  }
0x1c3: {  	v19 =	vld [tilespmem:s29+$0x2000];
	v13 =	vadd.f32 v13, v13;
	v38 =	vperm.xlane v41, v11;
	v24 =	vmul.f32 v17, v1  }
0x1c4: {  	v25 =	vmul.f32 v17, v16;
	v29 =	vmul.f32 v20, v15;
	v28 =	vsub.f32 v23, v28  }
0x1c5: {  	v30 =	vmul.f32 v17, v7;
	v31 =	vsub.f32 v23, v31;
	v14 =	vadd.f32 v14, v14  }
0x1c6: {  	v17 =	vmul.f32 v17, v13;
	v25 =	vsub.f32 v23, v25;
	v24 =	vsub.f32 v23, v24  }
0x1c7: {  	v54 =	vmul.f32 v20, v4;
	v49 =	vsub.f32 v23, v30;
	v32 =	vsub.f32 v28, v53  }
0x1c8: {  	v23 =	vsub.f32 v23, v17;
	v25 =	vsub.f32 v25, v29;
	v29 =	vmul.f32 v19, v14  }
0x1c9: {  	v26 =	vmul.f32 v19, v57;
	v34 =	vmul.f32 v19, v56;
	v24 =	vsub.f32 v24, v36  }
0x1ca: {  	v31 =	vsub.f32 v31, v54;
	v48 =	vmul.f32 v19, v58;
	v25 =	vsub.f32 v25, v29  }
0x1cb: {  	v47 =	vmul.f32 v19, v60;
	v29 =	vmul.f32 v20, v21;
	v44 =	vsub.f32 v24, v26  }
0x1cc: {  	v17 =	vmin.f32 v18, v25;
	v25 =	vmul.f32 v20, v2;
	v20 =	vmul.f32 v20, v40  }
0x1cd: {  	v26 =	vimm.f32 $3.000000010e+38;
	v24 =	vimm.f32 $3.000000010e+38;
	v30 =	vsub.f32 v27, v29  }
0x1ce: {  	v27 =	vimm.f32 $3.000000010e+38;
	v29 =	vsub.f32 v49, v25;
	v28 =	vsub.f32 v23, v20  }
0x1cf: {  	s30 =	simm.s32 $0x10;
	s29 =	simm.s32 $0x80;
	v23 =	vimm.f32 $3.000000010e+38;
	v25 =	vimm.f32 $3.000000010e+38;
	v20 =	vimm.f32 $3.000000010e+38  }
.LBB2_12:
0x1d0: {  	p0 =	sne.s32 s29, $0x3FC0;
	v49 =	vld [tilespmem:s30+$0x0];
	v33 =	vsub.f32 v33, v34;
	v34 =	vmul.f32 v19, v59;
	v35 =	vmul.f32 v19, v61  }
0x1d1: {  	v19 =	vmul.f32 v19, v39;
	v53 =	vld [tilespmem:s30+$0x1000];
	v30 =	vsub.f32 v30, v48;
	v32 =	vsub.f32 v32, v47  }
0x1d2: {  	v18 =	vmin.f32 v18, v44;
	v47 =	vld [tilespmem:s30+$0x6000];
	v29 =	vsub.f32 v29, v34;
	v31 =	vsub.f32 v31, v35  }
0x1d3: {  	v26 =	vmin.f32 v26, v33;
	v28 =	vsub.f32 v28, v19;
	v27 =	vmin.f32 v27, v30  }
0x1d4: {  	v23 =	vmin.f32 v23, v32;
	v19 =	vld [tilespmem:s30+$0x2000];
	v24 =	vmin.f32 v24, v29;
	v25 =	vmin.f32 v25, v31  }
0x1d5: {  	v20 =	vmin.f32 v20, v28;
	v29 =	vmul.f32 v49, v1;
	v30 =	vmul.f32 v49, v16  }
0x1d6: {  	v28 =	vmul.f32 v49, v3;
	v31 =	vmul.f32 v49, v5  }
0x1d7: {  	v32 =	vmul.f32 v49, v6;
	v33 =	vmul.f32 v53, v15;
	v30 =	vsub.f32 v47, v30  }
0x1d8: {  	v34 =	vmul.f32 v49, v7;
	v35 =	vmul.f32 v49, v12;
	v29 =	vsub.f32 v47, v29  }
0x1d9: {  	v44 =	vmul.f32 v49, v13;
	v30 =	vsub.f32 v30, v33;
	v33 =	vmul.f32 v19, v14  }
0x1da: {  	v48 =	vmul.f32 v53, v62;
	v28 =	vsub.f32 v47, v28;
	v31 =	vsub.f32 v47, v31  }
0x1db: {  	v49 =	vmul.f32 v53, v63;
	v32 =	vsub.f32 v47, v32;
	v30 =	vsub.f32 v30, v33  }
0x1dc: {  	v54 =	vmul.f32 v53, v21;
	v34 =	vsub.f32 v47, v34;
	v35 =	vsub.f32 v47, v35  }
0x1dd: {  	v36 =	vmul.f32 v53, v0;
	v44 =	vsub.f32 v47, v44;
	v17 =	vmin.f32 v17, v30  }
.Ltmp5:
0x1de: {  	v47 =	vsub.f32 v29, v48;
	v29 =	vmul.f32 v53, v2;
	v48 =	vmul.f32 v53, v4;
	(pc) =	sbr.rel @p0 .LBB2_12-.Ltmp5, $4  }
0x1df: {  	v33 =	vsub.f32 v28, v49;
	v28 =	vmul.f32 v53, v40;
	v30 =	vsub.f32 v31, v54  }
0x1e0: {  	v32 =	vsub.f32 v32, v36;
	v49 =	vmul.f32 v19, v57;
	v29 =	vsub.f32 v34, v29  }
0x1e1: {  	v34 =	vmul.f32 v19, v56;
	v31 =	vsub.f32 v35, v48;
	v28 =	vsub.f32 v44, v28  }
0x1e2: {  	s30 =	sshra.s32 s29, $0x2;
	s29 =	sadd.s32 $0x40, s29;
	v44 =	vsub.f32 v47, v49;
	v48 =	vmul.f32 v19, v58;
	v47 =	vmul.f32 v19, v60  }
0x1e3: {  	v35 =	vld [tilespmem:s30+$0x0];
	_ =	sdelay $0x3  }
0x1e4: {  	v36 =	vld [tilespmem:s30+$0x1000]  }
0x1e5: {  	v33 =	vsub.f32 v33, v34;
	v34 =	vld [tilespmem:s30+$0x6000];
	v16 =	vmul.f32 v35, v16  }
0x1e6: {  	v1 =	vmul.f32 v35, v1;
	v3 =	vmul.f32 v35, v3  }
0x1e7: {  	v18 =	vmin.f32 v18, v44;
	v44 =	vld [tilespmem:s30+$0x2000];
	v5 =	vmul.f32 v35, v5;
	v6 =	vmul.f32 v35, v6  }
0x1e8: {  	v7 =	vmul.f32 v35, v7;
	v12 =	vmul.f32 v35, v12  }
0x1e9: {  	v13 =	vmul.f32 v35, v13;
	v35 =	vmul.f32 v36, v62  }
0x1ea: {  	v0 =	vmul.f32 v36, v0;
	v1 =	vsub.f32 v34, v1;
	v6 =	vsub.f32 v34, v6  }
0x1eb: {  	v2 =	vmul.f32 v36, v2;
	v7 =	vsub.f32 v34, v7  }
0x1ec: {  	v1 =	vsub.f32 v1, v35;
	v0 =	vsub.f32 v6, v0;
	v6 =	vmul.f32 v44, v57  }
0x1ed: {  	v2 =	vsub.f32 v7, v2;
	v7 =	vld [tilespmem:$0x1FE60]  }
0x1ee: {  	v1 =	vsub.f32 v1, v6;
	v6 =	vld [tilespmem:$0x1FEC0];
	_ =	sdelay $0x3  }
0x1ef: {  	v49 =	vmul.f32 v19, v59;
	v54 =	vmul.f32 v19, v39;
	v7 =	vmin.f32 v46, v7  }
0x1f0: {  	v53 =	vmul.f32 v19, v61;
	v6 =	vmul.f32 v6, v7;
	v7 =	vld [tilespmem:$0x1FE70]  }
0x1f1: {  	v19 =	vsub.f32 v28, v54;
	v54 =	vmul.f32 v44, v56;
	v56 =	vmul.f32 v44, v58;
	v58 =	vld [tilespmem:$0x1FED0];
	_ =	sdelay $0x3  }
0x1f2: {  	v7 =	vmin.f32 v43, v7  }
0x1f3: {  	v6 =	vadd.f32 $0.0e+00, v6;
	v7 =	vmul.f32 v58, v7  }
0x1f4: {  	v57 =	vmul.f32 v44, v60;
	v60 =	vld [tilespmem:$0x1FE80]  }
0x1f5: {  	v6 =	vadd.f32 v7, v6;
	v7 =	vld [tilespmem:$0x1FEE0];
	_ =	sdelay $0x1  }
0x1f6: {  	v29 =	vsub.f32 v29, v49;
	v49 =	vmul.f32 v36, v40;
	v13 =	vsub.f32 v34, v13;
	_ =	sdelay $0x1  }
0x1f7: {  	v31 =	vsub.f32 v31, v53;
	v53 =	vsub.f32 v13, v49;
	v13 =	vmin.f32 v42, v60  }
0x1f8: {  	v7 =	vmul.f32 v7, v13;
	_ =	sdelay $0x1  }
0x1f9: {  	v6 =	vadd.f32 v7, v6;
	v7 =	vld [tilespmem:$0x1FEF0];
	_ =	sdelay $0x3  }
0x1fa: {  	v30 =	vsub.f32 v30, v48;
	v62 =	vmin.f32 v50, v55  }
0x1fb: {  	v7 =	vmul.f32 v7, v62  }
0x1fc: {  	v27 =	vmin.f32 v27, v30;
	v30 =	vld [tilespmem:$0x1FE90]  }
0x1fd: {  	v6 =	vadd.f32 v7, v6;
	v7 =	vld [tilespmem:$0x1FF00];
	_ =	sdelay $0x3  }
0x1fe: {  	v13 =	vmin.f32 v52, v30  }
0x1ff: {  	v7 =	vmul.f32 v7, v13  }
0x200: {  	v25 =	vmin.f32 v25, v31;
	v31 =	vld [tilespmem:$0x1FEA0]  }
0x201: {  	v6 =	vadd.f32 v7, v6;
	v7 =	vld [tilespmem:$0x1FF10];
	_ =	sdelay $0x2  }
0x202: {  	v32 =	vsub.f32 v32, v47  }
0x203: {  	v38 =	vmin.f32 v41, v38;
	v26 =	vmin.f32 v26, v33;
	v13 =	vmin.f32 v51, v31  }
0x204: {  	v23 =	vmin.f32 v23, v32;
	v24 =	vmin.f32 v24, v29;
	v7 =	vmul.f32 v7, v13  }
0x205: {  	v15 =	vmul.f32 v36, v15;
	v47 =	vmul.f32 v36, v63;
	v16 =	vsub.f32 v34, v16  }
0x206: {  	v48 =	vmul.f32 v36, v21;
	v3 =	vsub.f32 v34, v3;
	v6 =	vadd.f32 v7, v6;
	v7 =	vld [tilespmem:$0x1FEB0]  }
0x207: {  	v5 =	vsub.f32 v34, v5;
	v12 =	vsub.f32 v34, v12;
	v34 =	vld [tilespmem:$0x1FF20];
	v1 =	vmin.f32 v18, v1  }
0x208: {  	v14 =	vmul.f32 v44, v14;
	v3 =	vsub.f32 v3, v47;
	v32 =	vperm.xlane v1, v8  }
0x209: {  	v63 =	vmul.f32 v44, v59;
	v28 =	vmul.f32 v44, v61;
	v15 =	vsub.f32 v16, v15  }
0x20a: {  	v5 =	vsub.f32 v5, v48;
	v3 =	vsub.f32 v3, v54;
	v1 =	vmin.f32 v1, v32  }
0x20b: {  	v14 =	vsub.f32 v15, v14;
	v15 =	vperm.xlane v1, v9;
	v7 =	vmin.f32 v45, v7  }
0x20c: {  	v5 =	vsub.f32 v5, v56;
	v3 =	vmin.f32 v26, v3;
	v7 =	vmul.f32 v34, v7  }
0x20d: {  	v40 =	vld [tilespmem:$0x1FF30];
	v29 =	vmul.f32 v44, v39;
	v33 =	vperm.xlane v3, v8;
	v1 =	vmin.f32 v1, v15  }
0x20e: {  	v5 =	vmin.f32 v27, v5;
	v6 =	vadd.f32 v7, v6;
	v7 =	vperm.xlane v1, v10  }
0x20f: {  	v44 =	vld [tilespmem:$0x1FF40];
	v0 =	vsub.f32 v0, v57;
	v35 =	vperm.xlane v5, v8;
	v3 =	vmin.f32 v3, v33  }
0x210: {  	v4 =	vmul.f32 v36, v4;
	v36 =	vperm.xlane v3, v9;
	v1 =	vmin.f32 v1, v7  }
0x211: {  	v0 =	vmin.f32 v23, v0;
	v5 =	vmin.f32 v5, v35;
	v41 =	vperm.xlane v1, v11  }
0x212: {  	v39 =	vperm.xlane v5, v9;
	v3 =	vmin.f32 v3, v36;
	v13 =	vmul.f32 v40, v38  }
0x213: {  	v42 =	vperm.xlane v0, v8;
	v7 =	vperm.xlane v3, v10;
	v1 =	vmin.f32 v1, v41  }
0x214: {  	v5 =	vmin.f32 v5, v39;
	v6 =	vadd.f32 v13, v6;
	v1 =	vmul.f32 v44, v1  }
0x215: {  	v4 =	vsub.f32 v12, v4;
	v3 =	vmin.f32 v3, v7;
	v7 =	vperm.xlane v5, v10  }
0x216: {  	v2 =	vsub.f32 v2, v63;
	v0 =	vmin.f32 v0, v42;
	v1 =	vadd.f32 v1, v6;
	v6 =	vld [tilespmem:$0x1FF50]  }
0x217: {  	v4 =	vsub.f32 v4, v28;
	v5 =	vmin.f32 v5, v7;
	v7 =	vperm.xlane v0, v9  }
0x218: {  	v2 =	vmin.f32 v24, v2;
	v43 =	vperm.xlane v3, v11  }
0x219: {  	v4 =	vmin.f32 v25, v4;
	v0 =	vmin.f32 v0, v7;
	v7 =	vperm.xlane v2, v8  }
0x21a: {  	v46 =	vld [tilespmem:$0x1FF60];
	v47 =	vperm.xlane v4, v8;
	v3 =	vmin.f32 v3, v43  }
0x21b: {  	v2 =	vmin.f32 v2, v7;
	v3 =	vmul.f32 v6, v3;
	v6 =	vperm.xlane v0, v10  }
0x21c: {  	v16 =	vmin.f32 v20, v19;
	v45 =	vperm.xlane v5, v11;
	v48 =	vperm.xlane v2, v9  }
0x21d: {  	v12 =	vsub.f32 v53, v29;
	v49 =	vmin.f32 v4, v47;
	v0 =	vmin.f32 v0, v6  }
0x21e: {  	v5 =	vmin.f32 v5, v45;
	v2 =	vmin.f32 v2, v48;
	v7 =	vperm.xlane v0, v11  }
0x21f: {  	v1 =	vadd.f32 v3, v1;
	v3 =	vmul.f32 v46, v5;
	v5 =	vperm.xlane v49, v9  }
0x220: {  	v51 =	vld [tilespmem:$0x1FF70];
	v6 =	vmin.f32 v16, v12;
	v0 =	vmin.f32 v0, v7;
	v7 =	vperm.xlane v2, v10  }
0x221: {  	v50 =	vperm.xlane v6, v8;
	v1 =	vadd.f32 v3, v1;
	v3 =	vmin.f32 v49, v5  }
0x222: {  	v14 =	vmin.f32 v17, v14;
	v2 =	vmin.f32 v2, v7;
	v7 =	vperm.xlane v3, v10  }
0x223: {  	v4 =	vmin.f32 v6, v50;
	v6 =	vperm.xlane v14, v8  }
0x224: {  	v52 =	vperm.xlane v4, v9;
	v55 =	vmin.f32 v3, v7;
	v7 =	vld [tilespmem:$0x1FF80]  }
0x225: {  	v0 =	vmul.f32 v51, v0;
	v6 =	vmin.f32 v14, v6  }
0x226: {  	v59 =	vld [tilespmem:$0x1FF90];
	v53 =	vperm.xlane v2, v11;
	v4 =	vmin.f32 v4, v52;
	v54 =	vperm.xlane v6, v9  }
0x227: {  	v0 =	vadd.f32 v0, v1;
	v56 =	vperm.xlane v4, v10  }
0x228: {  	v2 =	vmin.f32 v2, v53;
	v5 =	vmin.f32 v6, v54;
	v6 =	vperm.xlane v55, v11  }
0x229: {  	v3 =	vmin.f32 v4, v56;
	v57 =	vperm.xlane v5, v10;
	v2 =	vmul.f32 v7, v2  }
0x22a: {  	v63 =	vld [tilespmem:$0x1FFF0];
	v1 =	vmin.f32 v55, v6;
	v6 =	vperm.xlane v3, v11  }
0x22b: {  	v58 =	vmin.f32 v5, v57;
	v1 =	vmul.f32 v59, v1;
	v0 =	vadd.f32 v2, v0  }
0x22c: {  	v3 =	vmin.f32 v3, v6;
	v60 =	vperm.xlane v58, v11  }
0x22d: {  	v61 =	vmul.f32 v37, v3;
	v0 =	vadd.f32 v1, v0  }
0x22e: {  	v62 =	vld [tilespmem:s26+$0x7000];
	v2 =	vmin.f32 v58, v60  }
0x22f: {  	v1 =	vmul.f32 v63, v2;
	v0 =	vadd.f32 v61, v0  }
0x230: {  	s28 =	sadd.s32 $0x1, s28  }
0x231: {  	p0 =	sne.s32 s28, $0x20;
	v0 =	vadd.f32 v1, v0  }
.Ltmp6:
0x232: {  	_ = 	snop;
	(pc) =	sbr.rel @p0 .LBB2_9-.Ltmp6, $3  }
0x233: {  	v0 =	vadd.f32 v0, v62;
	_ =	sdelay $0x1  }
0x234: {  	v0 =	vmax.f32 v0, $0.0e+00  }
0x235: {  	v22 =	vadd.f32 v0, v22  }
0x236: {  	s25 =	sadd.s32 $0x1, s25  }
0x237: {  	p0 =	sne.s32 s25, s16  }
.Ltmp7:
0x238: {  	[tilespmem:$0x8000] =	vst v22;
	(pc) =	sbr.rel @p0 .LBB2_1-.Ltmp7, $4  }
0x239: {  	[hbm4b:s15+s1] =	stream.linear.scatter [tilespmem:s24], [sflag:$0x1], $0x80, $0x38;
	[tilespmem:$0x8080] =	vst v63  }
0x23a: {  	_ =	swait.ge [sflag:s17], $0x80  }
0x23b: {  	[sflag:s17] =	ssyncset.done $0x0  }
0x23c: {  	[sflag:s17] =	ssyncadd.s32 $0xFFFFFF80  }
0x23d: {  	_ =	sfence.sel $0x180000  }
0x23e: {  	[bflag:$0x0] =	sbarrier.arrive $0xFFFF  }
0x23f: {  	p0 =	sne.s32 s2, $0x0;
	_ =	strace $0x90000047  }
0x240: {  	s0 =	sadd.s32 @!p0 $0x100000, s0;
	[bflag:$0x2] =	sbarrier.arrive $0xFFFF  }
0x241: {  	[sflag:s0] =	ssyncadd.tile.s32 @!p0 $0x1;
	_ =	shalt  }
.Lfunc_end2:
_tile_overlayer_lowered:
.L_overlay_start_2:
0x242: {  	(tag) =	ssettag $0x2  }
0x243: {  	s0 =	rddreg [dreg:$0x0];
	s2 =	stileid.u32  }
0x244: {  	s1 =	rddreg [dreg:$0x1];
	p0 =	sne.s32 s2, $0x0  }
0x245: {  	s3 =	rddreg [dreg:$0x2];
	[bflag:$0x3] =	sbarrier.arrive $0xFFFF;
	s2 =	simm.s32 @!p0 $0x1C01  }
0x246: {  	[timem:s3], [sflag:s2] =	dma.local @!p0 [hbm:s0], s1  }
0x247: {  	s0 =	simm.s32 @!p0 $0x1  }
0x248: {  	_ =	swait.ge @!p0 [sflag:s0], s1  }
0x249: {  	s1 =	ssub.s32 @!p0 $0x0, s1;
	[sflag:s0] =	ssyncset.done @!p0 $0x0  }
0x24a: {  	[sflag:s0] =	ssyncadd.s32 @!p0 s1  }
0x24b: {  	[bflag:$0x3] =	sbarrier.arrive $0xFFFF  }
0x24c: {  	_ =	shalt  }

</sc_bundles>
